<compile_context>
chip_gen: v7x
topology: tpu7x:2x2x1
jax: 0.10.2.dev20260603
libtpu: 0.0.44.dev20260713+nightly
codegen_flags: <defaults>
</compile_context>

<pallas_src>
import functools

import jax
import jax.numpy as jnp
from jax import lax
from jax.experimental import pallas as pl
from jax.experimental.pallas import tpu as pltpu
from jax.experimental.pallas import tpu_sc as plsc

_T = 0.0025
_M = 1.0
_K = 16
_N = 1024
_BIG = 1.0e9

_NC = 2
_NS = 16
_NW = _NC * _NS
_RPW = _N // _NW
_L = 16
_NCHAIN = 4
_CPC = _N // _L // _NCHAIN
_NSEL = _RPW * _L


def _prep_kernel(yi_ref, yit_ref, gm_ref, c_ref, e2_ref):
    yi = yi_ref[...]
    yit = yit_ref[...]
    yi_n = yi / jnp.sqrt(jnp.sum(yi * yi, axis=1, keepdims=True) + 1e-12)
    yit_n = yit / jnp.sqrt(jnp.sum(yit * yit, axis=1, keepdims=True) + 1e-12)

    dims = (((1,), (1,)), ((), ()))
    g = jax.lax.dot_general(yi_n, yi_n, dims, preferred_element_type=jnp.float32)
    c = jax.lax.dot_general(yit_n, yi_n, dims, preferred_element_type=jnp.float32)

    row_iota = jax.lax.broadcasted_iota(jnp.int32, (_N, _N), 0)
    col_iota = jax.lax.broadcasted_iota(jnp.int32, (_N, _N), 1)
    gm = jnp.where(row_iota == col_iota, _BIG, -g)
    gm_ref[...] = gm
    c_ref[...] = c

    gmin = jnp.min(gm, axis=1)
    d1 = 0.5 * jnp.sqrt(jnp.maximum(2.0 + 2.0 * gmin, 0.0) + 1e-12)
    diff = yi_n - yit_n
    dd = 0.5 * jnp.sqrt(jnp.sum(diff * diff, axis=1) + 1e-12)
    out2 = dd + _M - d1
    e2 = jnp.sum(jnp.where(out2 > 0, out2, 0.0))
    e2_ref[...] = jnp.reshape(e2, (1, 1))


def _half_sqrt(x):
    i = plsc.bitcast(x, jnp.int32)
    i = 0x5F3759DF - jax.lax.shift_right_logical(i, 1)
    r = plsc.bitcast(i, jnp.float32)
    for _ in range(3):
        r = r * (1.5 - 0.5 * x * r * r)
    return 0.5 * x * r


def _sc_body(gm_hbm, c_hbm, out_hbm, abuf, cbuf, obuf, sem):
    c_id = lax.axis_index("c")
    s_id = lax.axis_index("s")
    wid = s_id * _NC + c_id
    base = wid * _RPW

    cp_c = pltpu.async_copy(c_hbm.at[pl.ds(base, _RPW)], cbuf, sem)
    pltpu.sync_copy(gm_hbm.at[pl.ds(base, _RPW)], abuf)

    lane_iota = jax.lax.iota(jnp.int32, _L)

    def select_row(r):
        bests = []
        bestis = []
        for ch in range(_NCHAIN):
            v = abuf[r, pl.ds(ch * _L, _L)]
            iv = lane_iota + (ch * _L)
            bk, bv = plsc.sort_key_val(v, iv, descending=False)
            bests.append(bk)
            bestis.append(bv)
        for t in range(1, _CPC):
            for ch in range(_NCHAIN):
                off = (t * _NCHAIN + ch) * _L
                v = abuf[r, pl.ds(off, _L)]
                iv = lane_iota + off
                dk, dv = plsc.sort_key_val(v, iv, descending=True)
                take = dk < bests[ch]
                nb = jnp.where(take, dk, bests[ch])
                ni = jnp.where(take, dv, bestis[ch])
                bests[ch], bestis[ch] = plsc.sort_key_val(nb, ni, descending=False)

        def merge(bk0, bi0, bk1, bi1):
            rk = lax.rev(bk1, (0,))
            ri = lax.rev(bi1, (0,))
            take = rk < bk0
            return jnp.where(take, rk, bk0), jnp.where(take, ri, bi0)

        mk0, mi0 = merge(bests[0], bestis[0], bests[1], bestis[1])
        mk0, mi0 = plsc.sort_key_val(mk0, mi0, descending=False)
        mk1, mi1 = merge(bests[2], bestis[2], bests[3], bestis[3])
        mk1, mi1 = plsc.sort_key_val(mk1, mi1, descending=False)
        fk, fi = merge(mk0, mi0, mk1, mi1)

        dsel = _half_sqrt(jnp.maximum(2.0 + 2.0 * fk, 0.0) + 1e-12)
        rvec = jnp.full((_L,), r, dtype=jnp.int32)
        cg = plsc.load_gather(cbuf, [rvec, fi])
        dc = _half_sqrt(jnp.maximum(2.0 - 2.0 * cg, 0.0) + 1e-12)
        df = dsel - dc
        term = df * df - _T
        return jnp.where(term > 0.0, term, 0.0)

    def row_body(r, vacc):
        return vacc + select_row(r)

    cp_c.wait()
    vacc = lax.fori_loop(0, _RPW, row_body, jnp.zeros((_L,), jnp.float32))
    obuf[...] = vacc
    pltpu.sync_copy(obuf, out_hbm.at[wid])


_sc_select = functools.partial(
    pl.kernel,
    out_type=jax.ShapeDtypeStruct((_NW, _L), jnp.float32),
    mesh=plsc.VectorSubcoreMesh(core_axis_name="c", subcore_axis_name="s"),
    compiler_params=pltpu.CompilerParams(
        needs_layout_passes=False, use_tc_tiling_on_sc=True),
    scratch_types=[
        pltpu.VMEM((_RPW, _N), jnp.float32),
        pltpu.VMEM((_RPW, _N), jnp.float32),
        pltpu.VMEM((_L,), jnp.float32),
        pltpu.SemaphoreType.DMA,
    ],
)(_sc_body)


@jax.jit
def kernel(yi, yi_t):
    gm, c, e2 = pl.pallas_call(
        _prep_kernel,
        out_shape=[
            jax.ShapeDtypeStruct((_N, _N), jnp.float32),
            jax.ShapeDtypeStruct((_N, _N), jnp.float32),
            jax.ShapeDtypeStruct((1, 1), jnp.float32),
        ],
    )(yi, yi_t)
    partials = _sc_select(gm, c)
    e1 = jnp.sum(partials)
    e2s = e2[0, 0]
    return (e1 + e2s, e1, e2s)

# --- scband reference (transcript-rebuilt; emitter-appended) ---
"""Pipeline reference for scband-blcd-loss-61959198212393 (READ-ONLY COPY).

The authoritative reference and input builder live on the scoring server;
editing this copy changes nothing except your own understanding.
"""

import jax, jax.numpy as jnp
import numpy as np

T = 0.0025
M = 1.0
K = 16


def setup_inputs(seed: int = 0) -> dict:
    key = jax.random.key(seed)
    k1, k2 = jax.random.split(key)
    yi = jax.random.normal(k1, (1024, 128), dtype=jnp.float32)
    yi_t = jax.random.normal(k2, (1024, 128), dtype=jnp.float32)
    return {"yi": yi, "yi_t": yi_t}


def reference(yi, yi_t):
    # L2-normalize yi for pairwise distance computation
    yi_l2 = yi / jnp.sqrt(jnp.sum(yi ** 2, axis=-1) + 1e-12)[..., None]
    # Full pairwise difference tensor [N, N, d] (faithful to torch broadcast)
    yii_l2 = yi_l2[:, None, :] - yi_l2[None, :, :]
    dis_yii_l2 = jnp.sqrt(jnp.sum(yii_l2 ** 2, axis=-1) + 1e-12)
    # smallest K+1 distances per row (torch.topk largest=False, sorted ascending)
    neg_vals, topk_index_yi = jax.lax.top_k(-dis_yii_l2, K + 1)
    # normalize yi and yi_t (as in original forward)
    yi_n = yi / jnp.sqrt(jnp.sum(yi ** 2, axis=-1) + 1e-12)[..., None]
    yi_t_n = yi_t / jnp.sqrt(jnp.sum(yi_t ** 2, axis=-1) + 1e-12)[..., None]
    # gather K nearest neighbors (excluding self at index 0)
    yj = yi_n[topk_index_yi[:, 1:]]        # [N, K, d]
    yij = yi_n[topk_index_yi[:, 1]]        # [N, d] (nearest non-self neighbor)
    dis_yij = 0.5 * jnp.sqrt(jnp.sum((yi_n[:, None, :] - yj) ** 2, axis=-1) + 1e-12)
    dis_yi_tj = 0.5 * jnp.sqrt(jnp.sum((yi_t_n[:, None, :] - yj) ** 2, axis=-1) + 1e-12)
    out1 = (dis_yij - dis_yi_tj) ** 2 - T
    e1 = jnp.sum(jnp.where(out1 > 0, out1, jnp.zeros_like(out1)))
    dis_yi_yi_t = 0.5 * jnp.sqrt(jnp.sum((yi_n - yi_t_n) ** 2, axis=-1) + 1e-12)
    dis_yi_yij = 0.5 * jnp.sqrt(jnp.sum((yi_n - yij) ** 2, axis=-1) + 1e-12)
    out2 = dis_yi_yi_t + M - dis_yi_yij
    e2 = jnp.sum(jnp.where(out2 > 0, out2, jnp.zeros_like(out2)))
    return (e1 + e2, e1, e2)

if __name__ == "__main__":
    import jax
    _d = setup_inputs()
    print(jax.jit(kernel)(*tuple(_d.values())))

</pallas_src>

<mosaic_0001>
#map = affine_map<(d0, d1) -> (0, 0)>
module attributes {stable_mosaic.version = 14 : i64} {
  func.func @_sc_body(%arg0: i32, %arg1: i32, %arg2: memref<1024x1024xf32, #tpu.memory_space<hbm>>, %arg3: memref<1024x1024xf32, #tpu.memory_space<hbm>>, %arg4: memref<32x16xf32, #tpu.memory_space<hbm>>, %arg5: memref<32x1024xf32, #tpu.memory_space<vmem>>, %arg6: memref<32x1024xf32, #tpu.memory_space<vmem>>, %arg7: memref<16xf32, #tpu.memory_space<vmem>>, %arg8: memref<!tpu.dma_semaphore, #tpu.memory_space<semaphore_mem>>) attributes {dimension_semantics = [#tpu.dimension_semantics<core_parallel>, #tpu.dimension_semantics<subcore_parallel>], iteration_bounds = array<i64: 2, 16>, scalar_prefetch = 0 : i64, scratch_operands = 4 : i64, tpu.core_type = #tpu.core_type<sc_vector_subcore>, window_params = [{transform_indices = #map}, {transform_indices = #map}, {transform_indices = #map}]} {
    %mul3A = arith.constant 2 : i32
    %mul3A_0 = arith.muli %arg1, %mul3A : i32
    %add3A = arith.addi %mul3A_0, %arg0 : i32
    %mul3A_1 = arith.constant 32 : i32
    %mul3A_2 = arith.muli %add3A, %mul3A_1 : i32
    %dma_start3A = arith.constant 0 : i32
    %dma_start3A_3 = tpu.memref_slice %arg3[%mul3A_2, %dma_start3A] : memref<1024x1024xf32, #tpu.memory_space<hbm>> -> memref<32x1024xf32, #tpu.memory_space<hbm>>
    %dma_start3A_4 = arith.constant 0 : i32
    %dma_start3A_5 = tpu.memref_slice %arg3[%mul3A_2, %dma_start3A_4] : memref<1024x1024xf32, #tpu.memory_space<hbm>> -> memref<32x1024xf32, #tpu.memory_space<hbm>>
    tpu.enqueue_dma source(%dma_start3A_5 : memref<32x1024xf32, #tpu.memory_space<hbm>>) target(%arg6 : memref<32x1024xf32, #tpu.memory_space<vmem>>) target_semaphore(%arg8 : memref<!tpu.dma_semaphore, #tpu.memory_space<semaphore_mem>>)
    "tpu.region"() ({
      %run_scoped3A = tpu.sem_alloc : memref<!tpu.dma_semaphore, #tpu.memory_space<semaphore_mem>>
      %dma_start3A_16 = arith.constant 0 : i32
      %dma_start3A_17 = tpu.memref_slice %arg2[%mul3A_2, %dma_start3A_16] : memref<1024x1024xf32, #tpu.memory_space<hbm>> -> memref<32x1024xf32, #tpu.memory_space<hbm>>
      %dma_start3A_18 = arith.constant 0 : i32
      %dma_start3A_19 = tpu.memref_slice %arg2[%mul3A_2, %dma_start3A_18] : memref<1024x1024xf32, #tpu.memory_space<hbm>> -> memref<32x1024xf32, #tpu.memory_space<hbm>>
      tpu.enqueue_dma source(%dma_start3A_19 : memref<32x1024xf32, #tpu.memory_space<hbm>>) target(%arg5 : memref<32x1024xf32, #tpu.memory_space<vmem>>) target_semaphore(%run_scoped3A : memref<!tpu.dma_semaphore, #tpu.memory_space<semaphore_mem>>)
      %dma_wait3A_20 = arith.constant 0 : i32
      %dma_wait3A_21 = tpu.memref_slice %arg2[%mul3A_2, %dma_wait3A_20] : memref<1024x1024xf32, #tpu.memory_space<hbm>> -> memref<32x1024xf32, #tpu.memory_space<hbm>>
      %dma_wait3A_22 = arith.constant 0 : i32
      %dma_wait3A_23 = tpu.memref_slice %arg2[%mul3A_2, %dma_wait3A_22] : memref<1024x1024xf32, #tpu.memory_space<hbm>> -> memref<32x1024xf32, #tpu.memory_space<hbm>>
      tpu.wait_dma2 semaphore(%run_scoped3A : memref<!tpu.dma_semaphore, #tpu.memory_space<semaphore_mem>>) src(%dma_wait3A_23 : memref<32x1024xf32, #tpu.memory_space<hbm>>) dst(%arg5 : memref<32x1024xf32, #tpu.memory_space<vmem>>)
      tpu.yield
    }) : () -> ()
    %iota3A = tpu.iota {dimensions = array<i32: 0>} : vector<16xi32>
    %dma_wait3A = arith.constant 0 : i32
    %dma_wait3A_6 = tpu.memref_slice %arg3[%mul3A_2, %dma_wait3A] : memref<1024x1024xf32, #tpu.memory_space<hbm>> -> memref<32x1024xf32, #tpu.memory_space<hbm>>
    %dma_wait3A_7 = arith.constant 0 : i32
    %dma_wait3A_8 = tpu.memref_slice %arg3[%mul3A_2, %dma_wait3A_7] : memref<1024x1024xf32, #tpu.memory_space<hbm>> -> memref<32x1024xf32, #tpu.memory_space<hbm>>
    tpu.wait_dma2 semaphore(%arg8 : memref<!tpu.dma_semaphore, #tpu.memory_space<semaphore_mem>>) src(%dma_wait3A_8 : memref<32x1024xf32, #tpu.memory_space<hbm>>) dst(%arg6 : memref<32x1024xf32, #tpu.memory_space<vmem>>)
    %broadcast_in_dim3A = arith.constant 0.000000e+00 : f32
    %broadcast_in_dim3A_9 = vector.broadcast %broadcast_in_dim3A : f32 to vector<16xf32>
    %scan3A = arith.constant 0 : i32
    %scan3A_10 = arith.constant 32 : i32
    %scan3A_11 = arith.addi %scan3A, %scan3A_10 : i32
    %scan3A_12 = arith.constant 1 : i32
    %scan3A_13 = scf.for %scan3A_16 = %scan3A to %scan3A_11 step %scan3A_12 iter_args(%scan3A_17 = %broadcast_in_dim3A_9) -> (vector<16xf32>)  : i32 {
      %get3A = arith.index_cast %scan3A_16 : i32 to index
      %get3A_18 = arith.constant 0 : index
      %get3A_19 = tpu.vector_load %arg5[%get3A, %get3A_18] {strides = array<i32>} : memref<32x1024xf32, #tpu.memory_space<vmem>>, vector<16xf32>,
      %add3A_20 = arith.constant 0 : i32
      %add3A_21 = vector.broadcast %add3A_20 : i32 to vector<16xi32>
      %add3A_22 = arith.addi %iota3A, %add3A_21 : vector<16xi32>
      %masked_sort3A = arith.constant dense<true> : vector<16xi1>
      %masked_sort3A_23, %masked_sort3A_24, %masked_sort3A_25 = tpu.sort %get3A_19, %add3A_22 masked %masked_sort3A : (vector<16xf32>, vector<16xi32>, vector<16xi1>) -> (vector<16xi1>, vector<16xf32>, vector<16xi32>)
      %get3A_26 = arith.index_cast %scan3A_16 : i32 to index
      %get3A_27 = arith.constant 16 : index
      %get3A_28 = tpu.vector_load %arg5[%get3A_26, %get3A_27] {strides = array<i32>} : memref<32x1024xf32, #tpu.memory_space<vmem>>, vector<16xf32>,
      %add3A_29 = arith.constant 16 : i32
      %add3A_30 = vector.broadcast %add3A_29 : i32 to vector<16xi32>
      %add3A_31 = arith.addi %iota3A, %add3A_30 : vector<16xi32>
      %masked_sort3A_32 = arith.constant dense<true> : vector<16xi1>
      %masked_sort3A_33, %masked_sort3A_34, %masked_sort3A_35 = tpu.sort %get3A_28, %add3A_31 masked %masked_sort3A_32 : (vector<16xf32>, vector<16xi32>, vector<16xi1>) -> (vector<16xi1>, vector<16xf32>, vector<16xi32>)
      %get3A_36 = arith.index_cast %scan3A_16 : i32 to index
      %get3A_37 = arith.constant 32 : index
      %get3A_38 = tpu.vector_load %arg5[%get3A_36, %get3A_37] {strides = array<i32>} : memref<32x1024xf32, #tpu.memory_space<vmem>>, vector<16xf32>,
      %add3A_39 = arith.constant 32 : i32
      %add3A_40 = vector.broadcast %add3A_39 : i32 to vector<16xi32>
      %add3A_41 = arith.addi %iota3A, %add3A_40 : vector<16xi32>
      %masked_sort3A_42 = arith.constant dense<true> : vector<16xi1>
      %masked_sort3A_43, %masked_sort3A_44, %masked_sort3A_45 = tpu.sort %get3A_38, %add3A_41 masked %masked_sort3A_42 : (vector<16xf32>, vector<16xi32>, vector<16xi1>) -> (vector<16xi1>, vector<16xf32>, vector<16xi32>)
      %get3A_46 = arith.index_cast %scan3A_16 : i32 to index
      %get3A_47 = arith.constant 48 : index
      %get3A_48 = tpu.vector_load %arg5[%get3A_46, %get3A_47] {strides = array<i32>} : memref<32x1024xf32, #tpu.memory_space<vmem>>, vector<16xf32>,
      %add3A_49 = arith.constant 48 : i32
      %add3A_50 = vector.broadcast %add3A_49 : i32 to vector<16xi32>
      %add3A_51 = arith.addi %iota3A, %add3A_50 : vector<16xi32>
      %masked_sort3A_52 = arith.constant dense<true> : vector<16xi1>
      %masked_sort3A_53, %masked_sort3A_54, %masked_sort3A_55 = tpu.sort %get3A_48, %add3A_51 masked %masked_sort3A_52 : (vector<16xf32>, vector<16xi32>, vector<16xi1>) -> (vector<16xi1>, vector<16xf32>, vector<16xi32>)
      %get3A_56 = arith.index_cast %scan3A_16 : i32 to index
      %get3A_57 = arith.constant 64 : index
      %get3A_58 = tpu.vector_load %arg5[%get3A_56, %get3A_57] {strides = array<i32>} : memref<32x1024xf32, #tpu.memory_space<vmem>>, vector<16xf32>,
      %add3A_59 = arith.constant 64 : i32
      %add3A_60 = vector.broadcast %add3A_59 : i32 to vector<16xi32>
      %add3A_61 = arith.addi %iota3A, %add3A_60 : vector<16xi32>
      %masked_sort3A_62 = arith.constant dense<true> : vector<16xi1>
      %masked_sort3A_63, %masked_sort3A_64, %masked_sort3A_65 = tpu.sort %get3A_58, %add3A_61 masked %masked_sort3A_62 {descending = true} : (vector<16xf32>, vector<16xi32>, vector<16xi1>) -> (vector<16xi1>, vector<16xf32>, vector<16xi32>)
      %lt3A = arith.cmpf olt, %masked_sort3A_64, %masked_sort3A_24 : vector<16xf32>
      %select_n3A = arith.select %lt3A, %masked_sort3A_64, %masked_sort3A_24 : vector<16xi1>, vector<16xf32>
      %select_n3A_66 = arith.select %lt3A, %masked_sort3A_65, %masked_sort3A_25 : vector<16xi1>, vector<16xi32>
      %masked_sort3A_67 = arith.constant dense<true> : vector<16xi1>
      %masked_sort3A_68, %masked_sort3A_69, %masked_sort3A_70 = tpu.sort %select_n3A, %select_n3A_66 masked %masked_sort3A_67 : (vector<16xf32>, vector<16xi32>, vector<16xi1>) -> (vector<16xi1>, vector<16xf32>, vector<16xi32>)
      %get3A_71 = arith.index_cast %scan3A_16 : i32 to index
      %get3A_72 = arith.constant 80 : index
      %get3A_73 = tpu.vector_load %arg5[%get3A_71, %get3A_72] {strides = array<i32>} : memref<32x1024xf32, #tpu.memory_space<vmem>>, vector<16xf32>,
      %add3A_74 = arith.constant 80 : i32
      %add3A_75 = vector.broadcast %add3A_74 : i32 to vector<16xi32>
      %add3A_76 = arith.addi %iota3A, %add3A_75 : vector<16xi32>
      %masked_sort3A_77 = arith.constant dense<true> : vector<16xi1>
      %masked_sort3A_78, %masked_sort3A_79, %masked_sort3A_80 = tpu.sort %get3A_73, %add3A_76 masked %masked_sort3A_77 {descending = true} : (vector<16xf32>, vector<16xi32>, vector<16xi1>) -> (vector<16xi1>, vector<16xf32>, vector<16xi32>)
      %lt3A_81 = arith.cmpf olt, %masked_sort3A_79, %masked_sort3A_34 : vector<16xf32>
      %select_n3A_82 = arith.select %lt3A_81, %masked_sort3A_79, %masked_sort3A_34 : vector<16xi1>, vector<16xf32>
      %select_n3A_83 = arith.select %lt3A_81, %masked_sort3A_80, %masked_sort3A_35 : vector<16xi1>, vector<16xi32>
      %masked_sort3A_84 = arith.constant dense<true> : vector<16xi1>
      %masked_sort3A_85, %masked_sort3A_86, %masked_sort3A_87 = tpu.sort %select_n3A_82, %select_n3A_83 masked %masked_sort3A_84 : (vector<16xf32>, vector<16xi32>, vector<16xi1>) -> (vector<16xi1>, vector<16xf32>, vector<16xi32>)
      %get3A_88 = arith.index_cast %scan3A_16 : i32 to index
      %get3A_89 = arith.constant 96 : index
      %get3A_90 = tpu.vector_load %arg5[%get3A_88, %get3A_89] {strides = array<i32>} : memref<32x1024xf32, #tpu.memory_space<vmem>>, vector<16xf32>,
      %add3A_91 = arith.constant 96 : i32
      %add3A_92 = vector.broadcast %add3A_91 : i32 to vector<16xi32>
      %add3A_93 = arith.addi %iota3A, %add3A_92 : vector<16xi32>
      %masked_sort3A_94 = arith.constant dense<true> : vector<16xi1>
      %masked_sort3A_95, %masked_sort3A_96, %masked_sort3A_97 = tpu.sort %get3A_90, %add3A_93 masked %masked_sort3A_94 {descending = true} : (vector<16xf32>, vector<16xi32>, vector<16xi1>) -> (vector<16xi1>, vector<16xf32>, vector<16xi32>)
      %lt3A_98 = arith.cmpf olt, %masked_sort3A_96, %masked_sort3A_44 : vector<16xf32>
      %select_n3A_99 = arith.select %lt3A_98, %masked_sort3A_96, %masked_sort3A_44 : vector<16xi1>, vector<16xf32>
      %select_n3A_100 = arith.select %lt3A_98, %masked_sort3A_97, %masked_sort3A_45 : vector<16xi1>, vector<16xi32>
      %masked_sort3A_101 = arith.constant dense<true> : vector<16xi1>
      %masked_sort3A_102, %masked_sort3A_103, %masked_sort3A_104 = tpu.sort %select_n3A_99, %select_n3A_100 masked %masked_sort3A_101 : (vector<16xf32>, vector<16xi32>, vector<16xi1>) -> (vector<16xi1>, vector<16xf32>, vector<16xi32>)
      %get3A_105 = arith.index_cast %scan3A_16 : i32 to index
      %get3A_106 = arith.constant 112 : index
      %get3A_107 = tpu.vector_load %arg5[%get3A_105, %get3A_106] {strides = array<i32>} : memref<32x1024xf32, #tpu.memory_space<vmem>>, vector<16xf32>,
      %add3A_108 = arith.constant 112 : i32
      %add3A_109 = vector.broadcast %add3A_108 : i32 to vector<16xi32>
      %add3A_110 = arith.addi %iota3A, %add3A_109 : vector<16xi32>
      %masked_sort3A_111 = arith.constant dense<true> : vector<16xi1>
      %masked_sort3A_112, %masked_sort3A_113, %masked_sort3A_114 = tpu.sort %get3A_107, %add3A_110 masked %masked_sort3A_111 {descending = true} : (vector<16xf32>, vector<16xi32>, vector<16xi1>) -> (vector<16xi1>, vector<16xf32>, vector<16xi32>)
      %lt3A_115 = arith.cmpf olt, %masked_sort3A_113, %masked_sort3A_54 : vector<16xf32>
      %select_n3A_116 = arith.select %lt3A_115, %masked_sort3A_113, %masked_sort3A_54 : vector<16xi1>, vector<16xf32>
      %select_n3A_117 = arith.select %lt3A_115, %masked_sort3A_114, %masked_sort3A_55 : vector<16xi1>, vector<16xi32>
      %masked_sort3A_118 = arith.constant dense<true> : vector<16xi1>
      %masked_sort3A_119, %masked_sort3A_120, %masked_sort3A_121 = tpu.sort %select_n3A_116, %select_n3A_117 masked %masked_sort3A_118 : (vector<16xf32>, vector<16xi32>, vector<16xi1>) -> (vector<16xi1>, vector<16xf32>, vector<16xi32>)
      %get3A_122 = arith.index_cast %scan3A_16 : i32 to index
      %get3A_123 = arith.constant 128 : index
      %get3A_124 = tpu.vector_load %arg5[%get3A_122, %get3A_123] {strides = array<i32>} : memref<32x1024xf32, #tpu.memory_space<vmem>>, vector<16xf32>,
      %add3A_125 = arith.constant 128 : i32
      %add3A_126 = vector.broadcast %add3A_125 : i32 to vector<16xi32>
      %add3A_127 = arith.addi %iota3A, %add3A_126 : vector<16xi32>
      %masked_sort3A_128 = arith.constant dense<true> : vector<16xi1>
      %masked_sort3A_129, %masked_sort3A_130, %masked_sort3A_131 = tpu.sort %get3A_124, %add3A_127 masked %masked_sort3A_128 {descending = true} : (vector<16xf32>, vector<16xi32>, vector<16xi1>) -> (vector<16xi1>, vector<16xf32>, vector<16xi32>)
      %lt3A_132 = arith.cmpf olt, %masked_sort3A_130, %masked_sort3A_69 : vector<16xf32>
      %select_n3A_133 = arith.select %lt3A_132, %masked_sort3A_130, %masked_sort3A_69 : vector<16xi1>, vector<16xf32>
      %select_n3A_134 = arith.select %lt3A_132, %masked_sort3A_131, %masked_sort3A_70 : vector<16xi1>, vector<16xi32>
      %masked_sort3A_135 = arith.constant dense<true> : vector<16xi1>
      %masked_sort3A_136, %masked_sort3A_137, %masked_sort3A_138 = tpu.sort %select_n3A_133, %select_n3A_134 masked %masked_sort3A_135 : (vector<16xf32>, vector<16xi32>, vector<16xi1>) -> (vector<16xi1>, vector<16xf32>, vector<16xi32>)
      %get3A_139 = arith.index_cast %scan3A_16 : i32 to index
      %get3A_140 = arith.constant 144 : index
      %get3A_141 = tpu.vector_load %arg5[%get3A_139, %get3A_140] {strides = array<i32>} : memref<32x1024xf32, #tpu.memory_space<vmem>>, vector<16xf32>,
      %add3A_142 = arith.constant 144 : i32
      %add3A_143 = vector.broadcast %add3A_142 : i32 to vector<16xi32>
      %add3A_144 = arith.addi %iota3A, %add3A_143 : vector<16xi32>
      %masked_sort3A_145 = arith.constant dense<true> : vector<16xi1>
      %masked_sort3A_146, %masked_sort3A_147, %masked_sort3A_148 = tpu.sort %get3A_141, %add3A_144 masked %masked_sort3A_145 {descending = true} : (vector<16xf32>, vector<16xi32>, vector<16xi1>) -> (vector<16xi1>, vector<16xf32>, vector<16xi32>)
      %lt3A_149 = arith.cmpf olt, %masked_sort3A_147, %masked_sort3A_86 : vector<16xf32>
      %select_n3A_150 = arith.select %lt3A_149, %masked_sort3A_147, %masked_sort3A_86 : vector<16xi1>, vector<16xf32>
      %select_n3A_151 = arith.select %lt3A_149, %masked_sort3A_148, %masked_sort3A_87 : vector<16xi1>, vector<16xi32>
      %masked_sort3A_152 = arith.constant dense<true> : vector<16xi1>
      %masked_sort3A_153, %masked_sort3A_154, %masked_sort3A_155 = tpu.sort %select_n3A_150, %select_n3A_151 masked %masked_sort3A_152 : (vector<16xf32>, vector<16xi32>, vector<16xi1>) -> (vector<16xi1>, vector<16xf32>, vector<16xi32>)
      %get3A_156 = arith.index_cast %scan3A_16 : i32 to index
      %get3A_157 = arith.constant 160 : index
      %get3A_158 = tpu.vector_load %arg5[%get3A_156, %get3A_157] {strides = array<i32>} : memref<32x1024xf32, #tpu.memory_space<vmem>>, vector<16xf32>,
      %add3A_159 = arith.constant 160 : i32
      %add3A_160 = vector.broadcast %add3A_159 : i32 to vector<16xi32>
      %add3A_161 = arith.addi %iota3A, %add3A_160 : vector<16xi32>
      %masked_sort3A_162 = arith.constant dense<true> : vector<16xi1>
      %masked_sort3A_163, %masked_sort3A_164, %masked_sort3A_165 = tpu.sort %get3A_158, %add3A_161 masked %masked_sort3A_162 {descending = true} : (vector<16xf32>, vector<16xi32>, vector<16xi1>) -> (vector<16xi1>, vector<16xf32>, vector<16xi32>)
      %lt3A_166 = arith.cmpf olt, %masked_sort3A_164, %masked_sort3A_103 : vector<16xf32>
      %select_n3A_167 = arith.select %lt3A_166, %masked_sort3A_164, %masked_sort3A_103 : vector<16xi1>, vector<16xf32>
      %select_n3A_168 = arith.select %lt3A_166, %masked_sort3A_165, %masked_sort3A_104 : vector<16xi1>, vector<16xi32>
      %masked_sort3A_169 = arith.constant dense<true> : vector<16xi1>
      %masked_sort3A_170, %masked_sort3A_171, %masked_sort3A_172 = tpu.sort %select_n3A_167, %select_n3A_168 masked %masked_sort3A_169 : (vector<16xf32>, vector<16xi32>, vector<16xi1>) -> (vector<16xi1>, vector<16xf32>, vector<16xi32>)
      %get3A_173 = arith.index_cast %scan3A_16 : i32 to index
      %get3A_174 = arith.constant 176 : index
      %get3A_175 = tpu.vector_load %arg5[%get3A_173, %get3A_174] {strides = array<i32>} : memref<32x1024xf32, #tpu.memory_space<vmem>>, vector<16xf32>,
      %add3A_176 = arith.constant 176 : i32
      %add3A_177 = vector.broadcast %add3A_176 : i32 to vector<16xi32>
      %add3A_178 = arith.addi %iota3A, %add3A_177 : vector<16xi32>
      %masked_sort3A_179 = arith.constant dense<true> : vector<16xi1>
      %masked_sort3A_180, %masked_sort3A_181, %masked_sort3A_182 = tpu.sort %get3A_175, %add3A_178 masked %masked_sort3A_179 {descending = true} : (vector<16xf32>, vector<16xi32>, vector<16xi1>) -> (vector<16xi1>, vector<16xf32>, vector<16xi32>)
      %lt3A_183 = arith.cmpf olt, %masked_sort3A_181, %masked_sort3A_120 : vector<16xf32>
      %select_n3A_184 = arith.select %lt3A_183, %masked_sort3A_181, %masked_sort3A_120 : vector<16xi1>, vector<16xf32>
      %select_n3A_185 = arith.select %lt3A_183, %masked_sort3A_182, %masked_sort3A_121 : vector<16xi1>, vector<16xi32>
      %masked_sort3A_186 = arith.constant dense<true> : vector<16xi1>
      %masked_sort3A_187, %masked_sort3A_188, %masked_sort3A_189 = tpu.sort %select_n3A_184, %select_n3A_185 masked %masked_sort3A_186 : (vector<16xf32>, vector<16xi32>, vector<16xi1>) -> (vector<16xi1>, vector<16xf32>, vector<16xi32>)
      %get3A_190 = arith.index_cast %scan3A_16 : i32 to index
      %get3A_191 = arith.constant 192 : index
      %get3A_192 = tpu.vector_load %arg5[%get3A_190, %get3A_191] {strides = array<i32>} : memref<32x1024xf32, #tpu.memory_space<vmem>>, vector<16xf32>,
      %add3A_193 = arith.constant 192 : i32
      %add3A_194 = vector.broadcast %add3A_193 : i32 to vector<16xi32>
      %add3A_195 = arith.addi %iota3A, %add3A_194 : vector<16xi32>
      %masked_sort3A_196 = arith.constant dense<true> : vector<16xi1>
      %masked_sort3A_197, %masked_sort3A_198, %masked_sort3A_199 = tpu.sort %get3A_192, %add3A_195 masked %masked_sort3A_196 {descending = true} : (vector<16xf32>, vector<16xi32>, vector<16xi1>) -> (vector<16xi1>, vector<16xf32>, vector<16xi32>)
      %lt3A_200 = arith.cmpf olt, %masked_sort3A_198, %masked_sort3A_137 : vector<16xf32>
      %select_n3A_201 = arith.select %lt3A_200, %masked_sort3A_198, %masked_sort3A_137 : vector<16xi1>, vector<16xf32>
      %select_n3A_202 = arith.select %lt3A_200, %masked_sort3A_199, %masked_sort3A_138 : vector<16xi1>, vector<16xi32>
      %masked_sort3A_203 = arith.constant dense<true> : vector<16xi1>
      %masked_sort3A_204, %masked_sort3A_205, %masked_sort3A_206 = tpu.sort %select_n3A_201, %select_n3A_202 masked %masked_sort3A_203 : (vector<16xf32>, vector<16xi32>, vector<16xi1>) -> (vector<16xi1>, vector<16xf32>, vector<16xi32>)
      %get3A_207 = arith.index_cast %scan3A_16 : i32 to index
      %get3A_208 = arith.constant 208 : index
      %get3A_209 = tpu.vector_load %arg5[%get3A_207, %get3A_208] {strides = array<i32>} : memref<32x1024xf32, #tpu.memory_space<vmem>>, vector<16xf32>,
      %add3A_210 = arith.constant 208 : i32
      %add3A_211 = vector.broadcast %add3A_210 : i32 to vector<16xi32>
      %add3A_212 = arith.addi %iota3A, %add3A_211 : vector<16xi32>
      %masked_sort3A_213 = arith.constant dense<true> : vector<16xi1>
      %masked_sort3A_214, %masked_sort3A_215, %masked_sort3A_216 = tpu.sort %get3A_209, %add3A_212 masked %masked_sort3A_213 {descending = true} : (vector<16xf32>, vector<16xi32>, vector<16xi1>) -> (vector<16xi1>, vector<16xf32>, vector<16xi32>)
      %lt3A_217 = arith.cmpf olt, %masked_sort3A_215, %masked_sort3A_154 : vector<16xf32>
      %select_n3A_218 = arith.select %lt3A_217, %masked_sort3A_215, %masked_sort3A_154 : vector<16xi1>, vector<16xf32>
      %select_n3A_219 = arith.select %lt3A_217, %masked_sort3A_216, %masked_sort3A_155 : vector<16xi1>, vector<16xi32>
      %masked_sort3A_220 = arith.constant dense<true> : vector<16xi1>
      %masked_sort3A_221, %masked_sort3A_222, %masked_sort3A_223 = tpu.sort %select_n3A_218, %select_n3A_219 masked %masked_sort3A_220 : (vector<16xf32>, vector<16xi32>, vector<16xi1>) -> (vector<16xi1>, vector<16xf32>, vector<16xi32>)
      %get3A_224 = arith.index_cast %scan3A_16 : i32 to index
      %get3A_225 = arith.constant 224 : index
      %get3A_226 = tpu.vector_load %arg5[%get3A_224, %get3A_225] {strides = array<i32>} : memref<32x1024xf32, #tpu.memory_space<vmem>>, vector<16xf32>,
      %add3A_227 = arith.constant 224 : i32
      %add3A_228 = vector.broadcast %add3A_227 : i32 to vector<16xi32>
      %add3A_229 = arith.addi %iota3A, %add3A_228 : vector<16xi32>
      %masked_sort3A_230 = arith.constant dense<true> : vector<16xi1>
      %masked_sort3A_231, %masked_sort3A_232, %masked_sort3A_233 = tpu.sort %get3A_226, %add3A_229 masked %masked_sort3A_230 {descending = true} : (vector<16xf32>, vector<16xi32>, vector<16xi1>) -> (vector<16xi1>, vector<16xf32>, vector<16xi32>)
      %lt3A_234 = arith.cmpf olt, %masked_sort3A_232, %masked_sort3A_171 : vector<16xf32>
      %select_n3A_235 = arith.select %lt3A_234, %masked_sort3A_232, %masked_sort3A_171 : vector<16xi1>, vector<16xf32>
      %select_n3A_236 = arith.select %lt3A_234, %masked_sort3A_233, %masked_sort3A_172 : vector<16xi1>, vector<16xi32>
      %masked_sort3A_237 = arith.constant dense<true> : vector<16xi1>
      %masked_sort3A_238, %masked_sort3A_239, %masked_sort3A_240 = tpu.sort %select_n3A_235, %select_n3A_236 masked %masked_sort3A_237 : (vector<16xf32>, vector<16xi32>, vector<16xi1>) -> (vector<16xi1>, vector<16xf32>, vector<16xi32>)
      %get3A_241 = arith.index_cast %scan3A_16 : i32 to index
      %get3A_242 = arith.constant 240 : index
      %get3A_243 = tpu.vector_load %arg5[%get3A_241, %get3A_242] {strides = array<i32>} : memref<32x1024xf32, #tpu.memory_space<vmem>>, vector<16xf32>,
      %add3A_244 = arith.constant 240 : i32
      %add3A_245 = vector.broadcast %add3A_244 : i32 to vector<16xi32>
      %add3A_246 = arith.addi %iota3A, %add3A_245 : vector<16xi32>
      %masked_sort3A_247 = arith.constant dense<true> : vector<16xi1>
      %masked_sort3A_248, %masked_sort3A_249, %masked_sort3A_250 = tpu.sort %get3A_243, %add3A_246 masked %masked_sort3A_247 {descending = true} : (vector<16xf32>, vector<16xi32>, vector<16xi1>) -> (vector<16xi1>, vector<16xf32>, vector<16xi32>)
      %lt3A_251 = arith.cmpf olt, %masked_sort3A_249, %masked_sort3A_188 : vector<16xf32>
      %select_n3A_252 = arith.select %lt3A_251, %masked_sort3A_249, %masked_sort3A_188 : vector<16xi1>, vector<16xf32>
      %select_n3A_253 = arith.select %lt3A_251, %masked_sort3A_250, %masked_sort3A_189 : vector<16xi1>, vector<16xi32>
      %masked_sort3A_254 = arith.constant dense<true> : vector<16xi1>
      %masked_sort3A_255, %masked_sort3A_256, %masked_sort3A_257 = tpu.sort %select_n3A_252, %select_n3A_253 masked %masked_sort3A_254 : (vector<16xf32>, vector<16xi32>, vector<16xi1>) -> (vector<16xi1>, vector<16xf32>, vector<16xi32>)
      %get3A_258 = arith.index_cast %scan3A_16 : i32 to index
      %get3A_259 = arith.constant 256 : index
      %get3A_260 = tpu.vector_load %arg5[%get3A_258, %get3A_259] {strides = array<i32>} : memref<32x1024xf32, #tpu.memory_space<vmem>>, vector<16xf32>,
      %add3A_261 = arith.constant 256 : i32
      %add3A_262 = vector.broadcast %add3A_261 : i32 to vector<16xi32>
      %add3A_263 = arith.addi %iota3A, %add3A_262 : vector<16xi32>
      %masked_sort3A_264 = arith.constant dense<true> : vector<16xi1>
      %masked_sort3A_265, %masked_sort3A_266, %masked_sort3A_267 = tpu.sort %get3A_260, %add3A_263 masked %masked_sort3A_264 {descending = true} : (vector<16xf32>, vector<16xi32>, vector<16xi1>) -> (vector<16xi1>, vector<16xf32>, vector<16xi32>)
      %lt3A_268 = arith.cmpf olt, %masked_sort3A_266, %masked_sort3A_205 : vector<16xf32>
      %select_n3A_269 = arith.select %lt3A_268, %masked_sort3A_266, %masked_sort3A_205 : vector<16xi1>, vector<16xf32>
      %select_n3A_270 = arith.select %lt3A_268, %masked_sort3A_267, %masked_sort3A_206 : vector<16xi1>, vector<16xi32>
      %masked_sort3A_271 = arith.constant dense<true> : vector<16xi1>
      %masked_sort3A_272, %masked_sort3A_273, %masked_sort3A_274 = tpu.sort %select_n3A_269, %select_n3A_270 masked %masked_sort3A_271 : (vector<16xf32>, vector<16xi32>, vector<16xi1>) -> (vector<16xi1>, vector<16xf32>, vector<16xi32>)
      %get3A_275 = arith.index_cast %scan3A_16 : i32 to index
      %get3A_276 = arith.constant 272 : index
      %get3A_277 = tpu.vector_load %arg5[%get3A_275, %get3A_276] {strides = array<i32>} : memref<32x1024xf32, #tpu.memory_space<vmem>>, vector<16xf32>,
      %add3A_278 = arith.constant 272 : i32
      %add3A_279 = vector.broadcast %add3A_278 : i32 to vector<16xi32>
      %add3A_280 = arith.addi %iota3A, %add3A_279 : vector<16xi32>
      %masked_sort3A_281 = arith.constant dense<true> : vector<16xi1>
      %masked_sort3A_282, %masked_sort3A_283, %masked_sort3A_284 = tpu.sort %get3A_277, %add3A_280 masked %masked_sort3A_281 {descending = true} : (vector<16xf32>, vector<16xi32>, vector<16xi1>) -> (vector<16xi1>, vector<16xf32>, vector<16xi32>)
      %lt3A_285 = arith.cmpf olt, %masked_sort3A_283, %masked_sort3A_222 : vector<16xf32>
      %select_n3A_286 = arith.select %lt3A_285, %masked_sort3A_283, %masked_sort3A_222 : vector<16xi1>, vector<16xf32>
      %select_n3A_287 = arith.select %lt3A_285, %masked_sort3A_284, %masked_sort3A_223 : vector<16xi1>, vector<16xi32>
      %masked_sort3A_288 = arith.constant dense<true> : vector<16xi1>
      %masked_sort3A_289, %masked_sort3A_290, %masked_sort3A_291 = tpu.sort %select_n3A_286, %select_n3A_287 masked %masked_sort3A_288 : (vector<16xf32>, vector<16xi32>, vector<16xi1>) -> (vector<16xi1>, vector<16xf32>, vector<16xi32>)
      %get3A_292 = arith.index_cast %scan3A_16 : i32 to index
      %get3A_293 = arith.constant 288 : index
      %get3A_294 = tpu.vector_load %arg5[%get3A_292, %get3A_293] {strides = array<i32>} : memref<32x1024xf32, #tpu.memory_space<vmem>>, vector<16xf32>,
      %add3A_295 = arith.constant 288 : i32
      %add3A_296 = vector.broadcast %add3A_295 : i32 to vector<16xi32>
      %add3A_297 = arith.addi %iota3A, %add3A_296 : vector<16xi32>
      %masked_sort3A_298 = arith.constant dense<true> : vector<16xi1>
      %masked_sort3A_299, %masked_sort3A_300, %masked_sort3A_301 = tpu.sort %get3A_294, %add3A_297 masked %masked_sort3A_298 {descending = true} : (vector<16xf32>, vector<16xi32>, vector<16xi1>) -> (vector<16xi1>, vector<16xf32>, vector<16xi32>)
      %lt3A_302 = arith.cmpf olt, %masked_sort3A_300, %masked_sort3A_239 : vector<16xf32>
      %select_n3A_303 = arith.select %lt3A_302, %masked_sort3A_300, %masked_sort3A_239 : vector<16xi1>, vector<16xf32>
      %select_n3A_304 = arith.select %lt3A_302, %masked_sort3A_301, %masked_sort3A_240 : vector<16xi1>, vector<16xi32>
      %masked_sort3A_305 = arith.constant dense<true> : vector<16xi1>
      %masked_sort3A_306, %masked_sort3A_307, %masked_sort3A_308 = tpu.sort %select_n3A_303, %select_n3A_304 masked %masked_sort3A_305 : (vector<16xf32>, vector<16xi32>, vector<16xi1>) -> (vector<16xi1>, vector<16xf32>, vector<16xi32>)
      %get3A_309 = arith.index_cast %scan3A_16 : i32 to index
      %get3A_310 = arith.constant 304 : index
      %get3A_311 = tpu.vector_load %arg5[%get3A_309, %get3A_310] {strides = array<i32>} : memref<32x1024xf32, #tpu.memory_space<vmem>>, vector<16xf32>,
      %add3A_312 = arith.constant 304 : i32
      %add3A_313 = vector.broadcast %add3A_312 : i32 to vector<16xi32>
      %add3A_314 = arith.addi %iota3A, %add3A_313 : vector<16xi32>
      %masked_sort3A_315 = arith.constant dense<true> : vector<16xi1>
      %masked_sort3A_316, %masked_sort3A_317, %masked_sort3A_318 = tpu.sort %get3A_311, %add3A_314 masked %masked_sort3A_315 {descending = true} : (vector<16xf32>, vector<16xi32>, vector<16xi1>) -> (vector<16xi1>, vector<16xf32>, vector<16xi32>)
      %lt3A_319 = arith.cmpf olt, %masked_sort3A_317, %masked_sort3A_256 : vector<16xf32>
      %select_n3A_320 = arith.select %lt3A_319, %masked_sort3A_317, %masked_sort3A_256 : vector<16xi1>, vector<16xf32>
      %select_n3A_321 = arith.select %lt3A_319, %masked_sort3A_318, %masked_sort3A_257 : vector<16xi1>, vector<16xi32>
      %masked_sort3A_322 = arith.constant dense<true> : vector<16xi1>
      %masked_sort3A_323, %masked_sort3A_324, %masked_sort3A_325 = tpu.sort %select_n3A_320, %select_n3A_321 masked %masked_sort3A_322 : (vector<16xf32>, vector<16xi32>, vector<16xi1>) -> (vector<16xi1>, vector<16xf32>, vector<16xi32>)
      %get3A_326 = arith.index_cast %scan3A_16 : i32 to index
      %get3A_327 = arith.constant 320 : index
      %get3A_328 = tpu.vector_load %arg5[%get3A_326, %get3A_327] {strides = array<i32>} : memref<32x1024xf32, #tpu.memory_space<vmem>>, vector<16xf32>,
      %add3A_329 = arith.constant 320 : i32
      %add3A_330 = vector.broadcast %add3A_329 : i32 to vector<16xi32>
      %add3A_331 = arith.addi %iota3A, %add3A_330 : vector<16xi32>
      %masked_sort3A_332 = arith.constant dense<true> : vector<16xi1>
      %masked_sort3A_333, %masked_sort3A_334, %masked_sort3A_335 = tpu.sort %get3A_328, %add3A_331 masked %masked_sort3A_332 {descending = true} : (vector<16xf32>, vector<16xi32>, vector<16xi1>) -> (vector<16xi1>, vector<16xf32>, vector<16xi32>)
      %lt3A_336 = arith.cmpf olt, %masked_sort3A_334, %masked_sort3A_273 : vector<16xf32>
      %select_n3A_337 = arith.select %lt3A_336, %masked_sort3A_334, %masked_sort3A_273 : vector<16xi1>, vector<16xf32>
      %select_n3A_338 = arith.select %lt3A_336, %masked_sort3A_335, %masked_sort3A_274 : vector<16xi1>, vector<16xi32>
      %masked_sort3A_339 = arith.constant dense<true> : vector<16xi1>
      %masked_sort3A_340, %masked_sort3A_341, %masked_sort3A_342 = tpu.sort %select_n3A_337, %select_n3A_338 masked %masked_sort3A_339 : (vector<16xf32>, vector<16xi32>, vector<16xi1>) -> (vector<16xi1>, vector<16xf32>, vector<16xi32>)
      %get3A_343 = arith.index_cast %scan3A_16 : i32 to index
      %get3A_344 = arith.constant 336 : index
      %get3A_345 = tpu.vector_load %arg5[%get3A_343, %get3A_344] {strides = array<i32>} : memref<32x1024xf32, #tpu.memory_space<vmem>>, vector<16xf32>,
      %add3A_346 = arith.constant 336 : i32
      %add3A_347 = vector.broadcast %add3A_346 : i32 to vector<16xi32>
      %add3A_348 = arith.addi %iota3A, %add3A_347 : vector<16xi32>
      %masked_sort3A_349 = arith.constant dense<true> : vector<16xi1>
      %masked_sort3A_350, %masked_sort3A_351, %masked_sort3A_352 = tpu.sort %get3A_345, %add3A_348 masked %masked_sort3A_349 {descending = true} : (vector<16xf32>, vector<16xi32>, vector<16xi1>) -> (vector<16xi1>, vector<16xf32>, vector<16xi32>)
      %lt3A_353 = arith.cmpf olt, %masked_sort3A_351, %masked_sort3A_290 : vector<16xf32>
      %select_n3A_354 = arith.select %lt3A_353, %masked_sort3A_351, %masked_sort3A_290 : vector<16xi1>, vector<16xf32>
      %select_n3A_355 = arith.select %lt3A_353, %masked_sort3A_352, %masked_sort3A_291 : vector<16xi1>, vector<16xi32>
      %masked_sort3A_356 = arith.constant dense<true> : vector<16xi1>
      %masked_sort3A_357, %masked_sort3A_358, %masked_sort3A_359 = tpu.sort %select_n3A_354, %select_n3A_355 masked %masked_sort3A_356 : (vector<16xf32>, vector<16xi32>, vector<16xi1>) -> (vector<16xi1>, vector<16xf32>, vector<16xi32>)
      %get3A_360 = arith.index_cast %scan3A_16 : i32 to index
      %get3A_361 = arith.constant 352 : index
      %get3A_362 = tpu.vector_load %arg5[%get3A_360, %get3A_361] {strides = array<i32>} : memref<32x1024xf32, #tpu.memory_space<vmem>>, vector<16xf32>,
      %add3A_363 = arith.constant 352 : i32
      %add3A_364 = vector.broadcast %add3A_363 : i32 to vector<16xi32>
      %add3A_365 = arith.addi %iota3A, %add3A_364 : vector<16xi32>
      %masked_sort3A_366 = arith.constant dense<true> : vector<16xi1>
      %masked_sort3A_367, %masked_sort3A_368, %masked_sort3A_369 = tpu.sort %get3A_362, %add3A_365 masked %masked_sort3A_366 {descending = true} : (vector<16xf32>, vector<16xi32>, vector<16xi1>) -> (vector<16xi1>, vector<16xf32>, vector<16xi32>)
      %lt3A_370 = arith.cmpf olt, %masked_sort3A_368, %masked_sort3A_307 : vector<16xf32>
      %select_n3A_371 = arith.select %lt3A_370, %masked_sort3A_368, %masked_sort3A_307 : vector<16xi1>, vector<16xf32>
      %select_n3A_372 = arith.select %lt3A_370, %masked_sort3A_369, %masked_sort3A_308 : vector<16xi1>, vector<16xi32>
      %masked_sort3A_373 = arith.constant dense<true> : vector<16xi1>
      %masked_sort3A_374, %masked_sort3A_375, %masked_sort3A_376 = tpu.sort %select_n3A_371, %select_n3A_372 masked %masked_sort3A_373 : (vector<16xf32>, vector<16xi32>, vector<16xi1>) -> (vector<16xi1>, vector<16xf32>, vector<16xi32>)
      %get3A_377 = arith.index_cast %scan3A_16 : i32 to index
      %get3A_378 = arith.constant 368 : index
      %get3A_379 = tpu.vector_load %arg5[%get3A_377, %get3A_378] {strides = array<i32>} : memref<32x1024xf32, #tpu.memory_space<vmem>>, vector<16xf32>,
      %add3A_380 = arith.constant 368 : i32
      %add3A_381 = vector.broadcast %add3A_380 : i32 to vector<16xi32>
      %add3A_382 = arith.addi %iota3A, %add3A_381 : vector<16xi32>
      %masked_sort3A_383 = arith.constant dense<true> : vector<16xi1>
      %masked_sort3A_384, %masked_sort3A_385, %masked_sort3A_386 = tpu.sort %get3A_379, %add3A_382 masked %masked_sort3A_383 {descending = true} : (vector<16xf32>, vector<16xi32>, vector<16xi1>) -> (vector<16xi1>, vector<16xf32>, vector<16xi32>)
      %lt3A_387 = arith.cmpf olt, %masked_sort3A_385, %masked_sort3A_324 : vector<16xf32>
      %select_n3A_388 = arith.select %lt3A_387, %masked_sort3A_385, %masked_sort3A_324 : vector<16xi1>, vector<16xf32>
      %select_n3A_389 = arith.select %lt3A_387, %masked_sort3A_386, %masked_sort3A_325 : vector<16xi1>, vector<16xi32>
      %masked_sort3A_390 = arith.constant dense<true> : vector<16xi1>
      %masked_sort3A_391, %masked_sort3A_392, %masked_sort3A_393 = tpu.sort %select_n3A_388, %select_n3A_389 masked %masked_sort3A_390 : (vector<16xf32>, vector<16xi32>, vector<16xi1>) -> (vector<16xi1>, vector<16xf32>, vector<16xi32>)
      %get3A_394 = arith.index_cast %scan3A_16 : i32 to index
      %get3A_395 = arith.constant 384 : index
      %get3A_396 = tpu.vector_load %arg5[%get3A_394, %get3A_395] {strides = array<i32>} : memref<32x1024xf32, #tpu.memory_space<vmem>>, vector<16xf32>,
      %add3A_397 = arith.constant 384 : i32
      %add3A_398 = vector.broadcast %add3A_397 : i32 to vector<16xi32>
      %add3A_399 = arith.addi %iota3A, %add3A_398 : vector<16xi32>
      %masked_sort3A_400 = arith.constant dense<true> : vector<16xi1>
      %masked_sort3A_401, %masked_sort3A_402, %masked_sort3A_403 = tpu.sort %get3A_396, %add3A_399 masked %masked_sort3A_400 {descending = true} : (vector<16xf32>, vector<16xi32>, vector<16xi1>) -> (vector<16xi1>, vector<16xf32>, vector<16xi32>)
      %lt3A_404 = arith.cmpf olt, %masked_sort3A_402, %masked_sort3A_341 : vector<16xf32>
      %select_n3A_405 = arith.select %lt3A_404, %masked_sort3A_402, %masked_sort3A_341 : vector<16xi1>, vector<16xf32>
      %select_n3A_406 = arith.select %lt3A_404, %masked_sort3A_403, %masked_sort3A_342 : vector<16xi1>, vector<16xi32>
      %masked_sort3A_407 = arith.constant dense<true> : vector<16xi1>
      %masked_sort3A_408, %masked_sort3A_409, %masked_sort3A_410 = tpu.sort %select_n3A_405, %select_n3A_406 masked %masked_sort3A_407 : (vector<16xf32>, vector<16xi32>, vector<16xi1>) -> (vector<16xi1>, vector<16xf32>, vector<16xi32>)
      %get3A_411 = arith.index_cast %scan3A_16 : i32 to index
      %get3A_412 = arith.constant 400 : index
      %get3A_413 = tpu.vector_load %arg5[%get3A_411, %get3A_412] {strides = array<i32>} : memref<32x1024xf32, #tpu.memory_space<vmem>>, vector<16xf32>,
      %add3A_414 = arith.constant 400 : i32
      %add3A_415 = vector.broadcast %add3A_414 : i32 to vector<16xi32>
      %add3A_416 = arith.addi %iota3A, %add3A_415 : vector<16xi32>
      %masked_sort3A_417 = arith.constant dense<true> : vector<16xi1>
      %masked_sort3A_418, %masked_sort3A_419, %masked_sort3A_420 = tpu.sort %get3A_413, %add3A_416 masked %masked_sort3A_417 {descending = true} : (vector<16xf32>, vector<16xi32>, vector<16xi1>) -> (vector<16xi1>, vector<16xf32>, vector<16xi32>)
      %lt3A_421 = arith.cmpf olt, %masked_sort3A_419, %masked_sort3A_358 : vector<16xf32>
      %select_n3A_422 = arith.select %lt3A_421, %masked_sort3A_419, %masked_sort3A_358 : vector<16xi1>, vector<16xf32>
      %select_n3A_423 = arith.select %lt3A_421, %masked_sort3A_420, %masked_sort3A_359 : vector<16xi1>, vector<16xi32>
      %masked_sort3A_424 = arith.constant dense<true> : vector<16xi1>
      %masked_sort3A_425, %masked_sort3A_426, %masked_sort3A_427 = tpu.sort %select_n3A_422, %select_n3A_423 masked %masked_sort3A_424 : (vector<16xf32>, vector<16xi32>, vector<16xi1>) -> (vector<16xi1>, vector<16xf32>, vector<16xi32>)
      %get3A_428 = arith.index_cast %scan3A_16 : i32 to index
      %get3A_429 = arith.constant 416 : index
      %get3A_430 = tpu.vector_load %arg5[%get3A_428, %get3A_429] {strides = array<i32>} : memref<32x1024xf32, #tpu.memory_space<vmem>>, vector<16xf32>,
      %add3A_431 = arith.constant 416 : i32
      %add3A_432 = vector.broadcast %add3A_431 : i32 to vector<16xi32>
      %add3A_433 = arith.addi %iota3A, %add3A_432 : vector<16xi32>
      %masked_sort3A_434 = arith.constant dense<true> : vector<16xi1>
      %masked_sort3A_435, %masked_sort3A_436, %masked_sort3A_437 = tpu.sort %get3A_430, %add3A_433 masked %masked_sort3A_434 {descending = true} : (vector<16xf32>, vector<16xi32>, vector<16xi1>) -> (vector<16xi1>, vector<16xf32>, vector<16xi32>)
      %lt3A_438 = arith.cmpf olt, %masked_sort3A_436, %masked_sort3A_375 : vector<16xf32>
      %select_n3A_439 = arith.select %lt3A_438, %masked_sort3A_436, %masked_sort3A_375 : vector<16xi1>, vector<16xf32>
      %select_n3A_440 = arith.select %lt3A_438, %masked_sort3A_437, %masked_sort3A_376 : vector<16xi1>, vector<16xi32>
      %masked_sort3A_441 = arith.constant dense<true> : vector<16xi1>
      %masked_sort3A_442, %masked_sort3A_443, %masked_sort3A_444 = tpu.sort %select_n3A_439, %select_n3A_440 masked %masked_sort3A_441 : (vector<16xf32>, vector<16xi32>, vector<16xi1>) -> (vector<16xi1>, vector<16xf32>, vector<16xi32>)
      %get3A_445 = arith.index_cast %scan3A_16 : i32 to index
      %get3A_446 = arith.constant 432 : index
      %get3A_447 = tpu.vector_load %arg5[%get3A_445, %get3A_446] {strides = array<i32>} : memref<32x1024xf32, #tpu.memory_space<vmem>>, vector<16xf32>,
      %add3A_448 = arith.constant 432 : i32
      %add3A_449 = vector.broadcast %add3A_448 : i32 to vector<16xi32>
      %add3A_450 = arith.addi %iota3A, %add3A_449 : vector<16xi32>
      %masked_sort3A_451 = arith.constant dense<true> : vector<16xi1>
      %masked_sort3A_452, %masked_sort3A_453, %masked_sort3A_454 = tpu.sort %get3A_447, %add3A_450 masked %masked_sort3A_451 {descending = true} : (vector<16xf32>, vector<16xi32>, vector<16xi1>) -> (vector<16xi1>, vector<16xf32>, vector<16xi32>)
      %lt3A_455 = arith.cmpf olt, %masked_sort3A_453, %masked_sort3A_392 : vector<16xf32>
      %select_n3A_456 = arith.select %lt3A_455, %masked_sort3A_453, %masked_sort3A_392 : vector<16xi1>, vector<16xf32>
      %select_n3A_457 = arith.select %lt3A_455, %masked_sort3A_454, %masked_sort3A_393 : vector<16xi1>, vector<16xi32>
      %masked_sort3A_458 = arith.constant dense<true> : vector<16xi1>
      %masked_sort3A_459, %masked_sort3A_460, %masked_sort3A_461 = tpu.sort %select_n3A_456, %select_n3A_457 masked %masked_sort3A_458 : (vector<16xf32>, vector<16xi32>, vector<16xi1>) -> (vector<16xi1>, vector<16xf32>, vector<16xi32>)
      %get3A_462 = arith.index_cast %scan3A_16 : i32 to index
      %get3A_463 = arith.constant 448 : index
      %get3A_464 = tpu.vector_load %arg5[%get3A_462, %get3A_463] {strides = array<i32>} : memref<32x1024xf32, #tpu.memory_space<vmem>>, vector<16xf32>,
      %add3A_465 = arith.constant 448 : i32
      %add3A_466 = vector.broadcast %add3A_465 : i32 to vector<16xi32>
      %add3A_467 = arith.addi %iota3A, %add3A_466 : vector<16xi32>
      %masked_sort3A_468 = arith.constant dense<true> : vector<16xi1>
      %masked_sort3A_469, %masked_sort3A_470, %masked_sort3A_471 = tpu.sort %get3A_464, %add3A_467 masked %masked_sort3A_468 {descending = true} : (vector<16xf32>, vector<16xi32>, vector<16xi1>) -> (vector<16xi1>, vector<16xf32>, vector<16xi32>)
      %lt3A_472 = arith.cmpf olt, %masked_sort3A_470, %masked_sort3A_409 : vector<16xf32>
      %select_n3A_473 = arith.select %lt3A_472, %masked_sort3A_470, %masked_sort3A_409 : vector<16xi1>, vector<16xf32>
      %select_n3A_474 = arith.select %lt3A_472, %masked_sort3A_471, %masked_sort3A_410 : vector<16xi1>, vector<16xi32>
      %masked_sort3A_475 = arith.constant dense<true> : vector<16xi1>
      %masked_sort3A_476, %masked_sort3A_477, %masked_sort3A_478 = tpu.sort %select_n3A_473, %select_n3A_474 masked %masked_sort3A_475 : (vector<16xf32>, vector<16xi32>, vector<16xi1>) -> (vector<16xi1>, vector<16xf32>, vector<16xi32>)
      %get3A_479 = arith.index_cast %scan3A_16 : i32 to index
      %get3A_480 = arith.constant 464 : index
      %get3A_481 = tpu.vector_load %arg5[%get3A_479, %get3A_480] {strides = array<i32>} : memref<32x1024xf32, #tpu.memory_space<vmem>>, vector<16xf32>,
      %add3A_482 = arith.constant 464 : i32
      %add3A_483 = vector.broadcast %add3A_482 : i32 to vector<16xi32>
      %add3A_484 = arith.addi %iota3A, %add3A_483 : vector<16xi32>
      %masked_sort3A_485 = arith.constant dense<true> : vector<16xi1>
      %masked_sort3A_486, %masked_sort3A_487, %masked_sort3A_488 = tpu.sort %get3A_481, %add3A_484 masked %masked_sort3A_485 {descending = true} : (vector<16xf32>, vector<16xi32>, vector<16xi1>) -> (vector<16xi1>, vector<16xf32>, vector<16xi32>)
      %lt3A_489 = arith.cmpf olt, %masked_sort3A_487, %masked_sort3A_426 : vector<16xf32>
      %select_n3A_490 = arith.select %lt3A_489, %masked_sort3A_487, %masked_sort3A_426 : vector<16xi1>, vector<16xf32>
      %select_n3A_491 = arith.select %lt3A_489, %masked_sort3A_488, %masked_sort3A_427 : vector<16xi1>, vector<16xi32>
      %masked_sort3A_492 = arith.constant dense<true> : vector<16xi1>
      %masked_sort3A_493, %masked_sort3A_494, %masked_sort3A_495 = tpu.sort %select_n3A_490, %select_n3A_491 masked %masked_sort3A_492 : (vector<16xf32>, vector<16xi32>, vector<16xi1>) -> (vector<16xi1>, vector<16xf32>, vector<16xi32>)
      %get3A_496 = arith.index_cast %scan3A_16 : i32 to index
      %get3A_497 = arith.constant 480 : index
      %get3A_498 = tpu.vector_load %arg5[%get3A_496, %get3A_497] {strides = array<i32>} : memref<32x1024xf32, #tpu.memory_space<vmem>>, vector<16xf32>,
      %add3A_499 = arith.constant 480 : i32
      %add3A_500 = vector.broadcast %add3A_499 : i32 to vector<16xi32>
      %add3A_501 = arith.addi %iota3A, %add3A_500 : vector<16xi32>
      %masked_sort3A_502 = arith.constant dense<true> : vector<16xi1>
      %masked_sort3A_503, %masked_sort3A_504, %masked_sort3A_505 = tpu.sort %get3A_498, %add3A_501 masked %masked_sort3A_502 {descending = true} : (vector<16xf32>, vector<16xi32>, vector<16xi1>) -> (vector<16xi1>, vector<16xf32>, vector<16xi32>)
      %lt3A_506 = arith.cmpf olt, %masked_sort3A_504, %masked_sort3A_443 : vector<16xf32>
      %select_n3A_507 = arith.select %lt3A_506, %masked_sort3A_504, %masked_sort3A_443 : vector<16xi1>, vector<16xf32>
      %select_n3A_508 = arith.select %lt3A_506, %masked_sort3A_505, %masked_sort3A_444 : vector<16xi1>, vector<16xi32>
      %masked_sort3A_509 = arith.constant dense<true> : vector<16xi1>
      %masked_sort3A_510, %masked_sort3A_511, %masked_sort3A_512 = tpu.sort %select_n3A_507, %select_n3A_508 masked %masked_sort3A_509 : (vector<16xf32>, vector<16xi32>, vector<16xi1>) -> (vector<16xi1>, vector<16xf32>, vector<16xi32>)
      %get3A_513 = arith.index_cast %scan3A_16 : i32 to index
      %get3A_514 = arith.constant 496 : index
      %get3A_515 = tpu.vector_load %arg5[%get3A_513, %get3A_514] {strides = array<i32>} : memref<32x1024xf32, #tpu.memory_space<vmem>>, vector<16xf32>,
      %add3A_516 = arith.constant 496 : i32
      %add3A_517 = vector.broadcast %add3A_516 : i32 to vector<16xi32>
      %add3A_518 = arith.addi %iota3A, %add3A_517 : vector<16xi32>
      %masked_sort3A_519 = arith.constant dense<true> : vector<16xi1>
      %masked_sort3A_520, %masked_sort3A_521, %masked_sort3A_522 = tpu.sort %get3A_515, %add3A_518 masked %masked_sort3A_519 {descending = true} : (vector<16xf32>, vector<16xi32>, vector<16xi1>) -> (vector<16xi1>, vector<16xf32>, vector<16xi32>)
      %lt3A_523 = arith.cmpf olt, %masked_sort3A_521, %masked_sort3A_460 : vector<16xf32>
      %select_n3A_524 = arith.select %lt3A_523, %masked_sort3A_521, %masked_sort3A_460 : vector<16xi1>, vector<16xf32>
      %select_n3A_525 = arith.select %lt3A_523, %masked_sort3A_522, %masked_sort3A_461 : vector<16xi1>, vector<16xi32>
      %masked_sort3A_526 = arith.constant dense<true> : vector<16xi1>
      %masked_sort3A_527, %masked_sort3A_528, %masked_sort3A_529 = tpu.sort %select_n3A_524, %select_n3A_525 masked %masked_sort3A_526 : (vector<16xf32>, vector<16xi32>, vector<16xi1>) -> (vector<16xi1>, vector<16xf32>, vector<16xi32>)
      %get3A_530 = arith.index_cast %scan3A_16 : i32 to index
      %get3A_531 = arith.constant 512 : index
      %get3A_532 = tpu.vector_load %arg5[%get3A_530, %get3A_531] {strides = array<i32>} : memref<32x1024xf32, #tpu.memory_space<vmem>>, vector<16xf32>,
      %add3A_533 = arith.constant 512 : i32
      %add3A_534 = vector.broadcast %add3A_533 : i32 to vector<16xi32>
      %add3A_535 = arith.addi %iota3A, %add3A_534 : vector<16xi32>
      %masked_sort3A_536 = arith.constant dense<true> : vector<16xi1>
      %masked_sort3A_537, %masked_sort3A_538, %masked_sort3A_539 = tpu.sort %get3A_532, %add3A_535 masked %masked_sort3A_536 {descending = true} : (vector<16xf32>, vector<16xi32>, vector<16xi1>) -> (vector<16xi1>, vector<16xf32>, vector<16xi32>)
      %lt3A_540 = arith.cmpf olt, %masked_sort3A_538, %masked_sort3A_477 : vector<16xf32>
      %select_n3A_541 = arith.select %lt3A_540, %masked_sort3A_538, %masked_sort3A_477 : vector<16xi1>, vector<16xf32>
      %select_n3A_542 = arith.select %lt3A_540, %masked_sort3A_539, %masked_sort3A_478 : vector<16xi1>, vector<16xi32>
      %masked_sort3A_543 = arith.constant dense<true> : vector<16xi1>
      %masked_sort3A_544, %masked_sort3A_545, %masked_sort3A_546 = tpu.sort %select_n3A_541, %select_n3A_542 masked %masked_sort3A_543 : (vector<16xf32>, vector<16xi32>, vector<16xi1>) -> (vector<16xi1>, vector<16xf32>, vector<16xi32>)
      %get3A_547 = arith.index_cast %scan3A_16 : i32 to index
      %get3A_548 = arith.constant 528 : index
      %get3A_549 = tpu.vector_load %arg5[%get3A_547, %get3A_548] {strides = array<i32>} : memref<32x1024xf32, #tpu.memory_space<vmem>>, vector<16xf32>,
      %add3A_550 = arith.constant 528 : i32
      %add3A_551 = vector.broadcast %add3A_550 : i32 to vector<16xi32>
      %add3A_552 = arith.addi %iota3A, %add3A_551 : vector<16xi32>
      %masked_sort3A_553 = arith.constant dense<true> : vector<16xi1>
      %masked_sort3A_554, %masked_sort3A_555, %masked_sort3A_556 = tpu.sort %get3A_549, %add3A_552 masked %masked_sort3A_553 {descending = true} : (vector<16xf32>, vector<16xi32>, vector<16xi1>) -> (vector<16xi1>, vector<16xf32>, vector<16xi32>)
      %lt3A_557 = arith.cmpf olt, %masked_sort3A_555, %masked_sort3A_494 : vector<16xf32>
      %select_n3A_558 = arith.select %lt3A_557, %masked_sort3A_555, %masked_sort3A_494 : vector<16xi1>, vector<16xf32>
      %select_n3A_559 = arith.select %lt3A_557, %masked_sort3A_556, %masked_sort3A_495 : vector<16xi1>, vector<16xi32>
      %masked_sort3A_560 = arith.constant dense<true> : vector<16xi1>
      %masked_sort3A_561, %masked_sort3A_562, %masked_sort3A_563 = tpu.sort %select_n3A_558, %select_n3A_559 masked %masked_sort3A_560 : (vector<16xf32>, vector<16xi32>, vector<16xi1>) -> (vector<16xi1>, vector<16xf32>, vector<16xi32>)
      %get3A_564 = arith.index_cast %scan3A_16 : i32 to index
      %get3A_565 = arith.constant 544 : index
      %get3A_566 = tpu.vector_load %arg5[%get3A_564, %get3A_565] {strides = array<i32>} : memref<32x1024xf32, #tpu.memory_space<vmem>>, vector<16xf32>,
      %add3A_567 = arith.constant 544 : i32
      %add3A_568 = vector.broadcast %add3A_567 : i32 to vector<16xi32>
      %add3A_569 = arith.addi %iota3A, %add3A_568 : vector<16xi32>
      %masked_sort3A_570 = arith.constant dense<true> : vector<16xi1>
      %masked_sort3A_571, %masked_sort3A_572, %masked_sort3A_573 = tpu.sort %get3A_566, %add3A_569 masked %masked_sort3A_570 {descending = true} : (vector<16xf32>, vector<16xi32>, vector<16xi1>) -> (vector<16xi1>, vector<16xf32>, vector<16xi32>)
      %lt3A_574 = arith.cmpf olt, %masked_sort3A_572, %masked_sort3A_511 : vector<16xf32>
      %select_n3A_575 = arith.select %lt3A_574, %masked_sort3A_572, %masked_sort3A_511 : vector<16xi1>, vector<16xf32>
      %select_n3A_576 = arith.select %lt3A_574, %masked_sort3A_573, %masked_sort3A_512 : vector<16xi1>, vector<16xi32>
      %masked_sort3A_577 = arith.constant dense<true> : vector<16xi1>
      %masked_sort3A_578, %masked_sort3A_579, %masked_sort3A_580 = tpu.sort %select_n3A_575, %select_n3A_576 masked %masked_sort3A_577 : (vector<16xf32>, vector<16xi32>, vector<16xi1>) -> (vector<16xi1>, vector<16xf32>, vector<16xi32>)
      %get3A_581 = arith.index_cast %scan3A_16 : i32 to index
      %get3A_582 = arith.constant 560 : index
      %get3A_583 = tpu.vector_load %arg5[%get3A_581, %get3A_582] {strides = array<i32>} : memref<32x1024xf32, #tpu.memory_space<vmem>>, vector<16xf32>,
      %add3A_584 = arith.constant 560 : i32
      %add3A_585 = vector.broadcast %add3A_584 : i32 to vector<16xi32>
      %add3A_586 = arith.addi %iota3A, %add3A_585 : vector<16xi32>
      %masked_sort3A_587 = arith.constant dense<true> : vector<16xi1>
      %masked_sort3A_588, %masked_sort3A_589, %masked_sort3A_590 = tpu.sort %get3A_583, %add3A_586 masked %masked_sort3A_587 {descending = true} : (vector<16xf32>, vector<16xi32>, vector<16xi1>) -> (vector<16xi1>, vector<16xf32>, vector<16xi32>)
      %lt3A_591 = arith.cmpf olt, %masked_sort3A_589, %masked_sort3A_528 : vector<16xf32>
      %select_n3A_592 = arith.select %lt3A_591, %masked_sort3A_589, %masked_sort3A_528 : vector<16xi1>, vector<16xf32>
      %select_n3A_593 = arith.select %lt3A_591, %masked_sort3A_590, %masked_sort3A_529 : vector<16xi1>, vector<16xi32>
      %masked_sort3A_594 = arith.constant dense<true> : vector<16xi1>
      %masked_sort3A_595, %masked_sort3A_596, %masked_sort3A_597 = tpu.sort %select_n3A_592, %select_n3A_593 masked %masked_sort3A_594 : (vector<16xf32>, vector<16xi32>, vector<16xi1>) -> (vector<16xi1>, vector<16xf32>, vector<16xi32>)
      %get3A_598 = arith.index_cast %scan3A_16 : i32 to index
      %get3A_599 = arith.constant 576 : index
      %get3A_600 = tpu.vector_load %arg5[%get3A_598, %get3A_599] {strides = array<i32>} : memref<32x1024xf32, #tpu.memory_space<vmem>>, vector<16xf32>,
      %add3A_601 = arith.constant 576 : i32
      %add3A_602 = vector.broadcast %add3A_601 : i32 to vector<16xi32>
      %add3A_603 = arith.addi %iota3A, %add3A_602 : vector<16xi32>
      %masked_sort3A_604 = arith.constant dense<true> : vector<16xi1>
      %masked_sort3A_605, %masked_sort3A_606, %masked_sort3A_607 = tpu.sort %get3A_600, %add3A_603 masked %masked_sort3A_604 {descending = true} : (vector<16xf32>, vector<16xi32>, vector<16xi1>) -> (vector<16xi1>, vector<16xf32>, vector<16xi32>)
      %lt3A_608 = arith.cmpf olt, %masked_sort3A_606, %masked_sort3A_545 : vector<16xf32>
      %select_n3A_609 = arith.select %lt3A_608, %masked_sort3A_606, %masked_sort3A_545 : vector<16xi1>, vector<16xf32>
      %select_n3A_610 = arith.select %lt3A_608, %masked_sort3A_607, %masked_sort3A_546 : vector<16xi1>, vector<16xi32>
      %masked_sort3A_611 = arith.constant dense<true> : vector<16xi1>
      %masked_sort3A_612, %masked_sort3A_613, %masked_sort3A_614 = tpu.sort %select_n3A_609, %select_n3A_610 masked %masked_sort3A_611 : (vector<16xf32>, vector<16xi32>, vector<16xi1>) -> (vector<16xi1>, vector<16xf32>, vector<16xi32>)
      %get3A_615 = arith.index_cast %scan3A_16 : i32 to index
      %get3A_616 = arith.constant 592 : index
      %get3A_617 = tpu.vector_load %arg5[%get3A_615, %get3A_616] {strides = array<i32>} : memref<32x1024xf32, #tpu.memory_space<vmem>>, vector<16xf32>,
      %add3A_618 = arith.constant 592 : i32
      %add3A_619 = vector.broadcast %add3A_618 : i32 to vector<16xi32>
      %add3A_620 = arith.addi %iota3A, %add3A_619 : vector<16xi32>
      %masked_sort3A_621 = arith.constant dense<true> : vector<16xi1>
      %masked_sort3A_622, %masked_sort3A_623, %masked_sort3A_624 = tpu.sort %get3A_617, %add3A_620 masked %masked_sort3A_621 {descending = true} : (vector<16xf32>, vector<16xi32>, vector<16xi1>) -> (vector<16xi1>, vector<16xf32>, vector<16xi32>)
      %lt3A_625 = arith.cmpf olt, %masked_sort3A_623, %masked_sort3A_562 : vector<16xf32>
      %select_n3A_626 = arith.select %lt3A_625, %masked_sort3A_623, %masked_sort3A_562 : vector<16xi1>, vector<16xf32>
      %select_n3A_627 = arith.select %lt3A_625, %masked_sort3A_624, %masked_sort3A_563 : vector<16xi1>, vector<16xi32>
      %masked_sort3A_628 = arith.constant dense<true> : vector<16xi1>
      %masked_sort3A_629, %masked_sort3A_630, %masked_sort3A_631 = tpu.sort %select_n3A_626, %select_n3A_627 masked %masked_sort3A_628 : (vector<16xf32>, vector<16xi32>, vector<16xi1>) -> (vector<16xi1>, vector<16xf32>, vector<16xi32>)
      %get3A_632 = arith.index_cast %scan3A_16 : i32 to index
      %get3A_633 = arith.constant 608 : index
      %get3A_634 = tpu.vector_load %arg5[%get3A_632, %get3A_633] {strides = array<i32>} : memref<32x1024xf32, #tpu.memory_space<vmem>>, vector<16xf32>,
      %add3A_635 = arith.constant 608 : i32
      %add3A_636 = vector.broadcast %add3A_635 : i32 to vector<16xi32>
      %add3A_637 = arith.addi %iota3A, %add3A_636 : vector<16xi32>
      %masked_sort3A_638 = arith.constant dense<true> : vector<16xi1>
      %masked_sort3A_639, %masked_sort3A_640, %masked_sort3A_641 = tpu.sort %get3A_634, %add3A_637 masked %masked_sort3A_638 {descending = true} : (vector<16xf32>, vector<16xi32>, vector<16xi1>) -> (vector<16xi1>, vector<16xf32>, vector<16xi32>)
      %lt3A_642 = arith.cmpf olt, %masked_sort3A_640, %masked_sort3A_579 : vector<16xf32>
      %select_n3A_643 = arith.select %lt3A_642, %masked_sort3A_640, %masked_sort3A_579 : vector<16xi1>, vector<16xf32>
      %select_n3A_644 = arith.select %lt3A_642, %masked_sort3A_641, %masked_sort3A_580 : vector<16xi1>, vector<16xi32>
      %masked_sort3A_645 = arith.constant dense<true> : vector<16xi1>
      %masked_sort3A_646, %masked_sort3A_647, %masked_sort3A_648 = tpu.sort %select_n3A_643, %select_n3A_644 masked %masked_sort3A_645 : (vector<16xf32>, vector<16xi32>, vector<16xi1>) -> (vector<16xi1>, vector<16xf32>, vector<16xi32>)
      %get3A_649 = arith.index_cast %scan3A_16 : i32 to index
      %get3A_650 = arith.constant 624 : index
      %get3A_651 = tpu.vector_load %arg5[%get3A_649, %get3A_650] {strides = array<i32>} : memref<32x1024xf32, #tpu.memory_space<vmem>>, vector<16xf32>,
      %add3A_652 = arith.constant 624 : i32
      %add3A_653 = vector.broadcast %add3A_652 : i32 to vector<16xi32>
      %add3A_654 = arith.addi %iota3A, %add3A_653 : vector<16xi32>
      %masked_sort3A_655 = arith.constant dense<true> : vector<16xi1>
      %masked_sort3A_656, %masked_sort3A_657, %masked_sort3A_658 = tpu.sort %get3A_651, %add3A_654 masked %masked_sort3A_655 {descending = true} : (vector<16xf32>, vector<16xi32>, vector<16xi1>) -> (vector<16xi1>, vector<16xf32>, vector<16xi32>)
      %lt3A_659 = arith.cmpf olt, %masked_sort3A_657, %masked_sort3A_596 : vector<16xf32>
      %select_n3A_660 = arith.select %lt3A_659, %masked_sort3A_657, %masked_sort3A_596 : vector<16xi1>, vector<16xf32>
      %select_n3A_661 = arith.select %lt3A_659, %masked_sort3A_658, %masked_sort3A_597 : vector<16xi1>, vector<16xi32>
      %masked_sort3A_662 = arith.constant dense<true> : vector<16xi1>
      %masked_sort3A_663, %masked_sort3A_664, %masked_sort3A_665 = tpu.sort %select_n3A_660, %select_n3A_661 masked %masked_sort3A_662 : (vector<16xf32>, vector<16xi32>, vector<16xi1>) -> (vector<16xi1>, vector<16xf32>, vector<16xi32>)
      %get3A_666 = arith.index_cast %scan3A_16 : i32 to index
      %get3A_667 = arith.constant 640 : index
      %get3A_668 = tpu.vector_load %arg5[%get3A_666, %get3A_667] {strides = array<i32>} : memref<32x1024xf32, #tpu.memory_space<vmem>>, vector<16xf32>,
      %add3A_669 = arith.constant 640 : i32
      %add3A_670 = vector.broadcast %add3A_669 : i32 to vector<16xi32>
      %add3A_671 = arith.addi %iota3A, %add3A_670 : vector<16xi32>
      %masked_sort3A_672 = arith.constant dense<true> : vector<16xi1>
      %masked_sort3A_673, %masked_sort3A_674, %masked_sort3A_675 = tpu.sort %get3A_668, %add3A_671 masked %masked_sort3A_672 {descending = true} : (vector<16xf32>, vector<16xi32>, vector<16xi1>) -> (vector<16xi1>, vector<16xf32>, vector<16xi32>)
      %lt3A_676 = arith.cmpf olt, %masked_sort3A_674, %masked_sort3A_613 : vector<16xf32>
      %select_n3A_677 = arith.select %lt3A_676, %masked_sort3A_674, %masked_sort3A_613 : vector<16xi1>, vector<16xf32>
      %select_n3A_678 = arith.select %lt3A_676, %masked_sort3A_675, %masked_sort3A_614 : vector<16xi1>, vector<16xi32>
      %masked_sort3A_679 = arith.constant dense<true> : vector<16xi1>
      %masked_sort3A_680, %masked_sort3A_681, %masked_sort3A_682 = tpu.sort %select_n3A_677, %select_n3A_678 masked %masked_sort3A_679 : (vector<16xf32>, vector<16xi32>, vector<16xi1>) -> (vector<16xi1>, vector<16xf32>, vector<16xi32>)
      %get3A_683 = arith.index_cast %scan3A_16 : i32 to index
      %get3A_684 = arith.constant 656 : index
      %get3A_685 = tpu.vector_load %arg5[%get3A_683, %get3A_684] {strides = array<i32>} : memref<32x1024xf32, #tpu.memory_space<vmem>>, vector<16xf32>,
      %add3A_686 = arith.constant 656 : i32
      %add3A_687 = vector.broadcast %add3A_686 : i32 to vector<16xi32>
      %add3A_688 = arith.addi %iota3A, %add3A_687 : vector<16xi32>
      %masked_sort3A_689 = arith.constant dense<true> : vector<16xi1>
      %masked_sort3A_690, %masked_sort3A_691, %masked_sort3A_692 = tpu.sort %get3A_685, %add3A_688 masked %masked_sort3A_689 {descending = true} : (vector<16xf32>, vector<16xi32>, vector<16xi1>) -> (vector<16xi1>, vector<16xf32>, vector<16xi32>)
      %lt3A_693 = arith.cmpf olt, %masked_sort3A_691, %masked_sort3A_630 : vector<16xf32>
      %select_n3A_694 = arith.select %lt3A_693, %masked_sort3A_691, %masked_sort3A_630 : vector<16xi1>, vector<16xf32>
      %select_n3A_695 = arith.select %lt3A_693, %masked_sort3A_692, %masked_sort3A_631 : vector<16xi1>, vector<16xi32>
      %masked_sort3A_696 = arith.constant dense<true> : vector<16xi1>
      %masked_sort3A_697, %masked_sort3A_698, %masked_sort3A_699 = tpu.sort %select_n3A_694, %select_n3A_695 masked %masked_sort3A_696 : (vector<16xf32>, vector<16xi32>, vector<16xi1>) -> (vector<16xi1>, vector<16xf32>, vector<16xi32>)
      %get3A_700 = arith.index_cast %scan3A_16 : i32 to index
      %get3A_701 = arith.constant 672 : index
      %get3A_702 = tpu.vector_load %arg5[%get3A_700, %get3A_701] {strides = array<i32>} : memref<32x1024xf32, #tpu.memory_space<vmem>>, vector<16xf32>,
      %add3A_703 = arith.constant 672 : i32
      %add3A_704 = vector.broadcast %add3A_703 : i32 to vector<16xi32>
      %add3A_705 = arith.addi %iota3A, %add3A_704 : vector<16xi32>
      %masked_sort3A_706 = arith.constant dense<true> : vector<16xi1>
      %masked_sort3A_707, %masked_sort3A_708, %masked_sort3A_709 = tpu.sort %get3A_702, %add3A_705 masked %masked_sort3A_706 {descending = true} : (vector<16xf32>, vector<16xi32>, vector<16xi1>) -> (vector<16xi1>, vector<16xf32>, vector<16xi32>)
      %lt3A_710 = arith.cmpf olt, %masked_sort3A_708, %masked_sort3A_647 : vector<16xf32>
      %select_n3A_711 = arith.select %lt3A_710, %masked_sort3A_708, %masked_sort3A_647 : vector<16xi1>, vector<16xf32>
      %select_n3A_712 = arith.select %lt3A_710, %masked_sort3A_709, %masked_sort3A_648 : vector<16xi1>, vector<16xi32>
      %masked_sort3A_713 = arith.constant dense<true> : vector<16xi1>
      %masked_sort3A_714, %masked_sort3A_715, %masked_sort3A_716 = tpu.sort %select_n3A_711, %select_n3A_712 masked %masked_sort3A_713 : (vector<16xf32>, vector<16xi32>, vector<16xi1>) -> (vector<16xi1>, vector<16xf32>, vector<16xi32>)
      %get3A_717 = arith.index_cast %scan3A_16 : i32 to index
      %get3A_718 = arith.constant 688 : index
      %get3A_719 = tpu.vector_load %arg5[%get3A_717, %get3A_718] {strides = array<i32>} : memref<32x1024xf32, #tpu.memory_space<vmem>>, vector<16xf32>,
      %add3A_720 = arith.constant 688 : i32
      %add3A_721 = vector.broadcast %add3A_720 : i32 to vector<16xi32>
      %add3A_722 = arith.addi %iota3A, %add3A_721 : vector<16xi32>
      %masked_sort3A_723 = arith.constant dense<true> : vector<16xi1>
      %masked_sort3A_724, %masked_sort3A_725, %masked_sort3A_726 = tpu.sort %get3A_719, %add3A_722 masked %masked_sort3A_723 {descending = true} : (vector<16xf32>, vector<16xi32>, vector<16xi1>) -> (vector<16xi1>, vector<16xf32>, vector<16xi32>)
      %lt3A_727 = arith.cmpf olt, %masked_sort3A_725, %masked_sort3A_664 : vector<16xf32>
      %select_n3A_728 = arith.select %lt3A_727, %masked_sort3A_725, %masked_sort3A_664 : vector<16xi1>, vector<16xf32>
      %select_n3A_729 = arith.select %lt3A_727, %masked_sort3A_726, %masked_sort3A_665 : vector<16xi1>, vector<16xi32>
      %masked_sort3A_730 = arith.constant dense<true> : vector<16xi1>
      %masked_sort3A_731, %masked_sort3A_732, %masked_sort3A_733 = tpu.sort %select_n3A_728, %select_n3A_729 masked %masked_sort3A_730 : (vector<16xf32>, vector<16xi32>, vector<16xi1>) -> (vector<16xi1>, vector<16xf32>, vector<16xi32>)
      %get3A_734 = arith.index_cast %scan3A_16 : i32 to index
      %get3A_735 = arith.constant 704 : index
      %get3A_736 = tpu.vector_load %arg5[%get3A_734, %get3A_735] {strides = array<i32>} : memref<32x1024xf32, #tpu.memory_space<vmem>>, vector<16xf32>,
      %add3A_737 = arith.constant 704 : i32
      %add3A_738 = vector.broadcast %add3A_737 : i32 to vector<16xi32>
      %add3A_739 = arith.addi %iota3A, %add3A_738 : vector<16xi32>
      %masked_sort3A_740 = arith.constant dense<true> : vector<16xi1>
      %masked_sort3A_741, %masked_sort3A_742, %masked_sort3A_743 = tpu.sort %get3A_736, %add3A_739 masked %masked_sort3A_740 {descending = true} : (vector<16xf32>, vector<16xi32>, vector<16xi1>) -> (vector<16xi1>, vector<16xf32>, vector<16xi32>)
      %lt3A_744 = arith.cmpf olt, %masked_sort3A_742, %masked_sort3A_681 : vector<16xf32>
      %select_n3A_745 = arith.select %lt3A_744, %masked_sort3A_742, %masked_sort3A_681 : vector<16xi1>, vector<16xf32>
      %select_n3A_746 = arith.select %lt3A_744, %masked_sort3A_743, %masked_sort3A_682 : vector<16xi1>, vector<16xi32>
      %masked_sort3A_747 = arith.constant dense<true> : vector<16xi1>
      %masked_sort3A_748, %masked_sort3A_749, %masked_sort3A_750 = tpu.sort %select_n3A_745, %select_n3A_746 masked %masked_sort3A_747 : (vector<16xf32>, vector<16xi32>, vector<16xi1>) -> (vector<16xi1>, vector<16xf32>, vector<16xi32>)
      %get3A_751 = arith.index_cast %scan3A_16 : i32 to index
      %get3A_752 = arith.constant 720 : index
      %get3A_753 = tpu.vector_load %arg5[%get3A_751, %get3A_752] {strides = array<i32>} : memref<32x1024xf32, #tpu.memory_space<vmem>>, vector<16xf32>,
      %add3A_754 = arith.constant 720 : i32
      %add3A_755 = vector.broadcast %add3A_754 : i32 to vector<16xi32>
      %add3A_756 = arith.addi %iota3A, %add3A_755 : vector<16xi32>
      %masked_sort3A_757 = arith.constant dense<true> : vector<16xi1>
      %masked_sort3A_758, %masked_sort3A_759, %masked_sort3A_760 = tpu.sort %get3A_753, %add3A_756 masked %masked_sort3A_757 {descending = true} : (vector<16xf32>, vector<16xi32>, vector<16xi1>) -> (vector<16xi1>, vector<16xf32>, vector<16xi32>)
      %lt3A_761 = arith.cmpf olt, %masked_sort3A_759, %masked_sort3A_698 : vector<16xf32>
      %select_n3A_762 = arith.select %lt3A_761, %masked_sort3A_759, %masked_sort3A_698 : vector<16xi1>, vector<16xf32>
      %select_n3A_763 = arith.select %lt3A_761, %masked_sort3A_760, %masked_sort3A_699 : vector<16xi1>, vector<16xi32>
      %masked_sort3A_764 = arith.constant dense<true> : vector<16xi1>
      %masked_sort3A_765, %masked_sort3A_766, %masked_sort3A_767 = tpu.sort %select_n3A_762, %select_n3A_763 masked %masked_sort3A_764 : (vector<16xf32>, vector<16xi32>, vector<16xi1>) -> (vector<16xi1>, vector<16xf32>, vector<16xi32>)
      %get3A_768 = arith.index_cast %scan3A_16 : i32 to index
      %get3A_769 = arith.constant 736 : index
      %get3A_770 = tpu.vector_load %arg5[%get3A_768, %get3A_769] {strides = array<i32>} : memref<32x1024xf32, #tpu.memory_space<vmem>>, vector<16xf32>,
      %add3A_771 = arith.constant 736 : i32
      %add3A_772 = vector.broadcast %add3A_771 : i32 to vector<16xi32>
      %add3A_773 = arith.addi %iota3A, %add3A_772 : vector<16xi32>
      %masked_sort3A_774 = arith.constant dense<true> : vector<16xi1>
      %masked_sort3A_775, %masked_sort3A_776, %masked_sort3A_777 = tpu.sort %get3A_770, %add3A_773 masked %masked_sort3A_774 {descending = true} : (vector<16xf32>, vector<16xi32>, vector<16xi1>) -> (vector<16xi1>, vector<16xf32>, vector<16xi32>)
      %lt3A_778 = arith.cmpf olt, %masked_sort3A_776, %masked_sort3A_715 : vector<16xf32>
      %select_n3A_779 = arith.select %lt3A_778, %masked_sort3A_776, %masked_sort3A_715 : vector<16xi1>, vector<16xf32>
      %select_n3A_780 = arith.select %lt3A_778, %masked_sort3A_777, %masked_sort3A_716 : vector<16xi1>, vector<16xi32>
      %masked_sort3A_781 = arith.constant dense<true> : vector<16xi1>
      %masked_sort3A_782, %masked_sort3A_783, %masked_sort3A_784 = tpu.sort %select_n3A_779, %select_n3A_780 masked %masked_sort3A_781 : (vector<16xf32>, vector<16xi32>, vector<16xi1>) -> (vector<16xi1>, vector<16xf32>, vector<16xi32>)
      %get3A_785 = arith.index_cast %scan3A_16 : i32 to index
      %get3A_786 = arith.constant 752 : index
      %get3A_787 = tpu.vector_load %arg5[%get3A_785, %get3A_786] {strides = array<i32>} : memref<32x1024xf32, #tpu.memory_space<vmem>>, vector<16xf32>,
      %add3A_788 = arith.constant 752 : i32
      %add3A_789 = vector.broadcast %add3A_788 : i32 to vector<16xi32>
      %add3A_790 = arith.addi %iota3A, %add3A_789 : vector<16xi32>
      %masked_sort3A_791 = arith.constant dense<true> : vector<16xi1>
      %masked_sort3A_792, %masked_sort3A_793, %masked_sort3A_794 = tpu.sort %get3A_787, %add3A_790 masked %masked_sort3A_791 {descending = true} : (vector<16xf32>, vector<16xi32>, vector<16xi1>) -> (vector<16xi1>, vector<16xf32>, vector<16xi32>)
      %lt3A_795 = arith.cmpf olt, %masked_sort3A_793, %masked_sort3A_732 : vector<16xf32>
      %select_n3A_796 = arith.select %lt3A_795, %masked_sort3A_793, %masked_sort3A_732 : vector<16xi1>, vector<16xf32>
      %select_n3A_797 = arith.select %lt3A_795, %masked_sort3A_794, %masked_sort3A_733 : vector<16xi1>, vector<16xi32>
      %masked_sort3A_798 = arith.constant dense<true> : vector<16xi1>
      %masked_sort3A_799, %masked_sort3A_800, %masked_sort3A_801 = tpu.sort %select_n3A_796, %select_n3A_797 masked %masked_sort3A_798 : (vector<16xf32>, vector<16xi32>, vector<16xi1>) -> (vector<16xi1>, vector<16xf32>, vector<16xi32>)
      %get3A_802 = arith.index_cast %scan3A_16 : i32 to index
      %get3A_803 = arith.constant 768 : index
      %get3A_804 = tpu.vector_load %arg5[%get3A_802, %get3A_803] {strides = array<i32>} : memref<32x1024xf32, #tpu.memory_space<vmem>>, vector<16xf32>,
      %add3A_805 = arith.constant 768 : i32
      %add3A_806 = vector.broadcast %add3A_805 : i32 to vector<16xi32>
      %add3A_807 = arith.addi %iota3A, %add3A_806 : vector<16xi32>
      %masked_sort3A_808 = arith.constant dense<true> : vector<16xi1>
      %masked_sort3A_809, %masked_sort3A_810, %masked_sort3A_811 = tpu.sort %get3A_804, %add3A_807 masked %masked_sort3A_808 {descending = true} : (vector<16xf32>, vector<16xi32>, vector<16xi1>) -> (vector<16xi1>, vector<16xf32>, vector<16xi32>)
      %lt3A_812 = arith.cmpf olt, %masked_sort3A_810, %masked_sort3A_749 : vector<16xf32>
      %select_n3A_813 = arith.select %lt3A_812, %masked_sort3A_810, %masked_sort3A_749 : vector<16xi1>, vector<16xf32>
      %select_n3A_814 = arith.select %lt3A_812, %masked_sort3A_811, %masked_sort3A_750 : vector<16xi1>, vector<16xi32>
      %masked_sort3A_815 = arith.constant dense<true> : vector<16xi1>
      %masked_sort3A_816, %masked_sort3A_817, %masked_sort3A_818 = tpu.sort %select_n3A_813, %select_n3A_814 masked %masked_sort3A_815 : (vector<16xf32>, vector<16xi32>, vector<16xi1>) -> (vector<16xi1>, vector<16xf32>, vector<16xi32>)
      %get3A_819 = arith.index_cast %scan3A_16 : i32 to index
      %get3A_820 = arith.constant 784 : index
      %get3A_821 = tpu.vector_load %arg5[%get3A_819, %get3A_820] {strides = array<i32>} : memref<32x1024xf32, #tpu.memory_space<vmem>>, vector<16xf32>,
      %add3A_822 = arith.constant 784 : i32
      %add3A_823 = vector.broadcast %add3A_822 : i32 to vector<16xi32>
      %add3A_824 = arith.addi %iota3A, %add3A_823 : vector<16xi32>
      %masked_sort3A_825 = arith.constant dense<true> : vector<16xi1>
      %masked_sort3A_826, %masked_sort3A_827, %masked_sort3A_828 = tpu.sort %get3A_821, %add3A_824 masked %masked_sort3A_825 {descending = true} : (vector<16xf32>, vector<16xi32>, vector<16xi1>) -> (vector<16xi1>, vector<16xf32>, vector<16xi32>)
      %lt3A_829 = arith.cmpf olt, %masked_sort3A_827, %masked_sort3A_766 : vector<16xf32>
      %select_n3A_830 = arith.select %lt3A_829, %masked_sort3A_827, %masked_sort3A_766 : vector<16xi1>, vector<16xf32>
      %select_n3A_831 = arith.select %lt3A_829, %masked_sort3A_828, %masked_sort3A_767 : vector<16xi1>, vector<16xi32>
      %masked_sort3A_832 = arith.constant dense<true> : vector<16xi1>
      %masked_sort3A_833, %masked_sort3A_834, %masked_sort3A_835 = tpu.sort %select_n3A_830, %select_n3A_831 masked %masked_sort3A_832 : (vector<16xf32>, vector<16xi32>, vector<16xi1>) -> (vector<16xi1>, vector<16xf32>, vector<16xi32>)
      %get3A_836 = arith.index_cast %scan3A_16 : i32 to index
      %get3A_837 = arith.constant 800 : index
      %get3A_838 = tpu.vector_load %arg5[%get3A_836, %get3A_837] {strides = array<i32>} : memref<32x1024xf32, #tpu.memory_space<vmem>>, vector<16xf32>,
      %add3A_839 = arith.constant 800 : i32
      %add3A_840 = vector.broadcast %add3A_839 : i32 to vector<16xi32>
      %add3A_841 = arith.addi %iota3A, %add3A_840 : vector<16xi32>
      %masked_sort3A_842 = arith.constant dense<true> : vector<16xi1>
      %masked_sort3A_843, %masked_sort3A_844, %masked_sort3A_845 = tpu.sort %get3A_838, %add3A_841 masked %masked_sort3A_842 {descending = true} : (vector<16xf32>, vector<16xi32>, vector<16xi1>) -> (vector<16xi1>, vector<16xf32>, vector<16xi32>)
      %lt3A_846 = arith.cmpf olt, %masked_sort3A_844, %masked_sort3A_783 : vector<16xf32>
      %select_n3A_847 = arith.select %lt3A_846, %masked_sort3A_844, %masked_sort3A_783 : vector<16xi1>, vector<16xf32>
      %select_n3A_848 = arith.select %lt3A_846, %masked_sort3A_845, %masked_sort3A_784 : vector<16xi1>, vector<16xi32>
      %masked_sort3A_849 = arith.constant dense<true> : vector<16xi1>
      %masked_sort3A_850, %masked_sort3A_851, %masked_sort3A_852 = tpu.sort %select_n3A_847, %select_n3A_848 masked %masked_sort3A_849 : (vector<16xf32>, vector<16xi32>, vector<16xi1>) -> (vector<16xi1>, vector<16xf32>, vector<16xi32>)
      %get3A_853 = arith.index_cast %scan3A_16 : i32 to index
      %get3A_854 = arith.constant 816 : index
      %get3A_855 = tpu.vector_load %arg5[%get3A_853, %get3A_854] {strides = array<i32>} : memref<32x1024xf32, #tpu.memory_space<vmem>>, vector<16xf32>,
      %add3A_856 = arith.constant 816 : i32
      %add3A_857 = vector.broadcast %add3A_856 : i32 to vector<16xi32>
      %add3A_858 = arith.addi %iota3A, %add3A_857 : vector<16xi32>
      %masked_sort3A_859 = arith.constant dense<true> : vector<16xi1>
      %masked_sort3A_860, %masked_sort3A_861, %masked_sort3A_862 = tpu.sort %get3A_855, %add3A_858 masked %masked_sort3A_859 {descending = true} : (vector<16xf32>, vector<16xi32>, vector<16xi1>) -> (vector<16xi1>, vector<16xf32>, vector<16xi32>)
      %lt3A_863 = arith.cmpf olt, %masked_sort3A_861, %masked_sort3A_800 : vector<16xf32>
      %select_n3A_864 = arith.select %lt3A_863, %masked_sort3A_861, %masked_sort3A_800 : vector<16xi1>, vector<16xf32>
      %select_n3A_865 = arith.select %lt3A_863, %masked_sort3A_862, %masked_sort3A_801 : vector<16xi1>, vector<16xi32>
      %masked_sort3A_866 = arith.constant dense<true> : vector<16xi1>
      %masked_sort3A_867, %masked_sort3A_868, %masked_sort3A_869 = tpu.sort %select_n3A_864, %select_n3A_865 masked %masked_sort3A_866 : (vector<16xf32>, vector<16xi32>, vector<16xi1>) -> (vector<16xi1>, vector<16xf32>, vector<16xi32>)
      %get3A_870 = arith.index_cast %scan3A_16 : i32 to index
      %get3A_871 = arith.constant 832 : index
      %get3A_872 = tpu.vector_load %arg5[%get3A_870, %get3A_871] {strides = array<i32>} : memref<32x1024xf32, #tpu.memory_space<vmem>>, vector<16xf32>,
      %add3A_873 = arith.constant 832 : i32
      %add3A_874 = vector.broadcast %add3A_873 : i32 to vector<16xi32>
      %add3A_875 = arith.addi %iota3A, %add3A_874 : vector<16xi32>
      %masked_sort3A_876 = arith.constant dense<true> : vector<16xi1>
      %masked_sort3A_877, %masked_sort3A_878, %masked_sort3A_879 = tpu.sort %get3A_872, %add3A_875 masked %masked_sort3A_876 {descending = true} : (vector<16xf32>, vector<16xi32>, vector<16xi1>) -> (vector<16xi1>, vector<16xf32>, vector<16xi32>)
      %lt3A_880 = arith.cmpf olt, %masked_sort3A_878, %masked_sort3A_817 : vector<16xf32>
      %select_n3A_881 = arith.select %lt3A_880, %masked_sort3A_878, %masked_sort3A_817 : vector<16xi1>, vector<16xf32>
      %select_n3A_882 = arith.select %lt3A_880, %masked_sort3A_879, %masked_sort3A_818 : vector<16xi1>, vector<16xi32>
      %masked_sort3A_883 = arith.constant dense<true> : vector<16xi1>
      %masked_sort3A_884, %masked_sort3A_885, %masked_sort3A_886 = tpu.sort %select_n3A_881, %select_n3A_882 masked %masked_sort3A_883 : (vector<16xf32>, vector<16xi32>, vector<16xi1>) -> (vector<16xi1>, vector<16xf32>, vector<16xi32>)
      %get3A_887 = arith.index_cast %scan3A_16 : i32 to index
      %get3A_888 = arith.constant 848 : index
      %get3A_889 = tpu.vector_load %arg5[%get3A_887, %get3A_888] {strides = array<i32>} : memref<32x1024xf32, #tpu.memory_space<vmem>>, vector<16xf32>,
      %add3A_890 = arith.constant 848 : i32
      %add3A_891 = vector.broadcast %add3A_890 : i32 to vector<16xi32>
      %add3A_892 = arith.addi %iota3A, %add3A_891 : vector<16xi32>
      %masked_sort3A_893 = arith.constant dense<true> : vector<16xi1>
      %masked_sort3A_894, %masked_sort3A_895, %masked_sort3A_896 = tpu.sort %get3A_889, %add3A_892 masked %masked_sort3A_893 {descending = true} : (vector<16xf32>, vector<16xi32>, vector<16xi1>) -> (vector<16xi1>, vector<16xf32>, vector<16xi32>)
      %lt3A_897 = arith.cmpf olt, %masked_sort3A_895, %masked_sort3A_834 : vector<16xf32>
      %select_n3A_898 = arith.select %lt3A_897, %masked_sort3A_895, %masked_sort3A_834 : vector<16xi1>, vector<16xf32>
      %select_n3A_899 = arith.select %lt3A_897, %masked_sort3A_896, %masked_sort3A_835 : vector<16xi1>, vector<16xi32>
      %masked_sort3A_900 = arith.constant dense<true> : vector<16xi1>
      %masked_sort3A_901, %masked_sort3A_902, %masked_sort3A_903 = tpu.sort %select_n3A_898, %select_n3A_899 masked %masked_sort3A_900 : (vector<16xf32>, vector<16xi32>, vector<16xi1>) -> (vector<16xi1>, vector<16xf32>, vector<16xi32>)
      %get3A_904 = arith.index_cast %scan3A_16 : i32 to index
      %get3A_905 = arith.constant 864 : index
      %get3A_906 = tpu.vector_load %arg5[%get3A_904, %get3A_905] {strides = array<i32>} : memref<32x1024xf32, #tpu.memory_space<vmem>>, vector<16xf32>,
      %add3A_907 = arith.constant 864 : i32
      %add3A_908 = vector.broadcast %add3A_907 : i32 to vector<16xi32>
      %add3A_909 = arith.addi %iota3A, %add3A_908 : vector<16xi32>
      %masked_sort3A_910 = arith.constant dense<true> : vector<16xi1>
      %masked_sort3A_911, %masked_sort3A_912, %masked_sort3A_913 = tpu.sort %get3A_906, %add3A_909 masked %masked_sort3A_910 {descending = true} : (vector<16xf32>, vector<16xi32>, vector<16xi1>) -> (vector<16xi1>, vector<16xf32>, vector<16xi32>)
      %lt3A_914 = arith.cmpf olt, %masked_sort3A_912, %masked_sort3A_851 : vector<16xf32>
      %select_n3A_915 = arith.select %lt3A_914, %masked_sort3A_912, %masked_sort3A_851 : vector<16xi1>, vector<16xf32>
      %select_n3A_916 = arith.select %lt3A_914, %masked_sort3A_913, %masked_sort3A_852 : vector<16xi1>, vector<16xi32>
      %masked_sort3A_917 = arith.constant dense<true> : vector<16xi1>
      %masked_sort3A_918, %masked_sort3A_919, %masked_sort3A_920 = tpu.sort %select_n3A_915, %select_n3A_916 masked %masked_sort3A_917 : (vector<16xf32>, vector<16xi32>, vector<16xi1>) -> (vector<16xi1>, vector<16xf32>, vector<16xi32>)
      %get3A_921 = arith.index_cast %scan3A_16 : i32 to index
      %get3A_922 = arith.constant 880 : index
      %get3A_923 = tpu.vector_load %arg5[%get3A_921, %get3A_922] {strides = array<i32>} : memref<32x1024xf32, #tpu.memory_space<vmem>>, vector<16xf32>,
      %add3A_924 = arith.constant 880 : i32
      %add3A_925 = vector.broadcast %add3A_924 : i32 to vector<16xi32>
      %add3A_926 = arith.addi %iota3A, %add3A_925 : vector<16xi32>
      %masked_sort3A_927 = arith.constant dense<true> : vector<16xi1>
      %masked_sort3A_928, %masked_sort3A_929, %masked_sort3A_930 = tpu.sort %get3A_923, %add3A_926 masked %masked_sort3A_927 {descending = true} : (vector<16xf32>, vector<16xi32>, vector<16xi1>) -> (vector<16xi1>, vector<16xf32>, vector<16xi32>)
      %lt3A_931 = arith.cmpf olt, %masked_sort3A_929, %masked_sort3A_868 : vector<16xf32>
      %select_n3A_932 = arith.select %lt3A_931, %masked_sort3A_929, %masked_sort3A_868 : vector<16xi1>, vector<16xf32>
      %select_n3A_933 = arith.select %lt3A_931, %masked_sort3A_930, %masked_sort3A_869 : vector<16xi1>, vector<16xi32>
      %masked_sort3A_934 = arith.constant dense<true> : vector<16xi1>
      %masked_sort3A_935, %masked_sort3A_936, %masked_sort3A_937 = tpu.sort %select_n3A_932, %select_n3A_933 masked %masked_sort3A_934 : (vector<16xf32>, vector<16xi32>, vector<16xi1>) -> (vector<16xi1>, vector<16xf32>, vector<16xi32>)
      %get3A_938 = arith.index_cast %scan3A_16 : i32 to index
      %get3A_939 = arith.constant 896 : index
      %get3A_940 = tpu.vector_load %arg5[%get3A_938, %get3A_939] {strides = array<i32>} : memref<32x1024xf32, #tpu.memory_space<vmem>>, vector<16xf32>,
      %add3A_941 = arith.constant 896 : i32
      %add3A_942 = vector.broadcast %add3A_941 : i32 to vector<16xi32>
      %add3A_943 = arith.addi %iota3A, %add3A_942 : vector<16xi32>
      %masked_sort3A_944 = arith.constant dense<true> : vector<16xi1>
      %masked_sort3A_945, %masked_sort3A_946, %masked_sort3A_947 = tpu.sort %get3A_940, %add3A_943 masked %masked_sort3A_944 {descending = true} : (vector<16xf32>, vector<16xi32>, vector<16xi1>) -> (vector<16xi1>, vector<16xf32>, vector<16xi32>)
      %lt3A_948 = arith.cmpf olt, %masked_sort3A_946, %masked_sort3A_885 : vector<16xf32>
      %select_n3A_949 = arith.select %lt3A_948, %masked_sort3A_946, %masked_sort3A_885 : vector<16xi1>, vector<16xf32>
      %select_n3A_950 = arith.select %lt3A_948, %masked_sort3A_947, %masked_sort3A_886 : vector<16xi1>, vector<16xi32>
      %masked_sort3A_951 = arith.constant dense<true> : vector<16xi1>
      %masked_sort3A_952, %masked_sort3A_953, %masked_sort3A_954 = tpu.sort %select_n3A_949, %select_n3A_950 masked %masked_sort3A_951 : (vector<16xf32>, vector<16xi32>, vector<16xi1>) -> (vector<16xi1>, vector<16xf32>, vector<16xi32>)
      %get3A_955 = arith.index_cast %scan3A_16 : i32 to index
      %get3A_956 = arith.constant 912 : index
      %get3A_957 = tpu.vector_load %arg5[%get3A_955, %get3A_956] {strides = array<i32>} : memref<32x1024xf32, #tpu.memory_space<vmem>>, vector<16xf32>,
      %add3A_958 = arith.constant 912 : i32
      %add3A_959 = vector.broadcast %add3A_958 : i32 to vector<16xi32>
      %add3A_960 = arith.addi %iota3A, %add3A_959 : vector<16xi32>
      %masked_sort3A_961 = arith.constant dense<true> : vector<16xi1>
      %masked_sort3A_962, %masked_sort3A_963, %masked_sort3A_964 = tpu.sort %get3A_957, %add3A_960 masked %masked_sort3A_961 {descending = true} : (vector<16xf32>, vector<16xi32>, vector<16xi1>) -> (vector<16xi1>, vector<16xf32>, vector<16xi32>)
      %lt3A_965 = arith.cmpf olt, %masked_sort3A_963, %masked_sort3A_902 : vector<16xf32>
      %select_n3A_966 = arith.select %lt3A_965, %masked_sort3A_963, %masked_sort3A_902 : vector<16xi1>, vector<16xf32>
      %select_n3A_967 = arith.select %lt3A_965, %masked_sort3A_964, %masked_sort3A_903 : vector<16xi1>, vector<16xi32>
      %masked_sort3A_968 = arith.constant dense<true> : vector<16xi1>
      %masked_sort3A_969, %masked_sort3A_970, %masked_sort3A_971 = tpu.sort %select_n3A_966, %select_n3A_967 masked %masked_sort3A_968 : (vector<16xf32>, vector<16xi32>, vector<16xi1>) -> (vector<16xi1>, vector<16xf32>, vector<16xi32>)
      %get3A_972 = arith.index_cast %scan3A_16 : i32 to index
      %get3A_973 = arith.constant 928 : index
      %get3A_974 = tpu.vector_load %arg5[%get3A_972, %get3A_973] {strides = array<i32>} : memref<32x1024xf32, #tpu.memory_space<vmem>>, vector<16xf32>,
      %add3A_975 = arith.constant 928 : i32
      %add3A_976 = vector.broadcast %add3A_975 : i32 to vector<16xi32>
      %add3A_977 = arith.addi %iota3A, %add3A_976 : vector<16xi32>
      %masked_sort3A_978 = arith.constant dense<true> : vector<16xi1>
      %masked_sort3A_979, %masked_sort3A_980, %masked_sort3A_981 = tpu.sort %get3A_974, %add3A_977 masked %masked_sort3A_978 {descending = true} : (vector<16xf32>, vector<16xi32>, vector<16xi1>) -> (vector<16xi1>, vector<16xf32>, vector<16xi32>)
      %lt3A_982 = arith.cmpf olt, %masked_sort3A_980, %masked_sort3A_919 : vector<16xf32>
      %select_n3A_983 = arith.select %lt3A_982, %masked_sort3A_980, %masked_sort3A_919 : vector<16xi1>, vector<16xf32>
      %select_n3A_984 = arith.select %lt3A_982, %masked_sort3A_981, %masked_sort3A_920 : vector<16xi1>, vector<16xi32>
      %masked_sort3A_985 = arith.constant dense<true> : vector<16xi1>
      %masked_sort3A_986, %masked_sort3A_987, %masked_sort3A_988 = tpu.sort %select_n3A_983, %select_n3A_984 masked %masked_sort3A_985 : (vector<16xf32>, vector<16xi32>, vector<16xi1>) -> (vector<16xi1>, vector<16xf32>, vector<16xi32>)
      %get3A_989 = arith.index_cast %scan3A_16 : i32 to index
      %get3A_990 = arith.constant 944 : index
      %get3A_991 = tpu.vector_load %arg5[%get3A_989, %get3A_990] {strides = array<i32>} : memref<32x1024xf32, #tpu.memory_space<vmem>>, vector<16xf32>,
      %add3A_992 = arith.constant 944 : i32
      %add3A_993 = vector.broadcast %add3A_992 : i32 to vector<16xi32>
      %add3A_994 = arith.addi %iota3A, %add3A_993 : vector<16xi32>
      %masked_sort3A_995 = arith.constant dense<true> : vector<16xi1>
      %masked_sort3A_996, %masked_sort3A_997, %masked_sort3A_998 = tpu.sort %get3A_991, %add3A_994 masked %masked_sort3A_995 {descending = true} : (vector<16xf32>, vector<16xi32>, vector<16xi1>) -> (vector<16xi1>, vector<16xf32>, vector<16xi32>)
      %lt3A_999 = arith.cmpf olt, %masked_sort3A_997, %masked_sort3A_936 : vector<16xf32>
      %select_n3A_1000 = arith.select %lt3A_999, %masked_sort3A_997, %masked_sort3A_936 : vector<16xi1>, vector<16xf32>
      %select_n3A_1001 = arith.select %lt3A_999, %masked_sort3A_998, %masked_sort3A_937 : vector<16xi1>, vector<16xi32>
      %masked_sort3A_1002 = arith.constant dense<true> : vector<16xi1>
      %masked_sort3A_1003, %masked_sort3A_1004, %masked_sort3A_1005 = tpu.sort %select_n3A_1000, %select_n3A_1001 masked %masked_sort3A_1002 : (vector<16xf32>, vector<16xi32>, vector<16xi1>) -> (vector<16xi1>, vector<16xf32>, vector<16xi32>)
      %get3A_1006 = arith.index_cast %scan3A_16 : i32 to index
      %get3A_1007 = arith.constant 960 : index
      %get3A_1008 = tpu.vector_load %arg5[%get3A_1006, %get3A_1007] {strides = array<i32>} : memref<32x1024xf32, #tpu.memory_space<vmem>>, vector<16xf32>,
      %add3A_1009 = arith.constant 960 : i32
      %add3A_1010 = vector.broadcast %add3A_1009 : i32 to vector<16xi32>
      %add3A_1011 = arith.addi %iota3A, %add3A_1010 : vector<16xi32>
      %masked_sort3A_1012 = arith.constant dense<true> : vector<16xi1>
      %masked_sort3A_1013, %masked_sort3A_1014, %masked_sort3A_1015 = tpu.sort %get3A_1008, %add3A_1011 masked %masked_sort3A_1012 {descending = true} : (vector<16xf32>, vector<16xi32>, vector<16xi1>) -> (vector<16xi1>, vector<16xf32>, vector<16xi32>)
      %lt3A_1016 = arith.cmpf olt, %masked_sort3A_1014, %masked_sort3A_953 : vector<16xf32>
      %select_n3A_1017 = arith.select %lt3A_1016, %masked_sort3A_1014, %masked_sort3A_953 : vector<16xi1>, vector<16xf32>
      %select_n3A_1018 = arith.select %lt3A_1016, %masked_sort3A_1015, %masked_sort3A_954 : vector<16xi1>, vector<16xi32>
      %masked_sort3A_1019 = arith.constant dense<true> : vector<16xi1>
      %masked_sort3A_1020, %masked_sort3A_1021, %masked_sort3A_1022 = tpu.sort %select_n3A_1017, %select_n3A_1018 masked %masked_sort3A_1019 : (vector<16xf32>, vector<16xi32>, vector<16xi1>) -> (vector<16xi1>, vector<16xf32>, vector<16xi32>)
      %get3A_1023 = arith.index_cast %scan3A_16 : i32 to index
      %get3A_1024 = arith.constant 976 : index
      %get3A_1025 = tpu.vector_load %arg5[%get3A_1023, %get3A_1024] {strides = array<i32>} : memref<32x1024xf32, #tpu.memory_space<vmem>>, vector<16xf32>,
      %add3A_1026 = arith.constant 976 : i32
      %add3A_1027 = vector.broadcast %add3A_1026 : i32 to vector<16xi32>
      %add3A_1028 = arith.addi %iota3A, %add3A_1027 : vector<16xi32>
      %masked_sort3A_1029 = arith.constant dense<true> : vector<16xi1>
      %masked_sort3A_1030, %masked_sort3A_1031, %masked_sort3A_1032 = tpu.sort %get3A_1025, %add3A_1028 masked %masked_sort3A_1029 {descending = true} : (vector<16xf32>, vector<16xi32>, vector<16xi1>) -> (vector<16xi1>, vector<16xf32>, vector<16xi32>)
      %lt3A_1033 = arith.cmpf olt, %masked_sort3A_1031, %masked_sort3A_970 : vector<16xf32>
      %select_n3A_1034 = arith.select %lt3A_1033, %masked_sort3A_1031, %masked_sort3A_970 : vector<16xi1>, vector<16xf32>
      %select_n3A_1035 = arith.select %lt3A_1033, %masked_sort3A_1032, %masked_sort3A_971 : vector<16xi1>, vector<16xi32>
      %masked_sort3A_1036 = arith.constant dense<true> : vector<16xi1>
      %masked_sort3A_1037, %masked_sort3A_1038, %masked_sort3A_1039 = tpu.sort %select_n3A_1034, %select_n3A_1035 masked %masked_sort3A_1036 : (vector<16xf32>, vector<16xi32>, vector<16xi1>) -> (vector<16xi1>, vector<16xf32>, vector<16xi32>)
      %get3A_1040 = arith.index_cast %scan3A_16 : i32 to index
      %get3A_1041 = arith.constant 992 : index
      %get3A_1042 = tpu.vector_load %arg5[%get3A_1040, %get3A_1041] {strides = array<i32>} : memref<32x1024xf32, #tpu.memory_space<vmem>>, vector<16xf32>,
      %add3A_1043 = arith.constant 992 : i32
      %add3A_1044 = vector.broadcast %add3A_1043 : i32 to vector<16xi32>
      %add3A_1045 = arith.addi %iota3A, %add3A_1044 : vector<16xi32>
      %masked_sort3A_1046 = arith.constant dense<true> : vector<16xi1>
      %masked_sort3A_1047, %masked_sort3A_1048, %masked_sort3A_1049 = tpu.sort %get3A_1042, %add3A_1045 masked %masked_sort3A_1046 {descending = true} : (vector<16xf32>, vector<16xi32>, vector<16xi1>) -> (vector<16xi1>, vector<16xf32>, vector<16xi32>)
      %lt3A_1050 = arith.cmpf olt, %masked_sort3A_1048, %masked_sort3A_987 : vector<16xf32>
      %select_n3A_1051 = arith.select %lt3A_1050, %masked_sort3A_1048, %masked_sort3A_987 : vector<16xi1>, vector<16xf32>
      %select_n3A_1052 = arith.select %lt3A_1050, %masked_sort3A_1049, %masked_sort3A_988 : vector<16xi1>, vector<16xi32>
      %masked_sort3A_1053 = arith.constant dense<true> : vector<16xi1>
      %masked_sort3A_1054, %masked_sort3A_1055, %masked_sort3A_1056 = tpu.sort %select_n3A_1051, %select_n3A_1052 masked %masked_sort3A_1053 : (vector<16xf32>, vector<16xi32>, vector<16xi1>) -> (vector<16xi1>, vector<16xf32>, vector<16xi32>)
      %get3A_1057 = arith.index_cast %scan3A_16 : i32 to index
      %get3A_1058 = arith.constant 1008 : index
      %get3A_1059 = tpu.vector_load %arg5[%get3A_1057, %get3A_1058] {strides = array<i32>} : memref<32x1024xf32, #tpu.memory_space<vmem>>, vector<16xf32>,
      %add3A_1060 = arith.constant 1008 : i32
      %add3A_1061 = vector.broadcast %add3A_1060 : i32 to vector<16xi32>
      %add3A_1062 = arith.addi %iota3A, %add3A_1061 : vector<16xi32>
      %masked_sort3A_1063 = arith.constant dense<true> : vector<16xi1>
      %masked_sort3A_1064, %masked_sort3A_1065, %masked_sort3A_1066 = tpu.sort %get3A_1059, %add3A_1062 masked %masked_sort3A_1063 {descending = true} : (vector<16xf32>, vector<16xi32>, vector<16xi1>) -> (vector<16xi1>, vector<16xf32>, vector<16xi32>)
      %lt3A_1067 = arith.cmpf olt, %masked_sort3A_1065, %masked_sort3A_1004 : vector<16xf32>
      %select_n3A_1068 = arith.select %lt3A_1067, %masked_sort3A_1065, %masked_sort3A_1004 : vector<16xi1>, vector<16xf32>
      %select_n3A_1069 = arith.select %lt3A_1067, %masked_sort3A_1066, %masked_sort3A_1005 : vector<16xi1>, vector<16xi32>
      %masked_sort3A_1070 = arith.constant dense<true> : vector<16xi1>
      %masked_sort3A_1071, %masked_sort3A_1072, %masked_sort3A_1073 = tpu.sort %select_n3A_1068, %select_n3A_1069 masked %masked_sort3A_1070 : (vector<16xf32>, vector<16xi32>, vector<16xi1>) -> (vector<16xi1>, vector<16xf32>, vector<16xi32>)
      %rev3A = arith.constant 15 : i32
      %rev3A_1074 = vector.broadcast %rev3A : i32 to vector<16xi32>
      %rev3A_1075 = tpu.iota {dimensions = array<i32: 0>} : vector<16xi32>
      %rev3A_1076 = arith.subi %rev3A_1074, %rev3A_1075 : vector<16xi32>
      %rev3A_1077 = tpu.dynamic_gather %masked_sort3A_1038[%rev3A_1076] in [0] : vector<16xf32>, vector<16xi32> -> vector<16xf32>
      %rev3A_1078 = arith.constant 15 : i32
      %rev3A_1079 = vector.broadcast %rev3A_1078 : i32 to vector<16xi32>
      %rev3A_1080 = tpu.iota {dimensions = array<i32: 0>} : vector<16xi32>
      %rev3A_1081 = arith.subi %rev3A_1079, %rev3A_1080 : vector<16xi32>
      %rev3A_1082 = tpu.dynamic_gather %masked_sort3A_1039[%rev3A_1081] in [0] : vector<16xi32>, vector<16xi32> -> vector<16xi32>
      %lt3A_1083 = arith.cmpf olt, %rev3A_1077, %masked_sort3A_1021 : vector<16xf32>
      %select_n3A_1084 = arith.select %lt3A_1083, %rev3A_1077, %masked_sort3A_1021 : vector<16xi1>, vector<16xf32>
      %select_n3A_1085 = arith.select %lt3A_1083, %rev3A_1082, %masked_sort3A_1022 : vector<16xi1>, vector<16xi32>
      %masked_sort3A_1086 = arith.constant dense<true> : vector<16xi1>
      %masked_sort3A_1087, %masked_sort3A_1088, %masked_sort3A_1089 = tpu.sort %select_n3A_1084, %select_n3A_1085 masked %masked_sort3A_1086 : (vector<16xf32>, vector<16xi32>, vector<16xi1>) -> (vector<16xi1>, vector<16xf32>, vector<16xi32>)
      %rev3A_1090 = arith.constant 15 : i32
      %rev3A_1091 = vector.broadcast %rev3A_1090 : i32 to vector<16xi32>
      %rev3A_1092 = tpu.iota {dimensions = array<i32: 0>} : vector<16xi32>
      %rev3A_1093 = arith.subi %rev3A_1091, %rev3A_1092 : vector<16xi32>
      %rev3A_1094 = tpu.dynamic_gather %masked_sort3A_1072[%rev3A_1093] in [0] : vector<16xf32>, vector<16xi32> -> vector<16xf32>
      %rev3A_1095 = arith.constant 15 : i32
      %rev3A_1096 = vector.broadcast %rev3A_1095 : i32 to vector<16xi32>
      %rev3A_1097 = tpu.iota {dimensions = array<i32: 0>} : vector<16xi32>
      %rev3A_1098 = arith.subi %rev3A_1096, %rev3A_1097 : vector<16xi32>
      %rev3A_1099 = tpu.dynamic_gather %masked_sort3A_1073[%rev3A_1098] in [0] : vector<16xi32>, vector<16xi32> -> vector<16xi32>
      %lt3A_1100 = arith.cmpf olt, %rev3A_1094, %masked_sort3A_1055 : vector<16xf32>
      %select_n3A_1101 = arith.select %lt3A_1100, %rev3A_1094, %masked_sort3A_1055 : vector<16xi1>, vector<16xf32>
      %select_n3A_1102 = arith.select %lt3A_1100, %rev3A_1099, %masked_sort3A_1056 : vector<16xi1>, vector<16xi32>
      %masked_sort3A_1103 = arith.constant dense<true> : vector<16xi1>
      %masked_sort3A_1104, %masked_sort3A_1105, %masked_sort3A_1106 = tpu.sort %select_n3A_1101, %select_n3A_1102 masked %masked_sort3A_1103 : (vector<16xf32>, vector<16xi32>, vector<16xi1>) -> (vector<16xi1>, vector<16xf32>, vector<16xi32>)
      %rev3A_1107 = arith.constant 15 : i32
      %rev3A_1108 = vector.broadcast %rev3A_1107 : i32 to vector<16xi32>
      %rev3A_1109 = tpu.iota {dimensions = array<i32: 0>} : vector<16xi32>
      %rev3A_1110 = arith.subi %rev3A_1108, %rev3A_1109 : vector<16xi32>
      %rev3A_1111 = tpu.dynamic_gather %masked_sort3A_1105[%rev3A_1110] in [0] : vector<16xf32>, vector<16xi32> -> vector<16xf32>
      %rev3A_1112 = arith.constant 15 : i32
      %rev3A_1113 = vector.broadcast %rev3A_1112 : i32 to vector<16xi32>
      %rev3A_1114 = tpu.iota {dimensions = array<i32: 0>} : vector<16xi32>
      %rev3A_1115 = arith.subi %rev3A_1113, %rev3A_1114 : vector<16xi32>
      %rev3A_1116 = tpu.dynamic_gather %masked_sort3A_1106[%rev3A_1115] in [0] : vector<16xi32>, vector<16xi32> -> vector<16xi32>
      %lt3A_1117 = arith.cmpf olt, %rev3A_1111, %masked_sort3A_1088 : vector<16xf32>
      %select_n3A_1118 = arith.select %lt3A_1117, %rev3A_1111, %masked_sort3A_1088 : vector<16xi1>, vector<16xf32>
      %select_n3A_1119 = arith.select %lt3A_1117, %rev3A_1116, %masked_sort3A_1089 : vector<16xi1>, vector<16xi32>
      %mul3A_1120 = arith.constant 2.000000e+00 : f32
      %mul3A_1121 = vector.broadcast %mul3A_1120 : f32 to vector<16xf32>
      %mul3A_1122 = arith.mulf %mul3A_1121, %select_n3A_1118 : vector<16xf32>
      %add3A_1123 = arith.constant 2.000000e+00 : f32
      %add3A_1124 = vector.broadcast %add3A_1123 : f32 to vector<16xf32>
      %add3A_1125 = arith.addf %add3A_1124, %mul3A_1122 : vector<16xf32>
      %max3A = arith.constant 0.000000e+00 : f32
      %max3A_1126 = vector.broadcast %max3A : f32 to vector<16xf32>
      %max3A_1127 = arith.maximumf %add3A_1125, %max3A_1126 : vector<16xf32>
      %add3A_1128 = arith.constant 9.99999996E-13 : f32
      %add3A_1129 = vector.broadcast %add3A_1128 : f32 to vector<16xf32>
      %add3A_1130 = arith.addf %max3A_1127, %add3A_1129 : vector<16xf32>
      %bitcast3A = vector.bitcast %add3A_1130 : vector<16xf32> to vector<16xi32>
      %shift_right_logical3A = arith.constant 1 : i32
      %shift_right_logical3A_1131 = vector.broadcast %shift_right_logical3A : i32 to vector<16xi32>
      %shift_right_logical3A_1132 = arith.shrui %bitcast3A, %shift_right_logical3A_1131 : vector<16xi32>
      %sub3A = arith.constant 1597463007 : i32
      %sub3A_1133 = vector.broadcast %sub3A : i32 to vector<16xi32>
      %sub3A_1134 = arith.subi %sub3A_1133, %shift_right_logical3A_1132 : vector<16xi32>
      %bitcast3A_1135 = vector.bitcast %sub3A_1134 : vector<16xi32> to vector<16xf32>
      %mul3A_1136 = arith.constant 5.000000e-01 : f32
      %mul3A_1137 = vector.broadcast %mul3A_1136 : f32 to vector<16xf32>
      %mul3A_1138 = arith.mulf %mul3A_1137, %add3A_1130 : vector<16xf32>
      %mul3A_1139 = arith.mulf %mul3A_1138, %bitcast3A_1135 : vector<16xf32>
      %mul3A_1140 = arith.mulf %mul3A_1139, %bitcast3A_1135 : vector<16xf32>
      %sub3A_1141 = arith.constant 1.500000e+00 : f32
      %sub3A_1142 = vector.broadcast %sub3A_1141 : f32 to vector<16xf32>
      %sub3A_1143 = arith.subf %sub3A_1142, %mul3A_1140 : vector<16xf32>
      %mul3A_1144 = arith.mulf %bitcast3A_1135, %sub3A_1143 : vector<16xf32>
      %mul3A_1145 = arith.constant 5.000000e-01 : f32
      %mul3A_1146 = vector.broadcast %mul3A_1145 : f32 to vector<16xf32>
      %mul3A_1147 = arith.mulf %mul3A_1146, %add3A_1130 : vector<16xf32>
      %mul3A_1148 = arith.mulf %mul3A_1147, %mul3A_1144 : vector<16xf32>
      %mul3A_1149 = arith.mulf %mul3A_1148, %mul3A_1144 : vector<16xf32>
      %sub3A_1150 = arith.constant 1.500000e+00 : f32
      %sub3A_1151 = vector.broadcast %sub3A_1150 : f32 to vector<16xf32>
      %sub3A_1152 = arith.subf %sub3A_1151, %mul3A_1149 : vector<16xf32>
      %mul3A_1153 = arith.mulf %mul3A_1144, %sub3A_1152 : vector<16xf32>
      %mul3A_1154 = arith.constant 5.000000e-01 : f32
      %mul3A_1155 = vector.broadcast %mul3A_1154 : f32 to vector<16xf32>
      %mul3A_1156 = arith.mulf %mul3A_1155, %add3A_1130 : vector<16xf32>
      %mul3A_1157 = arith.mulf %mul3A_1156, %mul3A_1153 : vector<16xf32>
      %mul3A_1158 = arith.mulf %mul3A_1157, %mul3A_1153 : vector<16xf32>
      %sub3A_1159 = arith.constant 1.500000e+00 : f32
      %sub3A_1160 = vector.broadcast %sub3A_1159 : f32 to vector<16xf32>
      %sub3A_1161 = arith.subf %sub3A_1160, %mul3A_1158 : vector<16xf32>
      %mul3A_1162 = arith.mulf %mul3A_1153, %sub3A_1161 : vector<16xf32>
      %mul3A_1163 = arith.constant 5.000000e-01 : f32
      %mul3A_1164 = vector.broadcast %mul3A_1163 : f32 to vector<16xf32>
      %mul3A_1165 = arith.mulf %mul3A_1164, %add3A_1130 : vector<16xf32>
      %mul3A_1166 = arith.mulf %mul3A_1165, %mul3A_1162 : vector<16xf32>
      %broadcast_in_dim3A_1167 = vector.broadcast %scan3A_16 : i32 to vector<16xi32>
      %gather3A = tpu.vector_load_idx %arg6[%broadcast_in_dim3A_1167, %select_n3A_1119] : memref<32x1024xf32, #tpu.memory_space<vmem>>[vector<16xi32>, vector<16xi32>], vector<16xf32>,
      %mul3A_1168 = arith.constant 2.000000e+00 : f32
      %mul3A_1169 = vector.broadcast %mul3A_1168 : f32 to vector<16xf32>
      %mul3A_1170 = arith.mulf %mul3A_1169, %gather3A : vector<16xf32>
      %sub3A_1171 = arith.constant 2.000000e+00 : f32
      %sub3A_1172 = vector.broadcast %sub3A_1171 : f32 to vector<16xf32>
      %sub3A_1173 = arith.subf %sub3A_1172, %mul3A_1170 : vector<16xf32>
      %max3A_1174 = arith.constant 0.000000e+00 : f32
      %max3A_1175 = vector.broadcast %max3A_1174 : f32 to vector<16xf32>
      %max3A_1176 = arith.maximumf %sub3A_1173, %max3A_1175 : vector<16xf32>
      %add3A_1177 = arith.constant 9.99999996E-13 : f32
      %add3A_1178 = vector.broadcast %add3A_1177 : f32 to vector<16xf32>
      %add3A_1179 = arith.addf %max3A_1176, %add3A_1178 : vector<16xf32>
      %bitcast3A_1180 = vector.bitcast %add3A_1179 : vector<16xf32> to vector<16xi32>
      %shift_right_logical3A_1181 = arith.constant 1 : i32
      %shift_right_logical3A_1182 = vector.broadcast %shift_right_logical3A_1181 : i32 to vector<16xi32>
      %shift_right_logical3A_1183 = arith.shrui %bitcast3A_1180, %shift_right_logical3A_1182 : vector<16xi32>
      %sub3A_1184 = arith.constant 1597463007 : i32
      %sub3A_1185 = vector.broadcast %sub3A_1184 : i32 to vector<16xi32>
      %sub3A_1186 = arith.subi %sub3A_1185, %shift_right_logical3A_1183 : vector<16xi32>
      %bitcast3A_1187 = vector.bitcast %sub3A_1186 : vector<16xi32> to vector<16xf32>
      %mul3A_1188 = arith.constant 5.000000e-01 : f32
      %mul3A_1189 = vector.broadcast %mul3A_1188 : f32 to vector<16xf32>
      %mul3A_1190 = arith.mulf %mul3A_1189, %add3A_1179 : vector<16xf32>
      %mul3A_1191 = arith.mulf %mul3A_1190, %bitcast3A_1187 : vector<16xf32>
      %mul3A_1192 = arith.mulf %mul3A_1191, %bitcast3A_1187 : vector<16xf32>
      %sub3A_1193 = arith.constant 1.500000e+00 : f32
      %sub3A_1194 = vector.broadcast %sub3A_1193 : f32 to vector<16xf32>
      %sub3A_1195 = arith.subf %sub3A_1194, %mul3A_1192 : vector<16xf32>
      %mul3A_1196 = arith.mulf %bitcast3A_1187, %sub3A_1195 : vector<16xf32>
      %mul3A_1197 = arith.constant 5.000000e-01 : f32
      %mul3A_1198 = vector.broadcast %mul3A_1197 : f32 to vector<16xf32>
      %mul3A_1199 = arith.mulf %mul3A_1198, %add3A_1179 : vector<16xf32>
      %mul3A_1200 = arith.mulf %mul3A_1199, %mul3A_1196 : vector<16xf32>
      %mul3A_1201 = arith.mulf %mul3A_1200, %mul3A_1196 : vector<16xf32>
      %sub3A_1202 = arith.constant 1.500000e+00 : f32
      %sub3A_1203 = vector.broadcast %sub3A_1202 : f32 to vector<16xf32>
      %sub3A_1204 = arith.subf %sub3A_1203, %mul3A_1201 : vector<16xf32>
      %mul3A_1205 = arith.mulf %mul3A_1196, %sub3A_1204 : vector<16xf32>
      %mul3A_1206 = arith.constant 5.000000e-01 : f32
      %mul3A_1207 = vector.broadcast %mul3A_1206 : f32 to vector<16xf32>
      %mul3A_1208 = arith.mulf %mul3A_1207, %add3A_1179 : vector<16xf32>
      %mul3A_1209 = arith.mulf %mul3A_1208, %mul3A_1205 : vector<16xf32>
      %mul3A_1210 = arith.mulf %mul3A_1209, %mul3A_1205 : vector<16xf32>
      %sub3A_1211 = arith.constant 1.500000e+00 : f32
      %sub3A_1212 = vector.broadcast %sub3A_1211 : f32 to vector<16xf32>
      %sub3A_1213 = arith.subf %sub3A_1212, %mul3A_1210 : vector<16xf32>
      %mul3A_1214 = arith.mulf %mul3A_1205, %sub3A_1213 : vector<16xf32>
      %mul3A_1215 = arith.constant 5.000000e-01 : f32
      %mul3A_1216 = vector.broadcast %mul3A_1215 : f32 to vector<16xf32>
      %mul3A_1217 = arith.mulf %mul3A_1216, %add3A_1179 : vector<16xf32>
      %mul3A_1218 = arith.mulf %mul3A_1217, %mul3A_1214 : vector<16xf32>
      %sub3A_1219 = arith.subf %mul3A_1166, %mul3A_1218 : vector<16xf32>
      %mul3A_1220 = arith.mulf %sub3A_1219, %sub3A_1219 : vector<16xf32>
      %sub3A_1221 = arith.constant 2.500000e-03 : f32
      %sub3A_1222 = vector.broadcast %sub3A_1221 : f32 to vector<16xf32>
      %sub3A_1223 = arith.subf %mul3A_1220, %sub3A_1222 : vector<16xf32>
      %gt3A = arith.constant 0.000000e+00 : f32
      %gt3A_1224 = vector.broadcast %gt3A : f32 to vector<16xf32>
      %gt3A_1225 = arith.cmpf ogt, %sub3A_1223, %gt3A_1224 : vector<16xf32>
      %jit3A = arith.constant 0.000000e+00 : f32
      %broadcast_in_dim3A_1226 = vector.broadcast %jit3A : f32 to vector<16xf32>
      %select_n3A_1227 = arith.select %gt3A_1225, %sub3A_1223, %broadcast_in_dim3A_1226 : vector<16xi1>, vector<16xf32>
      %add3A_1228 = arith.addf %scan3A_17, %select_n3A_1227 : vector<16xf32>
      scf.yield %add3A_1228 : vector<16xf32>
    }
    %scan3A_14 = arith.constant 32 : i32
    %swap3A = arith.constant 0 : index
    %swap3A_15 = tpu.vector_load %arg7[%swap3A] {strides = array<i32>} : memref<16xf32, #tpu.memory_space<vmem>>, vector<16xf32>,
    tpu.vector_store %arg7[%swap3A], %scan3A_13 {strides = array<i32>} : memref<16xf32, #tpu.memory_space<vmem>>, vector<16xf32>,
    "tpu.region"() ({
      %run_scoped3A = tpu.sem_alloc : memref<!tpu.dma_semaphore, #tpu.memory_space<semaphore_mem>>
      %dma_start3A_16 = arith.constant 0 : i32
      %dma_start3A_17 = tpu.memref_slice %arg4[%add3A, %dma_start3A_16] : memref<32x16xf32, #tpu.memory_space<hbm>> -> memref<1x16xf32, #tpu.memory_space<hbm>>
      %dma_start3A_18 = tpu.memref_squeeze %dma_start3A_17 : memref<1x16xf32, #tpu.memory_space<hbm>> -> memref<16xf32, #tpu.memory_space<hbm>>
      %dma_start3A_19 = arith.constant 0 : i32
      %dma_start3A_20 = tpu.memref_slice %arg4[%add3A, %dma_start3A_19] : memref<32x16xf32, #tpu.memory_space<hbm>> -> memref<1x16xf32, #tpu.memory_space<hbm>>
      %dma_start3A_21 = tpu.memref_squeeze %dma_start3A_20 : memref<1x16xf32, #tpu.memory_space<hbm>> -> memref<16xf32, #tpu.memory_space<hbm>>
      tpu.enqueue_dma source(%arg7 : memref<16xf32, #tpu.memory_space<vmem>>) target(%dma_start3A_21 : memref<16xf32, #tpu.memory_space<hbm>>) target_semaphore(%run_scoped3A : memref<!tpu.dma_semaphore, #tpu.memory_space<semaphore_mem>>)
      %dma_wait3A_22 = arith.constant 0 : i32
      %dma_wait3A_23 = tpu.memref_slice %arg4[%add3A, %dma_wait3A_22] : memref<32x16xf32, #tpu.memory_space<hbm>> -> memref<1x16xf32, #tpu.memory_space<hbm>>
      %dma_wait3A_24 = tpu.memref_squeeze %dma_wait3A_23 : memref<1x16xf32, #tpu.memory_space<hbm>> -> memref<16xf32, #tpu.memory_space<hbm>>
      %dma_wait3A_25 = arith.constant 0 : i32
      %dma_wait3A_26 = tpu.memref_slice %arg4[%add3A, %dma_wait3A_25] : memref<32x16xf32, #tpu.memory_space<hbm>> -> memref<1x16xf32, #tpu.memory_space<hbm>>
      %dma_wait3A_27 = tpu.memref_squeeze %dma_wait3A_26 : memref<1x16xf32, #tpu.memory_space<hbm>> -> memref<16xf32, #tpu.memory_space<hbm>>
      tpu.wait_dma2 semaphore(%run_scoped3A : memref<!tpu.dma_semaphore, #tpu.memory_space<semaphore_mem>>) src(%arg7 : memref<16xf32, #tpu.memory_space<vmem>>) dst(%dma_wait3A_27 : memref<16xf32, #tpu.memory_space<hbm>>)
      tpu.yield
    }) : () -> ()
    return
  }
}

module attributes {stable_mosaic.version = 14 : i64} {
  func.func @_prep_kernel(%arg0: memref<1024x128xf32, #tpu.memory_space<vmem>>, %arg1: memref<1024x128xf32, #tpu.memory_space<vmem>>, %arg2: memref<1024x1024xf32, #tpu.memory_space<vmem>>, %arg3: memref<1024x1024xf32, #tpu.memory_space<vmem>>, %arg4: memref<1x1xf32, #tpu.memory_space<vmem>>) attributes {dimension_semantics = [], scalar_prefetch = 0 : i64, scratch_operands = 0 : i64, tpu.core_type = #tpu.core_type<tc>} {
    %get3A = arith.constant 0 : index
    %get3A_0 = arith.constant 0 : index
    %get3A_1 = vector.load %arg0[%get3A, %get3A_0] : memref<1024x128xf32, #tpu.memory_space<vmem>>, vector<1024x128xf32>
    %get3A_2 = arith.constant 0 : index
    %get3A_3 = arith.constant 0 : index
    %get3A_4 = vector.load %arg1[%get3A_2, %get3A_3] : memref<1024x128xf32, #tpu.memory_space<vmem>>, vector<1024x128xf32>
    %mul3A = arith.mulf %get3A_1, %get3A_1 : vector<1024x128xf32>
    %reduce_sum3A = arith.constant dense<0.000000e+00> : vector<1024xf32>
    %reduce_sum3A_5 = vector.multi_reduction <add>, %mul3A, %reduce_sum3A [1] : vector<1024x128xf32> to vector<1024xf32>
    %broadcast_in_dim3A = vector.shape_cast %reduce_sum3A_5 : vector<1024xf32> to vector<1024x1xf32>
    %add3A = arith.constant 9.99999996E-13 : f32
    %add3A_6 = vector.broadcast %add3A : f32 to vector<1024x1xf32>
    %add3A_7 = arith.addf %broadcast_in_dim3A, %add3A_6 : vector<1024x1xf32>
    %sqrt3A = math.sqrt %add3A_7 : vector<1024x1xf32>
    %div3A = vector.broadcast %sqrt3A : vector<1024x1xf32> to vector<1024x128xf32>
    %div3A_8 = arith.divf %get3A_1, %div3A : vector<1024x128xf32>
    %mul3A_9 = arith.mulf %get3A_4, %get3A_4 : vector<1024x128xf32>
    %reduce_sum3A_10 = arith.constant dense<0.000000e+00> : vector<1024xf32>
    %reduce_sum3A_11 = vector.multi_reduction <add>, %mul3A_9, %reduce_sum3A_10 [1] : vector<1024x128xf32> to vector<1024xf32>
    %broadcast_in_dim3A_12 = vector.shape_cast %reduce_sum3A_11 : vector<1024xf32> to vector<1024x1xf32>
    %add3A_13 = arith.constant 9.99999996E-13 : f32
    %add3A_14 = vector.broadcast %add3A_13 : f32 to vector<1024x1xf32>
    %add3A_15 = arith.addf %broadcast_in_dim3A_12, %add3A_14 : vector<1024x1xf32>
    %sqrt3A_16 = math.sqrt %add3A_15 : vector<1024x1xf32>
    %div3A_17 = vector.broadcast %sqrt3A_16 : vector<1024x1xf32> to vector<1024x128xf32>
    %div3A_18 = arith.divf %get3A_4, %div3A_17 : vector<1024x128xf32>
    %dot_general3A = arith.constant dense<0.000000e+00> : vector<1024x1024xf32>
    %dot_general3A_19 = tpu.matmul %div3A_8, %div3A_8, %dot_general3A {dimension_numbers = #tpu.dot_dimension_numbers<[1], [1], [0], [0], [0, 0, 1, 0], [], []>, transpose_lhs_hint = false} : vector<1024x128xf32>, vector<1024x128xf32>, vector<1024x1024xf32> -> vector<1024x1024xf32>
    %dot_general3A_20 = arith.constant dense<0.000000e+00> : vector<1024x1024xf32>
    %dot_general3A_21 = tpu.matmul %div3A_18, %div3A_8, %dot_general3A_20 {dimension_numbers = #tpu.dot_dimension_numbers<[1], [1], [0], [0], [0, 0, 1, 0], [], []>, transpose_lhs_hint = false} : vector<1024x128xf32>, vector<1024x128xf32>, vector<1024x1024xf32> -> vector<1024x1024xf32>
    %iota3A = tpu.iota {dimensions = array<i32: 0>} : vector<1024x1024xi32>
    %iota3A_22 = tpu.iota {dimensions = array<i32: 1>} : vector<1024x1024xi32>
    %eq3A = arith.cmpi eq, %iota3A, %iota3A_22 : vector<1024x1024xi32>
    %neg3A = arith.constant 0.000000e+00 : f32
    %neg3A_23 = vector.broadcast %neg3A : f32 to vector<1024x1024xf32>
    %neg3A_24 = arith.subf %neg3A_23, %dot_general3A_19 : vector<1024x1024xf32>
    %jit3A = arith.constant 1.000000e+09 : f32
    %broadcast_in_dim3A_25 = vector.broadcast %jit3A : f32 to vector<1024x1024xf32>
    %select_n3A = arith.select %eq3A, %broadcast_in_dim3A_25, %neg3A_24 : vector<1024x1024xi1>, vector<1024x1024xf32>
    %swap3A = arith.constant 0 : index
    %swap3A_26 = arith.constant 0 : index
    %swap3A_27 = vector.load %arg2[%swap3A, %swap3A_26] : memref<1024x1024xf32, #tpu.memory_space<vmem>>, vector<1024x1024xf32>
    tpu.vector_store %arg2[%swap3A, %swap3A_26], %select_n3A {strides = array<i32>} : memref<1024x1024xf32, #tpu.memory_space<vmem>>, vector<1024x1024xf32>,
    %swap3A_28 = arith.constant 0 : index
    %swap3A_29 = arith.constant 0 : index
    %swap3A_30 = vector.load %arg3[%swap3A_28, %swap3A_29] : memref<1024x1024xf32, #tpu.memory_space<vmem>>, vector<1024x1024xf32>
    tpu.vector_store %arg3[%swap3A_28, %swap3A_29], %dot_general3A_21 {strides = array<i32>} : memref<1024x1024xf32, #tpu.memory_space<vmem>>, vector<1024x1024xf32>,
    %reduce_min3A = arith.constant dense<0x7F800000> : vector<1024xf32>
    %reduce_min3A_31 = vector.multi_reduction <minimumf>, %select_n3A, %reduce_min3A [1] : vector<1024x1024xf32> to vector<1024xf32>
    %mul3A_32 = arith.constant 2.000000e+00 : f32
    %mul3A_33 = vector.broadcast %mul3A_32 : f32 to vector<1024xf32>
    %mul3A_34 = arith.mulf %mul3A_33, %reduce_min3A_31 : vector<1024xf32>
    %add3A_35 = arith.constant 2.000000e+00 : f32
    %add3A_36 = vector.broadcast %add3A_35 : f32 to vector<1024xf32>
    %add3A_37 = arith.addf %add3A_36, %mul3A_34 : vector<1024xf32>
    %max3A = arith.constant 0.000000e+00 : f32
    %max3A_38 = vector.broadcast %max3A : f32 to vector<1024xf32>
    %max3A_39 = arith.maximumf %add3A_37, %max3A_38 : vector<1024xf32>
    %add3A_40 = arith.constant 9.99999996E-13 : f32
    %add3A_41 = vector.broadcast %add3A_40 : f32 to vector<1024xf32>
    %add3A_42 = arith.addf %max3A_39, %add3A_41 : vector<1024xf32>
    %sqrt3A_43 = math.sqrt %add3A_42 : vector<1024xf32>
    %mul3A_44 = arith.constant 5.000000e-01 : f32
    %mul3A_45 = vector.broadcast %mul3A_44 : f32 to vector<1024xf32>
    %mul3A_46 = arith.mulf %mul3A_45, %sqrt3A_43 : vector<1024xf32>
    %sub3A = arith.subf %div3A_8, %div3A_18 : vector<1024x128xf32>
    %mul3A_47 = arith.mulf %sub3A, %sub3A : vector<1024x128xf32>
    %reduce_sum3A_48 = arith.constant dense<0.000000e+00> : vector<1024xf32>
    %reduce_sum3A_49 = vector.multi_reduction <add>, %mul3A_47, %reduce_sum3A_48 [1] : vector<1024x128xf32> to vector<1024xf32>
    %add3A_50 = arith.constant 9.99999996E-13 : f32
    %add3A_51 = vector.broadcast %add3A_50 : f32 to vector<1024xf32>
    %add3A_52 = arith.addf %reduce_sum3A_49, %add3A_51 : vector<1024xf32>
    %sqrt3A_53 = math.sqrt %add3A_52 : vector<1024xf32>
    %mul3A_54 = arith.constant 5.000000e-01 : f32
    %mul3A_55 = vector.broadcast %mul3A_54 : f32 to vector<1024xf32>
    %mul3A_56 = arith.mulf %mul3A_55, %sqrt3A_53 : vector<1024xf32>
    %add3A_57 = arith.constant 1.000000e+00 : f32
    %add3A_58 = vector.broadcast %add3A_57 : f32 to vector<1024xf32>
    %add3A_59 = arith.addf %mul3A_56, %add3A_58 : vector<1024xf32>
    %sub3A_60 = arith.subf %add3A_59, %mul3A_46 : vector<1024xf32>
    %gt3A = arith.constant 0.000000e+00 : f32
    %gt3A_61 = vector.broadcast %gt3A : f32 to vector<1024xf32>
    %gt3A_62 = arith.cmpf ogt, %sub3A_60, %gt3A_61 : vector<1024xf32>
    %jit3A_63 = arith.constant 0.000000e+00 : f32
    %broadcast_in_dim3A_64 = vector.broadcast %jit3A_63 : f32 to vector<1024xf32>
    %select_n3A_65 = arith.select %gt3A_62, %sub3A_60, %broadcast_in_dim3A_64 : vector<1024xi1>, vector<1024xf32>
    %reduce_sum3A_66 = vector.shape_cast %select_n3A_65 : vector<1024xf32> to vector<1x1024xf32>
    %reduce_sum3A_67 = arith.constant dense<0.000000e+00> : vector<1xf32>
    %reduce_sum3A_68 = vector.multi_reduction <add>, %reduce_sum3A_66, %reduce_sum3A_67 [1] : vector<1x1024xf32> to vector<1xf32>
    %reduce_sum3A_69 = vector.shape_cast %reduce_sum3A_68 : vector<1xf32> to vector<1x1xf32>
    %reduce_sum3A_70 = vector.extract %reduce_sum3A_69[0, 0] : f32 from vector<1x1xf32>
    %reshape3A = vector.broadcast %reduce_sum3A_70 : f32 to vector<1x1xf32>
    %swap3A_71 = arith.constant 0 : index
    %swap3A_72 = arith.constant 0 : index
    %swap3A_73 = vector.load %arg4[%swap3A_71, %swap3A_72] : memref<1x1xf32, #tpu.memory_space<vmem>>, vector<1x1xf32>
    tpu.vector_store %arg4[%swap3A_71, %swap3A_72], %reshape3A {strides = array<i32>} : memref<1x1xf32, #tpu.memory_space<vmem>>, vector<1x1xf32>,
    return
  }
}

</mosaic_0001>

<sc_bundles>
// kernel: kernel.4.cloned.1.call-start
scs
__scs_entry_jumppad:
0x0: {  	(pc) =	sbr.rel $0x88, $3  }
0x1: {  	(tag) =	ssettag $0x0;
	lr =	simm.s32 $0x1  }
0x2: {  	[smem:$0x3F9F] =	sst lr;
	_ =	strace $0xD0000000  }
0x3: {  	_ = 	snop  }
0x4: {  	_ = 	snop  }
0x5: {  	_ = 	snop  }
0x6: {  	_ = 	snop  }
0x7: {  	_ = 	snop  }
__scs_overlays_trampoline_lowered:
0x8: {  	[smem:$0x3FAE] =	sst s0  }
0x9: {  	[smem:$0x3FAF] =	sst s1  }
0xa: {  	[smem:$0x3FB0] =	sst s2  }
0xb: {  	[smem:$0x3FB1] =	sst s3  }
0xc: {  	[smem:$0x3FB2] =	sst s4  }
0xd: {  	[smem:$0x3FB3] =	sst s5  }
0xe: {  	[smem:$0x3FB4] =	sst s6  }
0xf: {  	[smem:$0x3FB5] =	sst s7  }
0x10: {  	[smem:$0x3FB6] =	sst s8  }
0x11: {  	[smem:$0x3FB7] =	sst s9;
	s0 =	simm.s32 @!p0 $0x0  }
0x12: {  	s1 =	sld [smem:$0x3F9D];
	s0 =	simm.s32 @p0 $0x1  }
0x13: {  	[smem:$0x3FB8] =	sst s0;
	s0 =	simm.s32 @!p1 $0x0  }
0x14: {  	s2 =	sld [smem:$0x3F9C];
	s0 =	simm.s32 @p1 $0x1  }
0x15: {  	[smem:$0x3FB9] =	sst s0;
	s0 =	simm.s32 @!p2 $0x0  }
0x16: {  	s3 =	sld [smem:$0x3FDB];
	s0 =	simm.s32 @p2 $0x1  }
0x17: {  	s4 =	simm.s32 $0x1BF5;
	[smem:$0x3FBB] =	sst s0  }
0x18: {  	s0 =	sld [smem:$0x3F9E];
	_ =	swait.ge [sflag:s4], $0x0  }
0x19: {  	s7 =	sld [smem:$0x3F9F]  }
0x1a: {  	s8 =	sadd.s32 $0xFFFFE003, lr  }
0x1b: {  	s9 =	sadd.s32 $0xFFFFFEF7, lr;
	s5 =	simm.s32 $0xFFFFFFFF;
	p2 =	slt.u32 s8, $0xFFFFF086  }
0x1c: {  	p1 =	slt.u32 s9, $0xF7A;
	s5 =	simm.s32 @!p2 $0x0  }
0x1d: {  	s5 =	simm.s32 @p1 $0x1;
	p0 =	seq.s32 s7, s2  }
0x1e: {  	s7 =	smul.u32 @!p0 $0xF7A, s2;
	p2 =	seq.s32 @!p0 s5, $0x0  }
0x1f: {  	s9 =	smul.u32 $0xF7A, s1;
	s8 =	simm.s32 @!p0 $0x1BF5;
	p2 =	por !p2, p0  }
0x20: {  	[sflag:s8] =	ssyncset.s32 @!p0 $0xFFFFF086;
	s6 =	sadd.s32 @!p0 s3, s7;
	s7 =	simm.s32 @!p0 $0x108  }
0x21: {  	s3 =	sadd.s32 s3, s9;
	s6 =	sadd.s32 @!p0 $0x88, s6;
	s7 =	simm.s32 @p2 $0x1082  }
0x22: {  	[simem:s7], [sflag:s8] =	dma.local @!p0 [hbm:s6], $0xF7A  }
0x23: {  	s9 =	sor.u32 $0xD0000000, s2;
	s6 =	simm.s32 $0x108;
	_ =	swait.ge @!p0 [sflag:s8], $0x0  }
0x24: {  	s3 =	sadd.s32 $0x88, s3;
	s6 =	simm.s32 @!p1 $0x1082;
	[sflag:s4] =	ssyncset.s32 $0xFFFFF086  }
0x25: {  	[simem:s6], [sflag:s4] =	dma.local [hbm:s3], $0xF7A  }
0x26: {  	[smem:$0x3F9F] =	sst s1;
	(tag) =	ssettag s2;
	_ =	strace s9  }
0x27: {  	s1 =	sld [smem:$0x3FAF]  }
0x28: {  	s2 =	sld [smem:$0x3FB0]  }
0x29: {  	s4 =	sld [smem:$0x3FB2]  }
0x2a: {  	p0 =	seq.s32 s5, $0x0;
	s5 =	sld [smem:$0x3FB3]  }
0x2b: {  	s6 =	sld [smem:$0x3FB4]  }
0x2c: {  	s7 =	sld [smem:$0x3FB5]  }
0x2d: {  	s3 =	simm.s32 $0x108;
	s8 =	sld [smem:$0x3FB6]  }
0x2e: {  	s3 =	simm.s32 @!p0 $0x1082;
	s9 =	sld [smem:$0x3FB7]  }
0x2f: {  	lr =	sadd.s32 s0, s3;
	s0 =	sld [smem:$0x3FAE]  }
0x30: {  	s3 =	sld [smem:$0x3FB1]  }
0x31: {  	[smem:$0x3FBA] =	sst s10  }
0x32: {  	s10 =	sld [smem:$0x3FB8];
	_ =	sdelay $0x3  }
0x33: {  	p0 =	seq.s32 s10, $0x1;
	s10 =	sld [smem:$0x3FBA];
	_ =	sdelay $0x3  }
0x34: {  	[smem:$0x3FBA] =	sst s10  }
0x35: {  	s10 =	sld [smem:$0x3FB9];
	_ =	sdelay $0x3  }
0x36: {  	p1 =	seq.s32 s10, $0x1;
	s10 =	sld [smem:$0x3FBA];
	_ =	sdelay $0x3  }
0x37: {  	[smem:$0x3FBA] =	sst s10  }
0x38: {  	s10 =	sld [smem:$0x3FBB]  }
0x39: {  	_ = 	snop;
	(pc) =	sbr.ind lr, $3  }
0x3a: {  	_ = 	snop  }
0x3b: {  	_ = 	snop  }
0x3c: {  	p2 =	seq.s32 s10, $0x1;
	s10 =	sld [smem:$0x3FBA]  }
0x3d: {  	_ =	shalt  }
0x3e: {  	_ =	shalt  }
0x3f: {  	_ =	shalt  }
0x40: {  	_ =	shalt  }
0x41: {  	_ =	shalt  }
0x42: {  	_ =	shalt  }
0x43: {  	_ =	shalt  }
0x44: {  	_ =	shalt  }
0x45: {  	_ =	shalt  }
0x46: {  	_ =	shalt  }
0x47: {  	_ =	shalt  }
0x48: {  	_ =	shalt  }
0x49: {  	_ =	shalt  }
0x4a: {  	_ =	shalt  }
0x4b: {  	_ =	shalt  }
0x4c: {  	_ =	shalt  }
0x4d: {  	_ =	shalt  }
0x4e: {  	_ =	shalt  }
0x4f: {  	_ =	shalt  }
0x50: {  	_ =	shalt  }
0x51: {  	_ =	shalt  }
0x52: {  	_ =	shalt  }
0x53: {  	_ =	shalt  }
0x54: {  	_ =	shalt  }
0x55: {  	_ =	shalt  }
0x56: {  	_ =	shalt  }
0x57: {  	_ =	shalt  }
0x58: {  	_ =	shalt  }
0x59: {  	_ =	shalt  }
0x5a: {  	_ =	shalt  }
0x5b: {  	_ =	shalt  }
0x5c: {  	_ =	shalt  }
0x5d: {  	_ =	shalt  }
0x5e: {  	_ =	shalt  }
0x5f: {  	_ =	shalt  }
0x60: {  	_ =	shalt  }
0x61: {  	_ =	shalt  }
0x62: {  	_ =	shalt  }
0x63: {  	_ =	shalt  }
0x64: {  	_ =	shalt  }
0x65: {  	_ =	shalt  }
0x66: {  	_ =	shalt  }
0x67: {  	_ =	shalt  }
0x68: {  	_ =	shalt  }
0x69: {  	_ =	shalt  }
0x6a: {  	_ =	shalt  }
0x6b: {  	_ =	shalt  }
0x6c: {  	_ =	shalt  }
0x6d: {  	_ =	shalt  }
0x6e: {  	_ =	shalt  }
0x6f: {  	_ =	shalt  }
0x70: {  	_ =	shalt  }
0x71: {  	_ =	shalt  }
0x72: {  	_ =	shalt  }
0x73: {  	_ =	shalt  }
0x74: {  	_ =	shalt  }
0x75: {  	_ =	shalt  }
0x76: {  	_ =	shalt  }
0x77: {  	_ =	shalt  }
0x78: {  	_ =	shalt  }
0x79: {  	_ =	shalt  }
0x7a: {  	_ =	shalt  }
0x7b: {  	_ =	shalt  }
0x7c: {  	_ =	shalt  }
0x7d: {  	_ =	shalt  }
0x7e: {  	_ =	shalt  }
0x7f: {  	_ =	shalt  }
0x80: {  	_ =	shalt  }
0x81: {  	_ =	shalt  }
0x82: {  	_ =	shalt  }
0x83: {  	_ =	shalt  }
0x84: {  	_ =	shalt  }
0x85: {  	_ =	shalt  }
0x86: {  	_ =	shalt  }
0x87: {  	_ =	shalt  }
.Lfunc_end0:
.L_simem_size_0:
called_computation_lowered:
.L_overlay_start_0:
0x88: {  	s2 =	sld [smem:$0x3FD9]  }
0x89: {  	s3 =	sld [smem:$0x3FFE];
	_ =	sdelay $0x1  }
0x8a: {  	s1 =	srdreg.scid  }
0x8b: {  	s0 =	sand.u32 $0x1, s1  }
0x8c: {  	s16 =	sshll.u32 s0, $0xA;
	s2 =	sadd.s32 s3, s2  }
0x8d: {  	s2 =	sadd.s32 s2, s16  }
0x8e: {  	[smem:$0x3FC6] =	sst s2  }
0x8f: {  	_ = 	snop  }
0x90: {  	(tm) =	ssettm $0x1  }
0x91: {  	s17 =	sld [smem:$0x3FFB];
	_ =	sdelay $0x3  }
0x92: {  	_ =	strace s17  }
0x93: {  	s2 =	sld [smem:$0x3FFC];
	_ =	sdelay $0x3  }
0x94: {  	_ =	strace s2  }
0x95: {  	s2 =	sld [smem:$0x3FFD];
	_ =	sdelay $0x3  }
0x96: {  	_ =	strace s2  }
0x97: {  	_ =	strace $0x8FFFFFFF  }
0x98: {  	s18 =	sld [smem:$0x3FDB];
	_ =	sdelay $0x1  }
0x99: {  	s19 =	simm.s32 $_scs_section_size  }
0x9a: {  	s4 =	simm.s32 $_size__tile_overlayer_lowered;
	s5 =	simm.s32 $_tile_overlayer_lowered  }
0x9b: {  	s22 =	simm.s32 $0x1BFF;
	s21 =	sshll.u32 s5, $0x1;
	s2 =	sadd.s32 s19, s18  }
0x9c: {  	s6 =	simm.s32 $0x0;
	s20 =	sshll.u32 s4, $0x1;
	s4 =	sadd.s32 s21, s2  }
0x9d: {  	[timem:s6], [sflag:s22] =	dma.local [hbm:s4], s20  }
0x9e: {  	_ =	swait.ge [sflag:s22], s20  }
0x9f: {  	s3 =	ssub.s32 $0x0, s20;
	[sflag:s22] =	ssyncset.done $0x0  }
0xa0: {  	[sflag:s22] =	ssyncadd.s32 s3;
	_ =	sdelay $0x1  }
0xa1: {  	s23 =	simm.s32 $0x1B8B  }
0xa2: {  	_ =	swait.ge [sflag:s23], $0x1  }
0xa3: {  	[sflag:s23] =	ssyncset.done $0x0  }
0xa4: {  	s25 =	simm.s32 $0x1B8E;
	s24 =	sld [smem:$0x3FFE];
	[sflag:s23] =	ssyncadd.s32 $0xFFFFFFFF  }
0xa5: {  	s26 =	simm.s32 $execute0_lowered;
	[smem:$0x3FD2] =	sst s25  }
0xa6: {  	s4 =	sshll.u32 s26, $0x1;
	_ =	strace $0x80000046;
	[dreg:$0x1] =	wrdreg $0xFFFFFFFF  }
0xa7: {  	s28 =	simm.s32 $_size_execute0_lowered;
	s2 =	sadd.s32 s2, s4;
	[dreg:$0x0] =	wrdreg $0x0  }
0xa8: {  	s4 =	sshll.u32 s28, $0x1;
	[dreg:$0x2] =	wrdreg s2  }
0xa9: {  	[dreg:$0x3] =	wrdreg s4  }
0xaa: {  	[dreg:$0x4] =	wrdreg $0xC0  }
0xab: {  	_ =	task [dreg:s6], $0x5FFFF  }
0xac: {  	[dreg:$0x1] =	wrdreg $0xFFFFFFFF  }
0xad: {  	[dreg:$0x0] =	wrdreg $0x60  }
0xae: {  	[dreg:$0x2] =	wrdreg s24  }
0xaf: {  	[dreg:$0x3] =	wrdreg $0x9  }
0xb0: {  	_ =	task.clear_ibuf [dreg:s6], $0x4FFFF;
	_ =	strace $0x90000046  }
0xb1: {  	s29 =	simm.s32 $0x9;
	_ =	strace $0x80000048  }
0xb2: {  	_ =	swait.ge [sflag:s29], $0x1  }
0xb3: {  	[sflag:s29] =	ssyncadd.s32 $0xFFFFFFFF  }
0xb4: {  	_ =	strace $0x90000048  }
0xb5: {  	_ =	sfence  }
0xb6: {  	s30 =	sld [smem:$0x0];
	_ =	sdelay $0x2  }
0xb7: {  	s31 =	sshll.u32 s1, $0xD;
	s1 =	sshrl.u32 s1, $0x2  }
0xb8: {  	s3 =	sand.u32 $0x4000, s31;
	s1 =	sadd.s32 s1, s30  }
0xb9: {  	s0 =	sor.u32 s3, s0;
	s1 =	sshll.u32 s1, $0x11  }
0xba: {  	s0 =	sor.u32 s1, s0  }
0xbb: {  	s0 =	sadd.s32 $0x8F2B, s0  }
0xbc: {  	[sflag:s0] =	ssyncadd.remote.s32 $0x1  }
0xbd: {  	_ =	sfence.sel $0xFFFF  }
0xbe: {  	[dreg:$0x0] =	wrdreg $0xFFFFFFFF;
	(pc) =	sbr.abs _section_cstart, $3  }
0xbf: {  	[dreg:$0x1] =	wrdreg $0xFFFFFFFF  }
0xc0: {  	_ =	task.clear_ibuf [dreg:s6], $0x2FFFF;
	_ =	strace $0x9FFFFFFF  }
0xc1: {  	(tm) =	ssettm $0x7FFFFFFF  }
tec
execute0_lowered:
.L_overlay_start_1:
0x0: {  	(tag) =	ssettag $0x1  }
0x1: {  	v44 =	vlaneseq.u32  }
0x2: {  	v0 =	vor.u32 $0x140, v44  }
0x3: {  	[tilespmem:$0x1FC20] =	vst v0;
	v0 =	vor.u32 $0x150, v44  }
0x4: {  	[tilespmem:$0x1FC30] =	vst v0;
	v0 =	vor.u32 $0x160, v44  }
0x5: {  	[tilespmem:$0x1FC40] =	vst v0;
	v0 =	vor.u32 $0x170, v44  }
0x6: {  	[tilespmem:$0x1FC50] =	vst v0;
	v0 =	vor.u32 $0x180, v44  }
0x7: {  	[tilespmem:$0x1FC60] =	vst v0;
	v0 =	vor.u32 $0x190, v44  }
0x8: {  	[tilespmem:$0x1FC70] =	vst v0;
	v0 =	vor.u32 $0x1A0, v44  }
0x9: {  	[tilespmem:$0x1FC80] =	vst v0;
	v0 =	vor.u32 $0x1B0, v44  }
0xa: {  	[tilespmem:$0x1FC90] =	vst v0;
	v0 =	vor.u32 $0x1C0, v44  }
0xb: {  	[tilespmem:$0x1FCA0] =	vst v0;
	v0 =	vor.u32 $0x1D0, v44  }
0xc: {  	[tilespmem:$0x1FCB0] =	vst v0;
	v0 =	vor.u32 $0x1E0, v44  }
0xd: {  	[tilespmem:$0x1FCC0] =	vst v0;
	v0 =	vor.u32 $0x1F0, v44  }
0xe: {  	[tilespmem:$0x1FCD0] =	vst v0;
	v0 =	vor.u32 $0x200, v44  }
0xf: {  	[tilespmem:$0x1FCE0] =	vst v0;
	v0 =	vor.u32 $0x210, v44  }
0x10: {  	[tilespmem:$0x1FCF0] =	vst v0;
	v0 =	vor.u32 $0x220, v44  }
0x11: {  	[tilespmem:$0x1FD00] =	vst v0;
	v0 =	vor.u32 $0x230, v44  }
0x12: {  	[tilespmem:$0x1FD10] =	vst v0;
	v0 =	vor.u32 $0x240, v44  }
0x13: {  	[tilespmem:$0x1FD20] =	vst v0;
	v0 =	vor.u32 $0x250, v44  }
0x14: {  	[tilespmem:$0x1FD30] =	vst v0;
	v0 =	vor.u32 $0x260, v44  }
0x15: {  	[tilespmem:$0x1FD40] =	vst v0;
	v0 =	vor.u32 $0x270, v44  }
0x16: {  	[tilespmem:$0x1FD50] =	vst v0;
	v0 =	vor.u32 $0x280, v44  }
0x17: {  	[tilespmem:$0x1FD60] =	vst v0;
	v0 =	vor.u32 $0x290, v44  }
0x18: {  	[tilespmem:$0x1FD70] =	vst v0;
	v0 =	vor.u32 $0x2A0, v44  }
0x19: {  	[tilespmem:$0x1FD80] =	vst v0;
	v0 =	vor.u32 $0x2B0, v44  }
0x1a: {  	s3 =	rddreg [dreg:$0x0];
	s2 =	simm.s32 $0x0;
	[tilespmem:$0x1FD90] =	vst v0;
	v0 =	vor.u32 $0x2C0, v44  }
0x1b: {  	[smem:$0x7FF] =	sst s2;
	[tilespmem:$0x1FDA0] =	vst v0;
	v0 =	vor.u32 $0x2D0, v44  }
0x1c: {  	s0 =	rddreg [dreg:$0x1];
	v14 =	vor.u32 $0x100, v44;
	_ =	strace $0x80000047;
	[tilespmem:$0x1FDB0] =	vst v0  }
0x1d: {  	v57 =	vor.u32 $0x120, v44;
	[tilespmem:$0x1FED0] =	vst v14  }
0x1e: {  	v49 =	vor.u32 $0x50, v44;
	[tilespmem:$0x1FEE0] =	vst v57  }
0x1f: {  	v50 =	vor.u32 $0x60, v44;
	[tilespmem:$0x1FEF0] =	vst v49  }
0x20: {  	v55 =	vor.u32 $0xB0, v44;
	[tilespmem:$0x1FF00] =	vst v50  }
0x21: {  	v54 =	vor.u32 $0xA0, v44;
	[tilespmem:$0x1FF10] =	vst v55  }
0x22: {  	v46 =	vor.u32 $0x20, v44;
	[tilespmem:$0x1FF20] =	vst v54  }
0x23: {  	v59 =	vor.u32 $0x10, v44;
	[tilespmem:$0x1FF30] =	vst v46  }
0x24: {  	v48 =	vor.u32 $0x80, v44;
	[tilespmem:$0x1FF40] =	vst v59  }
0x25: {  	v58 =	vor.u32 $0x90, v44;
	[tilespmem:$0x1FF50] =	vst v48  }
0x26: {  	v45 =	vor.u32 $0xC0, v44;
	[tilespmem:$0x1FF60] =	vst v58  }
0x27: {  	v51 =	vor.u32 $0x110, v44;
	[tilespmem:$0x1FF70] =	vst v45  }
0x28: {  	v62 =	vor.u32 $0x130, v44;
	[tilespmem:$0x1FF80] =	vst v51  }
0x29: {  	v6 =	vor.u32 $0x70, v44;
	[tilespmem:$0x1FF90] =	vst v62  }
0x2a: {  	v53 =	vor.u32 $0xE0, v44;
	[tilespmem:$0x1FFA0] =	vst v6  }
0x2b: {  	v52 =	vor.u32 $0xD0, v44;
	[tilespmem:$0x1FFB0] =	vst v53  }
0x2c: {  	v63 =	vor.u32 $0xF0, v44;
	[tilespmem:$0x1FFC0] =	vst v52  }
0x2d: {  	v2 =	vor.u32 $0x40, v44;
	[tilespmem:$0x1FFD0] =	vst v63  }
0x2e: {  	v1 =	vor.u32 $0x30, v44;
	[tilespmem:$0x1FFE0] =	vst v2  }
0x2f: {  	v0 =	vor.u32 $0x2E0, v44;
	[tilespmem:$0x1FFF0] =	vst v1  }
0x30: {  	[tilespmem:$0x1FDC0] =	vst v0;
	v0 =	vor.u32 $0x2F0, v44  }
0x31: {  	[tilespmem:$0x1FDD0] =	vst v0;
	v0 =	vor.u32 $0x300, v44  }
0x32: {  	[tilespmem:$0x1FDE0] =	vst v0;
	v0 =	vor.u32 $0x310, v44  }
0x33: {  	[tilespmem:$0x1FDF0] =	vst v0;
	v0 =	vor.u32 $0x320, v44  }
0x34: {  	[tilespmem:$0x1FE00] =	vst v0;
	v0 =	vor.u32 $0x330, v44  }
0x35: {  	[tilespmem:$0x1FE10] =	vst v0;
	v0 =	vor.u32 $0x340, v44  }
0x36: {  	[tilespmem:$0x1FE20] =	vst v0;
	v0 =	vor.u32 $0x350, v44  }
0x37: {  	[tilespmem:$0x1FE30] =	vst v0;
	v0 =	vor.u32 $0x360, v44  }
0x38: {  	[tilespmem:$0x1FE40] =	vst v0;
	v0 =	vor.u32 $0x370, v44  }
0x39: {  	[tilespmem:$0x1FE50] =	vst v0;
	v0 =	vor.u32 $0x380, v44  }
0x3a: {  	s4 =	srdreg.scid;
	s1 =	stileid.u32;
	s8 =	simm.s32 $0x2;
	[tilespmem:$0x1FE60] =	vst v0;
	v0 =	vor.u32 $0x390, v44  }
0x3b: {  	s9 =	simm.s32 $0x1;
	s4 =	sand.u32 $0x1, s4;
	s5 =	sshll.u32 s1, $0x1;
	[tilespmem:$0x1FE70] =	vst v0;
	v0 =	vor.u32 $0x3A0, v44  }
0x3c: {  	s10 =	simm.s32 $0x10000;
	s11 =	simm.s32 $0x0;
	s5 =	sor.u32 s4, s5;
	[tilespmem:$0x1FE80] =	vst v0;
	v0 =	vor.u32 $0x3B0, v44  }
0x3d: {  	s4 =	ssub.s32 $0x2, s4;
	s6 =	sshll.u32 s5, $0xC;
	s5 =	sshll.u32 s5, $0x4;
	[tilespmem:$0x1FE90] =	vst v0;
	v0 =	vor.u32 $0x3C0, v44  }
0x3e: {  	s7 =	sshrl.u32 s4, $0x1;
	s6 =	sadd.s32 s6, s3;
	s5 =	sadd.s32 s5, s3;
	[tilespmem:$0x1FEA0] =	vst v0;
	v0 =	vor.u32 $0x3D0, v44  }
0x3f: {  	s7 =	ssub.s32 s4, s7;
	s3 =	sadd.s32 $0x20A00, s6;
	s4 =	sadd.s32 $0xA00, s6;
	[tilespmem:$0x1FEB0] =	vst v0;
	v0 =	vor.u32 $0x3E0, v44  }
0x40: {  	s5 =	sadd.s32 $0x40A00, s5;
	s6 =	smax.u32 s7, $0x1;
	s7 =	simm.s32 $0x8000;
	[tilespmem:$0x1FEC0] =	vst v0  }
.LBB2_1:
0x41: {  	[tilespmem:s7], [sflag:$0x1] =	stream.linear.gather [hbm4b:s3+s2], $0x8000, $0x38;
	[tilespmem:$0x10080] =	vst v63  }
0x42: {  	_ = 	snop  }
0x43: {  	[tilespmem:s2], [sflag:$0x2] =	stream.linear.gather [hbm4b:s4+s2], $0x8000, $0x38;
	[tilespmem:$0x10080] =	vst v63  }
0x44: {  	_ =	swait.ge [sflag:s8], $0x8000  }
0x45: {  	[sflag:s8] =	ssyncset.done $0x0  }
0x46: {  	[sflag:s8] =	ssyncadd.s32 $0xFFFF8000  }
0x47: {  	_ =	swait.ge [sflag:s9], $0x8000  }
0x48: {  	s12 =	sand.u32 $0x6000, s2;
	s13 =	sand.u32 $0x380, s2;
	[sflag:s9] =	ssyncset.done $0x0  }
0x49: {  	s12 =	sor.u32 s13, s12;
	[sflag:s9] =	ssyncadd.s32 $0xFFFF8000  }
0x4a: {  	v0 =	vld [tilespmem:s12+$0x50]  }
0x4b: {  	v15 =	vmov v1;
	v1 =	vld [tilespmem:s12+$0x60]  }
0x4c: {  	v12 =	vmov v2;
	v2 =	vld [tilespmem:s12+$0x20];
	_ =	sdelay $0x1  }
0x4d: {  	v3 =	vld [tilespmem:s12+$0x30]  }
0x4e: {  	v4 =	vld [tilespmem:s12+$0x70];
	(xrf1) =	vsort.dscd.msk.f32 $0xffff, v0, v49  }
0x4f: {  	(xrf1) =	vsort.dscd.msk.f32 $0xffff, v1, v50  }
0x50: {  	(xrf1) =	vsort.ascd.msk.f32 $0xffff, v2, v46  }
0x51: {  	v5 =	vld [tilespmem:s12+$0x10]  }
0x52: {  	v0 =	vld [tilespmem:s12+$0x0];
	(xrf1) =	vsort.ascd.msk.f32 $0xffff, v3, v15  }
0x53: {  	v1 =	vld [tilespmem:s12+$0x40];
	(xrf1) =	vsort.dscd.msk.f32 $0xffff, v4, v6;
	_ =	sdelay $0x2  }
0x54: {  	(xrf1) =	vsort.ascd.msk.f32 $0xffff, v5, v59  }
0x55: {  	(xrf1) =	vsort.ascd.msk.f32 $0xffff, v0, v44  }
0x56: {  	(xrf1) =	vsort.dscd.msk.f32 $0xffff, v1, v12  }
0x57: {  	v0 =	vld [tilespmem:s12+$0x420]  }
0x58: {  	v1 =	vld [tilespmem:s12+$0x410]  }
0x59: {  	v2 =	vld [tilespmem:s12+$0x430]  }
0x5a: {  	v3, v4, _ =	vpop (xrf1)  }
0x5b: {  	v40 =	vmov v6;
	v5, v6, _ =	vpop (xrf1)  }
0x5c: {  	(xrf1) =	vsort.dscd.msk.f32 $0xffff, v0, v54;
	v0, v7, _ =	vpop (xrf1)  }
0x5d: {  	(xrf1) =	vsort.dscd.msk.f32 $0xffff, v1, v58;
	vm0 =	vlt.f32 v5, v0  }
0x5e: {  	(xrf1) =	vsort.dscd.msk.f32 $0xffff, v2, v55;
	v1, v8, _ =	vpop (xrf1);
	v0 =	vsel vm0, v5, v0;
	v2 =	vsel vm0, v6, v7  }
0x5f: {  	v5, v6, _ =	vpop (xrf1);
	(xrf1) =	vsort.ascd.msk.f32 $0xffff, v0, v2  }
0x60: {  	vm6 =	vlt.f32 v5, v1  }
0x61: {  	v1 =	vsel vm6, v5, v1;
	v2 =	vsel vm6, v6, v8  }
0x62: {  	v7, v9, _ =	vpop (xrf1);
	(xrf1) =	vsort.ascd.msk.f32 $0xffff, v1, v2  }
0x63: {  	v0 =	vld [tilespmem:s12+$0x400];
	v5, v6, _ =	vpop (xrf1)  }
0x64: {  	vm7 =	vlt.f32 v3, v7;
	v8, v10, _ =	vpop (xrf1)  }
0x65: {  	v1 =	vsel vm7, v3, v7;
	v2 =	vsel vm7, v4, v9;
	vm8 =	vlt.f32 v8, v5  }
0x66: {  	(xrf1) =	vsort.ascd.msk.f32 $0xffff, v1, v2;
	v1 =	vsel vm8, v8, v5;
	v2 =	vsel vm8, v10, v6  }
0x67: {  	(xrf1) =	vsort.ascd.msk.f32 $0xffff, v1, v2  }
0x68: {  	(xrf1) =	vsort.dscd.msk.f32 $0xffff, v0, v48;
	v0 =	vld [tilespmem:s12+$0x440]  }
0x69: {  	v1 =	vld [tilespmem:s12+$0x450]  }
0x6a: {  	v2 =	vld [tilespmem:s12+$0x460];
	v3, v4, _ =	vpop (xrf1)  }
0x6b: {  	v5, v6, _ =	vpop (xrf1)  }
0x6c: {  	v8, v9, _ =	vpop (xrf1)  }
0x6d: {  	v7 =	vld [tilespmem:s12+$0x470];
	(xrf1) =	vsort.dscd.msk.f32 $0xffff, v0, v45;
	v0, v10, _ =	vpop (xrf1)  }
0x6e: {  	(xrf1) =	vsort.dscd.msk.f32 $0xffff, v1, v52;
	vm9 =	vlt.f32 v3, v0  }
0x6f: {  	(xrf1) =	vsort.dscd.msk.f32 $0xffff, v2, v53;
	v0 =	vsel vm9, v3, v0;
	v1 =	vsel vm9, v4, v10  }
0x70: {  	v2, v3, _ =	vpop (xrf1);
	(xrf1) =	vsort.ascd.msk.f32 $0xffff, v0, v1  }
0x71: {  	v11 =	vld [tilespmem:s12+$0x810];
	vm10 =	vlt.f32 v8, v2  }
0x72: {  	v2 =	vsel vm10, v8, v2;
	v3 =	vsel vm10, v9, v3;
	(xrf1) =	vsort.dscd.msk.f32 $0xffff, v7, v63  }
0x73: {  	(xrf1) =	vsort.ascd.msk.f32 $0xffff, v2, v3  }
0x74: {  	v0, v1, _ =	vpop (xrf1)  }
0x75: {  	vm11 =	vlt.f32 v5, v0;
	v4, v7, _ =	vpop (xrf1)  }
0x76: {  	(xrf1) =	vsort.dscd.msk.f32 $0xffff, v11, v51;
	v0 =	vsel vm11, v5, v0;
	v1 =	vsel vm11, v6, v1;
	v2, v3, _ =	vpop (xrf1)  }
0x77: {  	vm12 =	vlt.f32 v2, v4;
	(xrf1) =	vsort.ascd.msk.f32 $0xffff, v0, v1  }
0x78: {  	v0 =	vsel vm12, v2, v4;
	v1 =	vsel vm12, v3, v7  }
0x79: {  	(xrf1) =	vsort.ascd.msk.f32 $0xffff, v0, v1  }
0x7a: {  	v0 =	vld [tilespmem:s12+$0x830]  }
0x7b: {  	v1 =	vld [tilespmem:s12+$0x820];
	v2, v3, _ =	vpop (xrf1)  }
0x7c: {  	v4, v5, _ =	vpop (xrf1)  }
0x7d: {  	v6, v7, _ =	vpop (xrf1)  }
0x7e: {  	v8, v9, _ =	vpop (xrf1)  }
0x7f: {  	(xrf1) =	vsort.dscd.msk.f32 $0xffff, v0, v62;
	vm13 =	vlt.f32 v6, v8  }
0x80: {  	(xrf1) =	vsort.dscd.msk.f32 $0xffff, v1, v57;
	v0, v10, _ =	vpop (xrf1);
	v1 =	vsel vm13, v6, v8;
	v6 =	vsel vm13, v7, v9  }
0x81: {  	v7, v8, _ =	vpop (xrf1)  }
0x82: {  	vm14 =	vlt.f32 v0, v7;
	(xrf1) =	vsort.ascd.msk.f32 $0xffff, v1, v6  }
0x83: {  	v0 =	vsel vm14, v0, v7;
	v7 =	vsel vm14, v10, v8  }
0x84: {  	v9 =	vld [tilespmem:s12+$0x800];
	v1, v6, _ =	vpop (xrf1)  }
0x85: {  	(xrf1) =	vsort.ascd.msk.f32 $0xffff, v0, v7;
	v8, v10, _ =	vpop (xrf1)  }
0x86: {  	vm15 =	vlt.f32 v4, v8  }
0x87: {  	v0 =	vsel vm15, v4, v8;
	v4 =	vsel vm15, v5, v10;
	v5, v7, _ =	vpop (xrf1)  }
0x88: {  	vm4 =	vlt.f32 v2, v5;
	(xrf1) =	vsort.ascd.msk.f32 $0xffff, v0, v4  }
0x89: {  	v0 =	vsel vm4, v2, v5;
	v2 =	vsel vm4, v3, v7;
	(xrf1) =	vsort.dscd.msk.f32 $0xffff, v9, v14  }
0x8a: {  	v56 =	vld [tilespmem:$0x1FE20];
	(xrf1) =	vsort.ascd.msk.f32 $0xffff, v0, v2  }
0x8b: {  	v0 =	vld [tilespmem:s12+$0x1840];
	_ =	sdelay $0x2  }
0x8c: {  	v61 =	vld [tilespmem:$0x1FC40];
	v3, v4, _ =	vpop (xrf1)  }
0x8d: {  	v2 =	vld [tilespmem:s12+$0x860];
	v7, v8, _ =	vpop (xrf1)  }
0x8e: {  	v9, v10, _ =	vpop (xrf1);
	(xrf1) =	vsort.dscd.msk.f32 $0xffff, v0, v56  }
0x8f: {  	v47 =	vld [tilespmem:$0x1FC50];
	vm5 =	vlt.f32 v7, v9  }
0x90: {  	v5 =	vld [tilespmem:s12+$0x870];
	v0 =	vsel vm5, v7, v9;
	v7 =	vsel vm5, v8, v10  }
0x91: {  	v60 =	vld [tilespmem:$0x1FC30];
	v8, v9, _ =	vpop (xrf1)  }
0x92: {  	v11 =	vld [tilespmem:s12+$0x850];
	(xrf1) =	vsort.dscd.msk.f32 $0xffff, v2, v61;
	vm6 =	vlt.f32 v3, v8  }
0x93: {  	(xrf1) =	vsort.ascd.msk.f32 $0xffff, v0, v7;
	v0 =	vsel vm6, v3, v8;
	v3 =	vsel vm6, v4, v9  }
0x94: {  	v4, v7, _ =	vpop (xrf1)  }
0x95: {  	v43 =	vld [tilespmem:$0x1FC20];
	(xrf1) =	vsort.dscd.msk.f32 $0xffff, v5, v47;
	vm7 =	vlt.f32 v1, v4;
	v5, v8, _ =	vpop (xrf1)  }
0x96: {  	v2 =	vld [tilespmem:s12+$0x840];
	(xrf1) =	vsort.ascd.msk.f32 $0xffff, v0, v3;
	v0 =	vsel vm7, v1, v4;
	v3, v4, _ =	vpop (xrf1)  }
0x97: {  	(xrf1) =	vsort.dscd.msk.f32 $0xffff, v11, v60;
	v1 =	vsel vm7, v6, v7;
	vm8 =	vlt.f32 v5, v3  }
0x98: {  	(xrf1) =	vsort.ascd.msk.f32 $0xffff, v0, v1;
	v0 =	vsel vm8, v5, v3;
	_ =	sdelay $0x2  }
0x99: {  	v1 =	vsel vm8, v8, v4;
	(xrf1) =	vsort.dscd.msk.f32 $0xffff, v2, v43  }
0x9a: {  	(xrf1) =	vsort.ascd.msk.f32 $0xffff, v0, v1;
	v1 =	vld [tilespmem:s12+$0xC20];
	v3, v0, _ =	vpop (xrf1)  }
0x9b: {  	[tilespmem:$0x1FB40] =	vst v0;
	v0 =	vld [tilespmem:$0x1FC80];
	_ =	sdelay $0x3  }
0x9c: {  	v2 =	vld [tilespmem:s12+$0xC30]  }
0x9d: {  	v4, v5, _ =	vpop (xrf1);
	(xrf1) =	vsort.dscd.msk.f32 $0xffff, v1, v0;
	v0 =	vld [tilespmem:$0x1FC90]  }
0x9e: {  	v6, v7, _ =	vpop (xrf1)  }
0x9f: {  	vm9 =	vlt.f32 v4, v6;
	v9, v10, _ =	vpop (xrf1)  }
0xa0: {  	v4 =	vsel vm9, v4, v6;
	v5 =	vsel vm9, v5, v7;
	v6, v7, _ =	vpop (xrf1)  }
0xa1: {  	v8 =	vld [tilespmem:s12+$0xC10];
	vm10 =	vlt.f32 v9, v6;
	(xrf1) =	vsort.ascd.msk.f32 $0xffff, v4, v5  }
0xa2: {  	v4 =	vsel vm10, v9, v6;
	v5 =	vsel vm10, v10, v7;
	(xrf1) =	vsort.dscd.msk.f32 $0xffff, v2, v0;
	v0 =	vld [tilespmem:$0x1FC70]  }
0xa3: {  	(xrf1) =	vsort.ascd.msk.f32 $0xffff, v4, v5;
	_ =	sdelay $0x1  }
0xa4: {  	v38 =	vmov v12;
	v11, v12, _ =	vpop (xrf1)  }
0xa5: {  	v1 =	vld [tilespmem:s12+$0xC00];
	v6, v7, _ =	vpop (xrf1)  }
0xa6: {  	vm11 =	vlt.f32 v11, v6;
	(xrf1) =	vsort.dscd.msk.f32 $0xffff, v8, v0;
	v0 =	vld [tilespmem:$0x1FC60]  }
0xa7: {  	v4 =	vsel vm11, v11, v6;
	v5 =	vsel vm11, v12, v7  }
0xa8: {  	(xrf1) =	vsort.ascd.msk.f32 $0xffff, v4, v5;
	_ =	sdelay $0x1  }
0xa9: {  	v2, v9, _ =	vpop (xrf1)  }
0xaa: {  	v6, v7, _ =	vpop (xrf1);
	(xrf1) =	vsort.dscd.msk.f32 $0xffff, v1, v0;
	v1 =	vld [tilespmem:s12+$0xC60]  }
0xab: {  	vm12 =	vlt.f32 v2, v6;
	v0 =	vld [tilespmem:$0x1FCC0]  }
0xac: {  	v2 =	vsel vm12, v2, v6;
	v5, v6, _ =	vpop (xrf1)  }
0xad: {  	v4 =	vsel vm12, v9, v7;
	v8, v9, _ =	vpop (xrf1)  }
0xae: {  	vm13 =	vlt.f32 v5, v8;
	v11, v12, _ =	vpop (xrf1)  }
0xaf: {  	(xrf1) =	vsort.ascd.msk.f32 $0xffff, v2, v4;
	v5 =	vsel vm13, v5, v8;
	v6 =	vsel vm13, v6, v9;
	v8, v9, _ =	vpop (xrf1)  }
0xb0: {  	v2 =	vld [tilespmem:s12+$0xC70];
	(xrf1) =	vsort.dscd.msk.f32 $0xffff, v1, v0;
	vm14 =	vlt.f32 v11, v8  }
0xb1: {  	(xrf1) =	vsort.ascd.msk.f32 $0xffff, v5, v6;
	v6 =	vsel vm14, v11, v8;
	v8 =	vsel vm14, v12, v9;
	v12 =	vld [tilespmem:$0x1FCD0];
	_ =	sdelay $0x2  }
0xb2: {  	v39 =	vmov v15;
	v0 =	vmov v14;
	v14, v15, _ =	vpop (xrf1)  }
0xb3: {  	v9, v11, _ =	vpop (xrf1)  }
0xb4: {  	v4 =	vld [tilespmem:s12+$0xC50];
	vm15 =	vlt.f32 v14, v9;
	(xrf1) =	vsort.dscd.msk.f32 $0xffff, v2, v12  }
0xb5: {  	(xrf1) =	vsort.ascd.msk.f32 $0xffff, v6, v8;
	v6 =	vsel vm15, v14, v9;
	v14 =	vld [tilespmem:$0x1FCB0];
	_ =	sdelay $0x4  }
0xb6: {  	v7 =	vld [tilespmem:s12+$0xC40];
	v8 =	vsel vm15, v15, v11;
	(xrf1) =	vsort.dscd.msk.f32 $0xffff, v4, v14  }
0xb7: {  	(xrf1) =	vsort.ascd.msk.f32 $0xffff, v6, v8;
	v6 =	vld [tilespmem:$0x1FCA0];
	_ =	sdelay $0x3  }
0xb8: {  	v8 =	vld [tilespmem:$0x1FE30]  }
0xb9: {  	v2, v12, _ =	vpop (xrf1);
	(xrf1) =	vsort.dscd.msk.f32 $0xffff, v7, v6;
	v6 =	vld [tilespmem:s12+$0x1850]  }
0xba: {  	v9, v11, _ =	vpop (xrf1)  }
0xbb: {  	vm4 =	vlt.f32 v2, v9  }
0xbc: {  	v2 =	vsel vm4, v2, v9;
	v4 =	vsel vm4, v12, v11  }
0xbd: {  	(xrf1) =	vsort.ascd.msk.f32 $0xffff, v2, v4;
	v2 =	vld [tilespmem:s12+$0x1860]  }
0xbe: {  	(xrf1) =	vsort.dscd.msk.f32 $0xffff, v6, v8;
	v6 =	vld [tilespmem:$0x1FE40];
	_ =	sdelay $0x3  }
0xbf: {  	v4 =	vld [tilespmem:s12+$0x1420]  }
0xc0: {  	(xrf1) =	vsort.dscd.msk.f32 $0xffff, v2, v6;
	v2 =	vld [tilespmem:$0x1FD80]  }
0xc1: {  	v9 =	vld [tilespmem:$0x1FDE0]  }
0xc2: {  	v7 =	vld [tilespmem:s12+$0x1800]  }
0xc3: {  	v10 =	vld [tilespmem:s12+$0x1020]  }
0xc4: {  	v11 =	vld [tilespmem:$0x1FD00]  }
0xc5: {  	(xrf1) =	vsort.dscd.msk.f32 $0xffff, v4, v2;
	v2, v4, _ =	vpop (xrf1)  }
0xc6: {  	v6, v8, _ =	vpop (xrf1)  }
0xc7: {  	(xrf1) =	vsort.dscd.msk.f32 $0xffff, v7, v9;
	vm5 =	vlt.f32 v2, v6;
	v7, v9, _ =	vpop (xrf1)  }
0xc8: {  	v2 =	vsel vm5, v2, v6;
	v4 =	vsel vm5, v4, v8;
	v6, v8, _ =	vpop (xrf1)  }
0xc9: {  	v13 =	vld [tilespmem:s12+$0x1030];
	(xrf1) =	vsort.dscd.msk.f32 $0xffff, v10, v11;
	vm6 =	vlt.f32 v7, v6  }
0xca: {  	(xrf1) =	vsort.ascd.msk.f32 $0xffff, v2, v4;
	v4 =	vsel vm6, v9, v8;
	v8 =	vld [tilespmem:$0x1FD10];
	_ =	sdelay $0x2  }
0xcb: {  	v10, v11, _ =	vpop (xrf1)  }
0xcc: {  	v2 =	vsel vm6, v7, v6;
	v6, v7, _ =	vpop (xrf1)  }
0xcd: {  	v1 =	vld [tilespmem:s12+$0x1010];
	vm7 =	vlt.f32 v10, v6;
	(xrf1) =	vsort.dscd.msk.f32 $0xffff, v13, v8  }
0xce: {  	(xrf1) =	vsort.ascd.msk.f32 $0xffff, v2, v4;
	v2 =	vsel vm7, v10, v6;
	v10 =	vld [tilespmem:$0x1FCF0];
	_ =	sdelay $0x2  }
0xcf: {  	v8, v9, _ =	vpop (xrf1)  }
0xd0: {  	v4 =	vsel vm7, v11, v7;
	v6, v7, _ =	vpop (xrf1)  }
0xd1: {  	v5 =	vld [tilespmem:s12+$0x1000];
	vm8 =	vlt.f32 v8, v6;
	(xrf1) =	vsort.dscd.msk.f32 $0xffff, v1, v10  }
0xd2: {  	(xrf1) =	vsort.ascd.msk.f32 $0xffff, v2, v4;
	v4 =	vsel vm8, v8, v6;
	v6 =	vsel vm8, v9, v7;
	v7 =	vld [tilespmem:$0x1FCE0];
	_ =	sdelay $0x4  }
0xd3: {  	v13 =	vld [tilespmem:s12+$0x1810];
	(xrf1) =	vsort.dscd.msk.f32 $0xffff, v5, v7  }
0xd4: {  	(xrf1) =	vsort.ascd.msk.f32 $0xffff, v4, v6;
	v4 =	vld [tilespmem:$0x1FDF0];
	_ =	sdelay $0x3  }
0xd5: {  	v25 =	vld [tilespmem:s12+$0x1820];
	v10, v9, _ =	vpop (xrf1)  }
0xd6: {  	v12, v11, _ =	vpop (xrf1);
	(xrf1) =	vsort.dscd.msk.f32 $0xffff, v13, v4;
	v13 =	vld [tilespmem:$0x1FE00]  }
0xd7: {  	v28 =	vld [tilespmem:$0x1FDC0]  }
0xd8: {  	v29 =	vld [tilespmem:$0x1FD60]  }
0xd9: {  	v24 =	vld [tilespmem:s12+$0x1450]  }
0xda: {  	v14 =	vld [tilespmem:s12+$0x1440]  }
0xdb: {  	(xrf1) =	vsort.dscd.msk.f32 $0xffff, v25, v13;
	v13 =	vld [tilespmem:$0x1FDA0]  }
0xdc: {  	v25 =	vld [tilespmem:$0x1FDB0]  }
0xdd: {  	v22 =	vld [tilespmem:s12+$0x1460]  }
0xde: {  	v21 =	vld [tilespmem:s12+$0x1400]  }
0xdf: {  	v32 =	vld [tilespmem:$0x1FD40];
	v30, v31, _ =	vpop (xrf1)  }
0xe0: {  	v16 =	vld [tilespmem:s12+$0x1060];
	(xrf1) =	vsort.dscd.msk.f32 $0xffff, v14, v13;
	v14, v13, _ =	vpop (xrf1)  }
0xe1: {  	(xrf1) =	vsort.dscd.msk.f32 $0xffff, v24, v25;
	v24, v25, _ =	vpop (xrf1)  }
0xe2: {  	(xrf1) =	vsort.dscd.msk.f32 $0xffff, v22, v28;
	v22, v28, _ =	vpop (xrf1)  }
0xe3: {  	v37 =	vld [tilespmem:$0x1FD30];
	(xrf1) =	vsort.dscd.msk.f32 $0xffff, v21, v29;
	vm9 =	vlt.f32 v24, v22;
	v21, v29, _ =	vpop (xrf1)  }
0xe4: {  	v18 =	vld [tilespmem:s12+$0x1070];
	v22 =	vsel vm9, v24, v22;
	v24 =	vsel vm9, v25, v28;
	v25, v28, _ =	vpop (xrf1)  }
0xe5: {  	v19 =	vld [tilespmem:s12+$0x1040];
	(xrf1) =	vsort.dscd.msk.f32 $0xffff, v16, v32;
	vm10 =	vlt.f32 v21, v25  }
0xe6: {  	(xrf1) =	vsort.ascd.msk.f32 $0xffff, v22, v24;
	v22 =	vsel vm10, v29, v28;
	v28 =	vld [tilespmem:$0x1FD50]  }
0xe7: {  	v27 =	vld [tilespmem:s12+$0x1430]  }
0xe8: {  	v15 =	vld [tilespmem:s12+$0x1050]  }
0xe9: {  	s26 =	sand.u32 $0x7, s2;
	v26 =	vld [tilespmem:s12+$0x1410]  }
0xea: {  	s13 =	sshll.u32 s26, $0x7;
	v17 =	vld [tilespmem:s12+$0x1470];
	v16, v32, _ =	vpop (xrf1)  }
0xeb: {  	s13 =	sadd.s32 $0x0, s13;
	v20 =	vld [tilespmem:s12+$0x1830];
	v21 =	vsel vm10, v21, v25;
	v24, v25, _ =	vpop (xrf1);
	(xrf1) =	vsort.dscd.msk.f32 $0xffff, v18, v28  }
0xec: {  	s14 =	sor.u32 $0x1C10, s13;
	v23 =	vld [tilespmem:s12+$0x1870];
	vm11 =	vlt.f32 v16, v24;
	(xrf1) =	vsort.ascd.msk.f32 $0xffff, v21, v22  }
0xed: {  	s17 =	simm.s32 $0x80;
	s18 =	simm.s32 $0x400;
	v2 =	vld [tilespmem:s14+$0x0];
	v16 =	vsel vm11, v16, v24;
	v28, v29, _ =	vpop (xrf1);
	v22 =	vsel vm11, v32, v25;
	(xrf1) =	vsort.dscd.msk.f32 $0xffff, v15, v37  }
0xee: {  	s12 =	sand.u32 $0x380, s17;
	s14 =	sand.u32 $0x6000, s18;
	v24, v25, _ =	vpop (xrf1);
	(xrf1) =	vsort.ascd.msk.f32 $0xffff, v16, v22;
	v22 =	vld [tilespmem:$0x1FD20]  }
0xef: {  	s12 =	sor.u32 s12, s14  }
0xf0: {  	v18 =	vld [tilespmem:s12+$0x50];
	vm12 =	vlt.f32 v28, v24  }
0xf1: {  	v21 =	vld [tilespmem:s12+$0x60];
	v15 =	vsel vm12, v28, v24  }
0xf2: {  	v41 =	vld [tilespmem:s12+$0x20];
	v16 =	vsel vm12, v29, v25  }
0xf3: {  	v33 =	vld [tilespmem:s12+$0x30];
	(xrf1) =	vsort.dscd.msk.f32 $0xffff, v19, v22  }
0xf4: {  	v34 =	vld [tilespmem:s12+$0x70];
	(xrf1) =	vsort.ascd.msk.f32 $0xffff, v15, v16  }
0xf5: {  	v35 =	vld [tilespmem:s12+$0x10];
	v16, v15, _ =	vpop (xrf1);
	(xrf1) =	vsort.dscd.msk.f32 $0xffff, v18, v49  }
0xf6: {  	v36 =	vld [tilespmem:s12+$0x0];
	v19, v18, _ =	vpop (xrf1);
	(xrf1) =	vsort.dscd.msk.f32 $0xffff, v21, v50  }
0xf7: {  	v37 =	vld [tilespmem:s12+$0x40];
	v22, v21, _ =	vpop (xrf1);
	(xrf1) =	vsort.ascd.msk.f32 $0xffff, v41, v46  }
0xf8: {  	v25, v24, _ =	vpop (xrf1);
	(xrf1) =	vsort.ascd.msk.f32 $0xffff, v33, v39  }
0xf9: {  	v41 =	vld [tilespmem:$0x1FD90];
	v29, v28, _ =	vpop (xrf1);
	(xrf1) =	vsort.dscd.msk.f32 $0xffff, v34, v40  }
0xfa: {  	v32, v33, _ =	vpop (xrf1);
	(xrf1) =	vsort.ascd.msk.f32 $0xffff, v35, v59  }
0xfb: {  	v34, v35, _ =	vpop (xrf1);
	(xrf1) =	vsort.ascd.msk.f32 $0xffff, v36, v44  }
0xfc: {  	(xrf1) =	vsort.dscd.msk.f32 $0xffff, v37, v38;
	v36, v37, _ =	vpop (xrf1)  }
0xfd: {  	vm13 =	vlt.f32 v34, v36;
	v39, v40, _ =	vpop (xrf1)  }
0xfe: {  	(xrf1) =	vsort.dscd.msk.f32 $0xffff, v27, v41;
	v27 =	vsel vm13, v34, v36;
	v34 =	vsel vm13, v35, v37;
	v35, v36, _ =	vpop (xrf1)  }
0xff: {  	vm14 =	vlt.f32 v39, v35  }
0x100: {  	v41, v42, _ =	vpop (xrf1);
	(xrf1) =	vsort.ascd.msk.f32 $0xffff, v27, v34;
	v27 =	vsel vm14, v39, v35;
	v39 =	vld [tilespmem:$0x1FD70];
	_ =	sdelay $0x1  }
0x101: {  	v38 =	vld [tilespmem:s12+$0x420];
	_ =	sdelay $0x2  }
0x102: {  	v34 =	vsel vm14, v40, v36;
	v35, v36, _ =	vpop (xrf1);
	(xrf1) =	vsort.dscd.msk.f32 $0xffff, v26, v39  }
0x103: {  	s28 =	sor.u32 $0x1C20, s13;
	v37 =	vld [tilespmem:s12+$0x410];
	vm15 =	vlt.f32 v41, v35;
	v26, v39, _ =	vpop (xrf1);
	(xrf1) =	vsort.ascd.msk.f32 $0xffff, v27, v34  }
0x104: {  	s29 =	sor.u32 $0x1C00, s13;
	v1 =	vld [tilespmem:s28+$0x0];
	v34 =	vsel vm15, v41, v35;
	v35 =	vsel vm15, v42, v36;
	(xrf1) =	vsort.dscd.msk.f32 $0xffff, v38, v54;
	v36, v38, _ =	vpop (xrf1)  }
0x105: {  	v8 =	vld [tilespmem:s29+$0x0];
	vm4 =	vlt.f32 v26, v36  }
0x106: {  	s30 =	sor.u32 $0x1C70, s13;
	v27 =	vld [tilespmem:s12+$0x430];
	v26 =	vsel vm4, v26, v36;
	v36 =	vsel vm4, v39, v38  }
0x107: {  	s15 =	sor.u32 $0x1C50, s13;
	v5 =	vld [tilespmem:s30+$0x0];
	v40, v41, _ =	vpop (xrf1);
	(xrf1) =	vsort.ascd.msk.f32 $0xffff, v34, v35  }
0x108: {  	s31 =	sor.u32 $0x1C60, s13;
	v7 =	vld [tilespmem:s15+$0x0];
	v34, v35, _ =	vpop (xrf1);
	(xrf1) =	vsort.dscd.msk.f32 $0xffff, v37, v58  }
0x109: {  	s16 =	sor.u32 $0x1C40, s13;
	v6 =	vld [tilespmem:s31+$0x0];
	v37, v42, _ =	vpop (xrf1);
	(xrf1) =	vsort.ascd.msk.f32 $0xffff, v26, v36  }
0x10a: {  	v4 =	vld [tilespmem:s16+$0x0];
	vm5 =	vlt.f32 v34, v37;
	v26, v36, _ =	vpop (xrf1)  }
0x10b: {  	(xrf1) =	vsort.dscd.msk.f32 $0xffff, v27, v55;
	v27 =	vsel vm5, v34, v37;
	v34 =	vsel vm5, v35, v42;
	v35, v37, _ =	vpop (xrf1)  }
0x10c: {  	v42, v39, _ =	vpop (xrf1)  }
0x10d: {  	vm6 =	vlt.f32 v35, v26;
	vm1 =	vlt.f32 v40, v42  }
0x10e: {  	(xrf1) =	vsort.ascd.msk.f32 $0xffff, v27, v34;
	v34 =	vsel vm6, v37, v36;
	v37 =	vsel vm1, v40, v42;
	v42 =	vld [tilespmem:$0x1FE50]  }
0x10f: {  	v26 =	vsel vm6, v35, v26;
	v35, v36, _ =	vpop (xrf1)  }
0x110: {  	v27 =	vld [tilespmem:s12+$0x400];
	v38 =	vsel vm1, v41, v39;
	v39, v40, _ =	vpop (xrf1)  }
0x111: {  	(xrf1) =	vsort.ascd.msk.f32 $0xffff, v26, v34;
	vm7 =	vlt.f32 v39, v35  }
0x112: {  	v41 =	vld [tilespmem:$0x1FE10];
	(xrf1) =	vsort.ascd.msk.f32 $0xffff, v37, v38;
	v35 =	vsel vm7, v39, v35;
	v26, v34, _ =	vpop (xrf1)  }
0x113: {  	v36 =	vsel vm7, v40, v36;
	(xrf1) =	vsort.dscd.msk.f32 $0xffff, v23, v42;
	v23, v40, _ =	vpop (xrf1)  }
0x114: {  	v42 =	vld [tilespmem:$0x1FDD0];
	(xrf1) =	vsort.ascd.msk.f32 $0xffff, v35, v36;
	vm8 =	vlt.f32 v30, v23  }
0x115: {  	(xrf1) =	vsort.dscd.msk.f32 $0xffff, v27, v48;
	v27, v37, _ =	vpop (xrf1);
	v23 =	vsel vm8, v30, v23;
	v30 =	vsel vm8, v31, v40  }
0x116: {  	v31, v35, _ =	vpop (xrf1)  }
0x117: {  	v36 =	vld [tilespmem:s12+$0x440];
	(xrf1) =	vsort.dscd.msk.f32 $0xffff, v20, v41;
	v38, v39, _ =	vpop (xrf1);
	vm9 =	vlt.f32 v26, v31  }
0x118: {  	(xrf1) =	vsort.ascd.msk.f32 $0xffff, v23, v30;
	v23 =	vsel vm9, v26, v31;
	v30, v31, _ =	vpop (xrf1)  }
0x119: {  	v20 =	vld [tilespmem:s12+$0x450];
	v26 =	vsel vm9, v34, v35;
	(xrf1) =	vsort.dscd.msk.f32 $0xffff, v17, v42;
	vm10 =	vlt.f32 v27, v30  }
0x11a: {  	(xrf1) =	vsort.ascd.msk.f32 $0xffff, v23, v26;
	v26 =	vsel vm10, v27, v30;
	v27 =	vsel vm10, v37, v31  }
0x11b: {  	v17, v34, _ =	vpop (xrf1)  }
0x11c: {  	v23 =	vld [tilespmem:s12+$0x460];
	(xrf1) =	vsort.dscd.msk.f32 $0xffff, v36, v45;
	v30, v31, _ =	vpop (xrf1)  }
0x11d: {  	vm11 =	vlt.f32 v32, v30;
	(xrf1) =	vsort.ascd.msk.f32 $0xffff, v26, v27;
	v27, v45, _ =	vpop (xrf1)  }
0x11e: {  	(xrf1) =	vsort.dscd.msk.f32 $0xffff, v20, v52;
	v20 =	vsel vm11, v32, v30;
	v30 =	vsel vm11, v33, v31;
	v31, v37, _ =	vpop (xrf1)  }
0x11f: {  	v26 =	vld [tilespmem:s12+$0x470];
	vm12 =	vlt.f32 v38, v31  }
0x120: {  	(xrf1) =	vsort.ascd.msk.f32 $0xffff, v20, v30;
	v30 =	vsel vm12, v39, v37  }
0x121: {  	(xrf1) =	vsort.dscd.msk.f32 $0xffff, v23, v53;
	v23 =	vsel vm12, v38, v31;
	v31, v40, _ =	vpop (xrf1)  }
0x122: {  	v20 =	vld [tilespmem:s12+$0x810];
	vm13 =	vlt.f32 v27, v31  }
0x123: {  	v42, v41, _ =	vpop (xrf1);
	(xrf1) =	vsort.ascd.msk.f32 $0xffff, v23, v30;
	v23 =	vsel vm13, v27, v31;
	v27 =	vsel vm13, v45, v40  }
0x124: {  	(xrf1) =	vsort.dscd.msk.f32 $0xffff, v26, v63;
	vm14 =	vlt.f32 v17, v42;
	v26, v30, _ =	vpop (xrf1)  }
0x125: {  	v17 =	vsel vm14, v17, v42;
	v31, v45, _ =	vpop (xrf1)  }
0x126: {  	(xrf1) =	vsort.ascd.msk.f32 $0xffff, v23, v27;
	v27, v36, _ =	vpop (xrf1)  }
0x127: {  	v23 =	vsel vm14, v34, v41;
	(xrf1) =	vsort.dscd.msk.f32 $0xffff, v20, v51;
	vm15 =	vlt.f32 v27, v31  }
0x128: {  	(xrf1) =	vsort.ascd.msk.f32 $0xffff, v17, v23;
	v17, v20, _ =	vpop (xrf1);
	v23 =	vsel vm15, v27, v31;
	v27 =	vsel vm15, v36, v45  }
0x129: {  	v31, v37, _ =	vpop (xrf1)  }
0x12a: {  	vm4 =	vlt.f32 v29, v31  }
0x12b: {  	v29 =	vsel vm4, v29, v31  }
0x12c: {  	(xrf1) =	vsort.ascd.msk.f32 $0xffff, v23, v27;
	v28 =	vsel vm4, v28, v37;
	v23, v27, _ =	vpop (xrf1)  }
0x12d: {  	v40, v39, _ =	vpop (xrf1)  }
0x12e: {  	v31, v41, _ =	vpop (xrf1)  }
0x12f: {  	v38 =	vld [tilespmem:s12+$0x830];
	(xrf1) =	vsort.ascd.msk.f32 $0xffff, v29, v28;
	v28, v29, _ =	vpop (xrf1)  }
0x130: {  	vm5 =	vlt.f32 v23, v40;
	vm6 =	vlt.f32 v25, v28  }
0x131: {  	v27 =	vsel vm5, v27, v39;
	v25 =	vsel vm6, v25, v28  }
0x132: {  	v23 =	vsel vm5, v23, v40;
	v24 =	vsel vm6, v24, v29  }
0x133: {  	v42, v45, _ =	vpop (xrf1);
	(xrf1) =	vsort.ascd.msk.f32 $0xffff, v23, v27;
	v23 =	vld [tilespmem:s12+$0x820]  }
0x134: {  	(xrf1) =	vsort.dscd.msk.f32 $0xffff, v38, v62;
	v27, v28, _ =	vpop (xrf1)  }
0x135: {  	(xrf1) =	vsort.ascd.msk.f32 $0xffff, v25, v24;
	vm7 =	vlt.f32 v22, v27;
	v24, v25, _ =	vpop (xrf1)  }
0x136: {  	v22 =	vsel vm7, v22, v27;
	v21 =	vsel vm7, v21, v28;
	v27, v28, _ =	vpop (xrf1)  }
0x137: {  	(xrf1) =	vsort.ascd.msk.f32 $0xffff, v22, v21;
	vm8 =	vlt.f32 v24, v27  }
0x138: {  	(xrf1) =	vsort.dscd.msk.f32 $0xffff, v23, v57;
	v23 =	vsel vm8, v24, v27;
	v24 =	vsel vm8, v25, v28;
	_ =	sdelay $0x1  }
0x139: {  	v21, v22, _ =	vpop (xrf1)  }
0x13a: {  	v25, v27, _ =	vpop (xrf1)  }
0x13b: {  	(xrf1) =	vsort.ascd.msk.f32 $0xffff, v23, v24;
	vm9 =	vlt.f32 v21, v25;
	v23, v24, _ =	vpop (xrf1)  }
0x13c: {  	v21 =	vsel vm9, v21, v25;
	v22 =	vsel vm9, v22, v27;
	v25, v27, _ =	vpop (xrf1)  }
0x13d: {  	vm10 =	vlt.f32 v42, v25  }
0x13e: {  	v28 =	vld [tilespmem:s12+$0x800];
	(xrf1) =	vsort.ascd.msk.f32 $0xffff, v21, v22;
	v21 =	vsel vm10, v42, v25;
	v22 =	vsel vm10, v45, v27;
	v25, v27, _ =	vpop (xrf1)  }
0x13f: {  	vm11 =	vlt.f32 v31, v25  }
0x140: {  	(xrf1) =	vsort.ascd.msk.f32 $0xffff, v21, v22;
	v22 =	vsel vm11, v41, v27  }
0x141: {  	v21 =	vsel vm11, v31, v25;
	v25, v27, _ =	vpop (xrf1)  }
0x142: {  	vm12 =	vlt.f32 v19, v25  }
0x143: {  	(xrf1) =	vsort.dscd.msk.f32 $0xffff, v28, v0;
	v19 =	vsel vm12, v19, v25  }
0x144: {  	(xrf1) =	vsort.ascd.msk.f32 $0xffff, v21, v22;
	v21, v22, _ =	vpop (xrf1)  }
0x145: {  	v18 =	vsel vm12, v18, v27;
	v25, v27, _ =	vpop (xrf1);
	vm13 =	vlt.f32 v17, v21  }
0x146: {  	(xrf1) =	vsort.ascd.msk.f32 $0xffff, v19, v18;
	v18 =	vsel vm13, v20, v22;
	v19, v20, _ =	vpop (xrf1)  }
0x147: {  	vm14 =	vlt.f32 v16, v19  }
0x148: {  	v16 =	vsel vm14, v16, v19  }
0x149: {  	v17 =	vsel vm13, v17, v21;
	v21 =	vld [tilespmem:s12+$0x1840]  }
0x14a: {  	(xrf1) =	vsort.ascd.msk.f32 $0xffff, v17, v18;
	v17 =	vld [tilespmem:s12+$0x860];
	v15 =	vsel vm14, v15, v20;
	v18, v19, _ =	vpop (xrf1)  }
0x14b: {  	(xrf1) =	vsort.ascd.msk.f32 $0xffff, v16, v15;
	vm15 =	vlt.f32 v14, v18;
	v16, v20, _ =	vpop (xrf1)  }
0x14c: {  	v15 =	vld [tilespmem:s12+$0x870];
	v14 =	vsel vm15, v14, v18;
	v13 =	vsel vm15, v13, v19;
	v18, v19, _ =	vpop (xrf1)  }
0x14d: {  	(xrf1) =	vsort.ascd.msk.f32 $0xffff, v14, v13;
	vm4 =	vlt.f32 v16, v18  }
0x14e: {  	v13 =	vld [tilespmem:s12+$0x850];
	(xrf1) =	vsort.dscd.msk.f32 $0xffff, v21, v56;
	v14 =	vsel vm4, v16, v18;
	v16 =	vsel vm4, v20, v19;
	v18, v19, _ =	vpop (xrf1)  }
0x14f: {  	(xrf1) =	vsort.dscd.msk.f32 $0xffff, v17, v61;
	vm5 =	vlt.f32 v25, v18  }
0x150: {  	(xrf1) =	vsort.ascd.msk.f32 $0xffff, v14, v16;
	v14 =	vsel vm5, v25, v18;
	v16 =	vsel vm5, v27, v19;
	v18, v19, _ =	vpop (xrf1)  }
0x151: {  	(xrf1) =	vsort.dscd.msk.f32 $0xffff, v15, v47;
	vm6 =	vlt.f32 v23, v18;
	v15, v20, _ =	vpop (xrf1)  }
0x152: {  	v17 =	vld [tilespmem:s12+$0x840];
	(xrf1) =	vsort.ascd.msk.f32 $0xffff, v14, v16;
	v14 =	vsel vm6, v23, v18;
	v16 =	vsel vm6, v24, v19;
	v18, v19, _ =	vpop (xrf1)  }
0x153: {  	(xrf1) =	vsort.dscd.msk.f32 $0xffff, v13, v60;
	vm7 =	vlt.f32 v15, v18  }
0x154: {  	(xrf1) =	vsort.ascd.msk.f32 $0xffff, v14, v16;
	v14 =	vsel vm7, v15, v18;
	v18 =	vld [tilespmem:$0x1FE70];
	_ =	sdelay $0x2  }
0x155: {  	v15 =	vsel vm7, v20, v19;
	(xrf1) =	vsort.dscd.msk.f32 $0xffff, v17, v43  }
0x156: {  	(xrf1) =	vsort.ascd.msk.f32 $0xffff, v14, v15  }
0x157: {  	(xrf1) =	vsort.dscd.msk.f32 $0xffff, v2, v18;
	v2 =	vld [tilespmem:$0x1FE80]  }
0x158: {  	s13 =	sor.u32 $0x1C30, s13  }
0x159: {  	v13 =	vld [tilespmem:s13+$0x0];
	v16, v17, _ =	vpop (xrf1)  }
0x15a: {  	v14, v15, _ =	vpop (xrf1);
	v18 =	vld [tilespmem:$0x1FE90]  }
0x15b: {  	vm8 =	vlt.f32 v26, v14  }
0x15c: {  	(xrf1) =	vsort.dscd.msk.f32 $0xffff, v1, v2;
	v2 =	vsel vm8, v30, v15  }
0x15d: {  	v1 =	vsel vm8, v26, v14;
	v14, v15, _ =	vpop (xrf1)  }
0x15e: {  	vm9 =	vlt.f32 v10, v14  }
0x15f: {  	v0 =	vld [tilespmem:$0x1FB40];
	vm10 =	vlt.f32 v12, v16;
	(xrf1) =	vsort.dscd.msk.f32 $0xffff, v13, v18;
	v10 =	vsel vm9, v10, v14;
	v13, v14, _ =	vpop (xrf1)  }
0x160: {  	v12 =	vsel vm10, v12, v16;
	(xrf1) =	vsort.ascd.msk.f32 $0xffff, v1, v2;
	v16, v2, _ =	vpop (xrf1)  }
0x161: {  	[tilespmem:$0x1FB30] =	vst v2;
	v2 =	vld [tilespmem:$0x1FE60]  }
0x162: {  	v11 =	vsel vm10, v11, v17;
	v9 =	vsel vm9, v9, v15;
	vm11 =	vlt.f32 v3, v13  }
0x163: {  	(xrf1) =	vsort.ascd.msk.f32 $0xffff, v12, v11;
	v3 =	vsel vm11, v3, v13  }
0x164: {  	v0 =	vsel vm11, v0, v14;
	v12, v15, _ =	vpop (xrf1);
	(xrf1) =	vsort.ascd.msk.f32 $0xffff, v10, v9  }
0x165: {  	v1 =	vld [tilespmem:s12+$0xC20];
	v9, v10, _ =	vpop (xrf1);
	(xrf1) =	vsort.ascd.msk.f32 $0xffff, v3, v0  }
0x166: {  	v3, v13, _ =	vpop (xrf1);
	(xrf1) =	vsort.dscd.msk.f32 $0xffff, v8, v2;
	v2 =	vld [tilespmem:$0x1FC80];
	_ =	sdelay $0x3  }
0x167: {  	v11 =	vld [tilespmem:s12+$0xC30]  }
0x168: {  	(xrf1) =	vsort.dscd.msk.f32 $0xffff, v1, v2;
	v2 =	vld [tilespmem:$0x1FC90];
	_ =	sdelay $0x1  }
0x169: {  	vm12 =	vlt.f32 v12, v9  }
0x16a: {  	v8 =	vsel vm12, v12, v9;
	v9 =	vsel vm12, v15, v10  }
0x16b: {  	v0 =	vld [tilespmem:s12+$0xC10];
	(xrf1) =	vsort.ascd.msk.f32 $0xffff, v8, v9  }
0x16c: {  	v10, v12, _ =	vpop (xrf1);
	(xrf1) =	vsort.dscd.msk.f32 $0xffff, v11, v2;
	v2 =	vld [tilespmem:$0x1FC70];
	_ =	sdelay $0x1  }
0x16d: {  	vm13 =	vlt.f32 v3, v10  }
0x16e: {  	v3 =	vsel vm13, v3, v10;
	v8 =	vsel vm13, v13, v12  }
0x16f: {  	v14, v15, _ =	vpop (xrf1);
	v1 =	vld [tilespmem:s12+$0xC00];
	(xrf1) =	vsort.ascd.msk.f32 $0xffff, v3, v8  }
0x170: {  	(xrf1) =	vsort.dscd.msk.f32 $0xffff, v0, v2;
	v2 =	vld [tilespmem:$0x1FC60]  }
0x171: {  	v9, v10, _ =	vpop (xrf1)  }
0x172: {  	vm14 =	vlt.f32 v14, v9  }
0x173: {  	v3 =	vsel vm14, v14, v9;
	v8 =	vsel vm14, v15, v10  }
0x174: {  	(xrf1) =	vsort.ascd.msk.f32 $0xffff, v3, v8  }
0x175: {  	v11, v12, _ =	vpop (xrf1);
	(xrf1) =	vsort.dscd.msk.f32 $0xffff, v1, v2;
	v2 =	vld [tilespmem:$0x1FEB0]  }
0x176: {  	v9, v10, _ =	vpop (xrf1)  }
0x177: {  	vm15 =	vlt.f32 v11, v9  }
0x178: {  	v8 =	vsel vm15, v11, v9;
	v9 =	vsel vm15, v12, v10  }
0x179: {  	v0, v3, _ =	vpop (xrf1);
	(xrf1) =	vsort.ascd.msk.f32 $0xffff, v8, v9  }
0x17a: {  	v1, v10, _ =	vpop (xrf1);
	(xrf1) =	vsort.dscd.msk.f32 $0xffff, v7, v2;
	v2 =	vld [tilespmem:$0x1FEC0];
	_ =	sdelay $0x1  }
0x17b: {  	v8, v9, _ =	vpop (xrf1)  }
0x17c: {  	v11, v12, _ =	vpop (xrf1)  }
0x17d: {  	vm4 =	vlt.f32 v8, v11  }
0x17e: {  	v13 =	vor.u32 $0x3F0, v44;
	v7 =	vsel vm4, v9, v12;
	(xrf1) =	vsort.dscd.msk.f32 $0xffff, v6, v2;
	v6 =	vsel vm4, v8, v11;
	v8, v9, _ =	vpop (xrf1)  }
0x17f: {  	(xrf1) =	vsort.dscd.msk.f32 $0xffff, v5, v13;
	v5, v11, _ =	vpop (xrf1)  }
0x180: {  	v2 =	vld [tilespmem:$0x1FEA0];
	vm5 =	vlt.f32 v1, v8;
	vm6 =	vlt.f32 v0, v5  }
0x181: {  	(xrf1) =	vsort.ascd.msk.f32 $0xffff, v6, v7;
	v7 =	vsel vm5, v10, v9;
	v3 =	vsel vm6, v3, v11  }
0x182: {  	v1 =	vsel vm5, v1, v8;
	v8, v9, _ =	vpop (xrf1);
	v0 =	vsel vm6, v0, v5  }
0x183: {  	v5, v10, _ =	vpop (xrf1);
	(xrf1) =	vsort.ascd.msk.f32 $0xffff, v1, v7  }
0x184: {  	v6 =	vld [tilespmem:s12+$0xC60];
	(xrf1) =	vsort.ascd.msk.f32 $0xffff, v0, v3;
	v7, v11, _ =	vpop (xrf1)  }
0x185: {  	v0, v3, _ =	vpop (xrf1);
	(xrf1) =	vsort.dscd.msk.f32 $0xffff, v4, v2;
	v2 =	vld [tilespmem:$0x1FCC0];
	_ =	sdelay $0x1  }
0x186: {  	vm7 =	vlt.f32 v5, v8  }
0x187: {  	v5 =	vsel vm7, v5, v8;
	v8 =	vsel vm7, v10, v9  }
0x188: {  	v1 =	vld [tilespmem:s12+$0xC70];
	(xrf1) =	vsort.ascd.msk.f32 $0xffff, v5, v8  }
0x189: {  	v9, v10, _ =	vpop (xrf1);
	(xrf1) =	vsort.dscd.msk.f32 $0xffff, v6, v2;
	v2 =	vld [tilespmem:$0x1FCD0];
	_ =	sdelay $0x1  }
0x18a: {  	vm8 =	vlt.f32 v7, v0  }
0x18b: {  	v0 =	vsel vm8, v7, v0;
	v3 =	vsel vm8, v11, v3;
	v5, v7, _ =	vpop (xrf1)  }
0x18c: {  	v4 =	vld [tilespmem:s12+$0xC50];
	v8, v11, _ =	vpop (xrf1);
	(xrf1) =	vsort.ascd.msk.f32 $0xffff, v0, v3  }
0x18d: {  	(xrf1) =	vsort.dscd.msk.f32 $0xffff, v1, v2;
	v2 =	vld [tilespmem:$0x1FCB0];
	_ =	sdelay $0x1  }
0x18e: {  	vm9 =	vlt.f32 v9, v5  }
0x18f: {  	v0 =	vsel vm9, v9, v5;
	v3 =	vsel vm9, v10, v7;
	v5, v7, _ =	vpop (xrf1)  }
0x190: {  	v6 =	vld [tilespmem:s12+$0xC40];
	v9, v10, _ =	vpop (xrf1);
	(xrf1) =	vsort.ascd.msk.f32 $0xffff, v0, v3  }
0x191: {  	(xrf1) =	vsort.dscd.msk.f32 $0xffff, v4, v2;
	v2 =	vld [tilespmem:$0x1FCA0];
	_ =	sdelay $0x1  }
0x192: {  	vm10 =	vlt.f32 v8, v5  }
0x193: {  	v3 =	vsel vm10, v8, v5;
	v5 =	vsel vm10, v11, v7  }
0x194: {  	v1 =	vld [tilespmem:s12+$0x1850];
	(xrf1) =	vsort.ascd.msk.f32 $0xffff, v3, v5  }
0x195: {  	v7, v8, _ =	vpop (xrf1);
	(xrf1) =	vsort.dscd.msk.f32 $0xffff, v6, v2;
	v2 =	vld [tilespmem:$0x1FE30];
	_ =	sdelay $0x1  }
0x196: {  	vm11 =	vlt.f32 v9, v7  }
0x197: {  	v7 =	vsel vm11, v9, v7;
	v8 =	vsel vm11, v10, v8  }
0x198: {  	v0 =	vld [tilespmem:s12+$0x1860];
	v3, v5, _ =	vpop (xrf1);
	(xrf1) =	vsort.ascd.msk.f32 $0xffff, v7, v8  }
0x199: {  	v6, v9, _ =	vpop (xrf1);
	(xrf1) =	vsort.dscd.msk.f32 $0xffff, v1, v2;
	v2 =	vld [tilespmem:$0x1FE40];
	_ =	sdelay $0x3  }
0x19a: {  	v4 =	vld [tilespmem:s12+$0x1420]  }
0x19b: {  	v7, v8, _ =	vpop (xrf1);
	(xrf1) =	vsort.dscd.msk.f32 $0xffff, v0, v2;
	v2 =	vld [tilespmem:$0x1FD80];
	_ =	sdelay $0x2  }
0x19c: {  	v1, v10, _ =	vpop (xrf1)  }
0x19d: {  	vm12 =	vlt.f32 v7, v1;
	v0 =	vld [tilespmem:s12+$0x1800]  }
0x19e: {  	v1 =	vsel vm12, v7, v1;
	(xrf1) =	vsort.dscd.msk.f32 $0xffff, v4, v2;
	v4 =	vsel vm12, v8, v10;
	v7, v8, _ =	vpop (xrf1);
	v2 =	vld [tilespmem:$0x1FDE0]  }
0x19f: {  	vm13 =	vlt.f32 v6, v7;
	v10, v11, _ =	vpop (xrf1);
	(xrf1) =	vsort.ascd.msk.f32 $0xffff, v1, v4  }
0x1a0: {  	vm14 =	vlt.f32 v3, v10;
	v4 =	vsel vm13, v6, v7;
	v6 =	vsel vm13, v9, v8  }
0x1a1: {  	v3 =	vsel vm14, v3, v10;
	v5 =	vsel vm14, v5, v11;
	(xrf1) =	vsort.ascd.msk.f32 $0xffff, v4, v6  }
0x1a2: {  	v1 =	vld [tilespmem:s12+$0x1020];
	v7, v8, _ =	vpop (xrf1);
	(xrf1) =	vsort.ascd.msk.f32 $0xffff, v3, v5  }
0x1a3: {  	v9, v10, _ =	vpop (xrf1);
	(xrf1) =	vsort.dscd.msk.f32 $0xffff, v0, v2;
	v2 =	vld [tilespmem:$0x1FD00];
	_ =	sdelay $0x1  }
0x1a4: {  	vm15 =	vlt.f32 v7, v9  }
0x1a5: {  	v6, v11, _ =	vpop (xrf1);
	v0 =	vsel vm15, v7, v9;
	v7 =	vsel vm15, v8, v10  }
0x1a6: {  	v4 =	vld [tilespmem:s12+$0x1030];
	(xrf1) =	vsort.ascd.msk.f32 $0xffff, v0, v7;
	v3, v5, _ =	vpop (xrf1)  }
0x1a7: {  	v9, v10, _ =	vpop (xrf1);
	(xrf1) =	vsort.dscd.msk.f32 $0xffff, v1, v2;
	v2 =	vld [tilespmem:$0x1FD10];
	_ =	sdelay $0x1  }
0x1a8: {  	vm4 =	vlt.f32 v6, v3  }
0x1a9: {  	v0 =	vsel vm4, v6, v3;
	v3 =	vsel vm4, v11, v5;
	v5, v6, _ =	vpop (xrf1)  }
0x1aa: {  	v8 =	vld [tilespmem:s12+$0x1010];
	vm5 =	vlt.f32 v9, v5;
	v7, v11, _ =	vpop (xrf1);
	(xrf1) =	vsort.ascd.msk.f32 $0xffff, v0, v3  }
0x1ab: {  	v0 =	vsel vm5, v9, v5;
	v3 =	vsel vm5, v10, v6;
	v5, v6, _ =	vpop (xrf1);
	(xrf1) =	vsort.dscd.msk.f32 $0xffff, v4, v2;
	v2 =	vld [tilespmem:$0x1FCF0];
	_ =	sdelay $0x3  }
0x1ac: {  	v1 =	vld [tilespmem:s12+$0x1000];
	vm6 =	vlt.f32 v7, v5;
	v4, v10, _ =	vpop (xrf1);
	(xrf1) =	vsort.ascd.msk.f32 $0xffff, v0, v3  }
0x1ad: {  	v0 =	vsel vm6, v7, v5;
	(xrf1) =	vsort.dscd.msk.f32 $0xffff, v8, v2;
	v2 =	vld [tilespmem:$0x1FCE0];
	_ =	sdelay $0x2  }
0x1ae: {  	v5 =	vsel vm6, v11, v6;
	v6, v7, _ =	vpop (xrf1)  }
0x1af: {  	v9 =	vld [tilespmem:s12+$0x1810];
	vm7 =	vlt.f32 v4, v6;
	(xrf1) =	vsort.ascd.msk.f32 $0xffff, v0, v5;
	v14, v0, _ =	vpop (xrf1)  }
0x1b0: {  	v3 =	vld [tilespmem:s12+$0x1820];
	[tilespmem:$0x1FB60] =	vst v0;
	v0 =	vsel vm7, v4, v6;
	v4 =	vsel vm7, v10, v7;
	(xrf1) =	vsort.dscd.msk.f32 $0xffff, v1, v2  }
0x1b1: {  	[tilespmem:$0x1FB20] =	vst v16;
	v16, v1, _ =	vpop (xrf1);
	(xrf1) =	vsort.ascd.msk.f32 $0xffff, v0, v4;
	v0 =	vld [tilespmem:$0x1FDF0]  }
0x1b2: {  	v2 =	vld [tilespmem:$0x1FE00];
	_ =	sdelay $0x3  }
0x1b3: {  	v8 =	vld [tilespmem:s12+$0x1440];
	(xrf1) =	vsort.dscd.msk.f32 $0xffff, v9, v0  }
0x1b4: {  	(xrf1) =	vsort.dscd.msk.f32 $0xffff, v3, v2;
	v2 =	vld [tilespmem:$0x1FDA0];
	_ =	sdelay $0x3  }
0x1b5: {  	v5 =	vld [tilespmem:s12+$0x1450]  }
0x1b6: {  	v6 =	vmul.u32 $0xFFFFFFFF, v44;
	[tilespmem:$0x1FB70] =	vst v1;
	v4, v1, _ =	vpop (xrf1);
	(xrf1) =	vsort.dscd.msk.f32 $0xffff, v8, v2;
	v2 =	vld [tilespmem:$0x1FDB0];
	_ =	sdelay $0x3  }
0x1b7: {  	v0 =	vadd.s32 $0xF, v6;
	v6, v7, _ =	vpop (xrf1);
	v9 =	vld [tilespmem:s12+$0x1460]  }
0x1b8: {  	v3 =	vperm.xlane v6, v0;
	(xrf1) =	vsort.dscd.msk.f32 $0xffff, v5, v2;
	v2 =	vld [tilespmem:$0x1FDC0]  }
0x1b9: {  	v7 =	vperm.xlane v7, v0;
	v8, v10, _ =	vpop (xrf1)  }
0x1ba: {  	vm8 =	vlt.f32 v3, v8  }
0x1bb: {  	v3 =	vsel vm8, v3, v8;
	v7 =	vsel vm8, v7, v10  }
0x1bc: {  	v6 =	vld [tilespmem:s12+$0x1400];
	(xrf1) =	vsort.ascd.msk.f32 $0xffff, v3, v7  }
0x1bd: {  	[tilespmem:$0x1FB50] =	vst v13;
	v5, v13, _ =	vpop (xrf1);
	(xrf1) =	vsort.dscd.msk.f32 $0xffff, v9, v2;
	v2 =	vld [tilespmem:$0x1FD60];
	_ =	sdelay $0x3  }
0x1be: {  	v11 =	vld [tilespmem:s12+$0x1060]  }
0x1bf: {  	v26, v25, _ =	vpop (xrf1);
	v5 =	vperm.xlane v5, v0;
	(xrf1) =	vsort.dscd.msk.f32 $0xffff, v6, v2;
	v2 =	vld [tilespmem:$0x1FD40]  }
0x1c0: {  	v10 =	vperm.xlane v13, v0;
	v13, v17, _ =	vpop (xrf1)  }
0x1c1: {  	vm9 =	vlt.f32 v5, v13  }
0x1c2: {  	v5 =	vsel vm9, v5, v13;
	v6 =	vsel vm9, v10, v17  }
0x1c3: {  	v18 =	vld [tilespmem:s12+$0x1070];
	(xrf1) =	vsort.ascd.msk.f32 $0xffff, v5, v6  }
0x1c4: {  	v7, v19, _ =	vpop (xrf1);
	(xrf1) =	vsort.dscd.msk.f32 $0xffff, v11, v2;
	v2 =	vld [tilespmem:$0x1FD50]  }
0x1c5: {  	v20, v21, _ =	vpop (xrf1)  }
0x1c6: {  	vm10 =	vlt.f32 v7, v20;
	v10, v13, _ =	vpop (xrf1)  }
0x1c7: {  	v22 =	vld [tilespmem:s12+$0x1410];
	v6 =	vsel vm10, v7, v20;
	v7 =	vsel vm10, v19, v21;
	v19, v20, _ =	vpop (xrf1)  }
0x1c8: {  	v8 =	vld [tilespmem:s12+$0x1050];
	v11, v21, _ =	vpop (xrf1);
	(xrf1) =	vsort.ascd.msk.f32 $0xffff, v6, v7  }
0x1c9: {  	(xrf1) =	vsort.dscd.msk.f32 $0xffff, v18, v2;
	v2 =	vld [tilespmem:$0x1FD30]  }
0x1ca: {  	v3 =	vld [tilespmem:s12+$0x1040]  }
0x1cb: {  	v9 =	vld [tilespmem:s12+$0x1430];
	vm11 =	vlt.f32 v10, v19  }
0x1cc: {  	v17 =	vld [tilespmem:s12+$0x1470];
	v6 =	vsel vm11, v10, v19;
	v10 =	vsel vm11, v13, v20  }
0x1cd: {  	v5 =	vld [tilespmem:s12+$0x1830];
	(xrf1) =	vsort.ascd.msk.f32 $0xffff, v6, v10  }
0x1ce: {  	v13, v19, _ =	vpop (xrf1);
	(xrf1) =	vsort.dscd.msk.f32 $0xffff, v8, v2;
	v2 =	vld [tilespmem:$0x1FD20]  }
0x1cf: {  	v7 =	vld [tilespmem:s12+$0x1870];
	s12 =	simm.s32 $0x1  }
0x1d0: {  	vm12 =	vlt.f32 v11, v13;
	v20, v23, _ =	vpop (xrf1);
	s20 =	sand.u32 $0x7, s12  }
0x1d1: {  	s13 =	sshll.u32 s20, $0x7;
	v10 =	vsel vm12, v11, v13;
	v11 =	vsel vm12, v21, v19;
	v13, v19, _ =	vpop (xrf1)  }
0x1d2: {  	s14 =	simm.s32 $0x100;
	s15 =	simm.s32 $0x800;
	s17 =	sadd.s32 $0x400, s13;
	v40, v38, _ =	vpop (xrf1);
	(xrf1) =	vsort.ascd.msk.f32 $0xffff, v10, v11  }
0x1d3: {  	s19 =	sand.u32 $0x6000, s15;
	s16 =	sand.u32 $0x380, s14;
	s13 =	sor.u32 $0x1C20, s17;
	(xrf1) =	vsort.dscd.msk.f32 $0xffff, v3, v2;
	v3, v2, _ =	vpop (xrf1)  }
0x1d4: {  	s16 =	sor.u32 s16, s19;
	[tilespmem:$0x1FC10] =	vst v2;
	v2 =	vld [tilespmem:s13+$0x0]  }
0x1d5: {  	v18 =	vld [tilespmem:s16+$0x50]  }
0x1d6: {  	v6 =	vld [tilespmem:s16+$0x60]  }
0x1d7: {  	v8 =	vld [tilespmem:s16+$0x20]  }
0x1d8: {  	vm13 =	vlt.f32 v20, v13;
	v10 =	vld [tilespmem:s16+$0x30]  }
0x1d9: {  	v11 =	vsel vm13, v20, v13;
	v13 =	vsel vm13, v23, v19;
	[tilespmem:$0x1FB80] =	vst v2;
	v2 =	vld [tilespmem:$0x1FFF0]  }
0x1da: {  	(xrf1) =	vsort.ascd.msk.f32 $0xffff, v11, v13  }
0x1db: {  	(xrf1) =	vsort.dscd.msk.f32 $0xffff, v18, v49  }
0x1dc: {  	(xrf1) =	vsort.dscd.msk.f32 $0xffff, v6, v50  }
0x1dd: {  	s18 =	sor.u32 $0x1C10, s17;
	v43, v19, _ =	vpop (xrf1);
	(xrf1) =	vsort.ascd.msk.f32 $0xffff, v8, v46  }
0x1de: {  	v42, v13, _ =	vpop (xrf1);
	(xrf1) =	vsort.ascd.msk.f32 $0xffff, v10, v2;
	v2 =	vld [tilespmem:s18+$0x0];
	_ =	sdelay $0x3  }
0x1df: {  	v20 =	vld [tilespmem:s16+$0x70]  }
0x1e0: {  	[tilespmem:$0x1FB90] =	vst v2;
	v2 =	vld [tilespmem:$0x1FFA0];
	_ =	sdelay $0x3  }
0x1e1: {  	s23 =	sor.u32 $0x1C60, s17  }
0x1e2: {  	v8, v24, _ =	vpop (xrf1);
	(xrf1) =	vsort.dscd.msk.f32 $0xffff, v20, v2;
	v2 =	vld [tilespmem:s23+$0x0];
	_ =	sdelay $0x1  }
0x1e3: {  	v21 =	vld [tilespmem:s16+$0x10]  }
0x1e4: {  	v23 =	vld [tilespmem:s16+$0x0]  }
0x1e5: {  	v6 =	vld [tilespmem:s16+$0x40]  }
0x1e6: {  	[tilespmem:$0x1FBA0] =	vst v2;
	v2 =	vld [tilespmem:$0x1FFE0]  }
0x1e7: {  	[tilespmem:$0x1FBC0] =	vst v0;
	v8 =	vperm.xlane v8, v0;
	v24 =	vperm.xlane v24, v0;
	v0 =	vld [tilespmem:$0x1FD90];
	_ =	sdelay $0x1  }
0x1e8: {  	v32, v11, _ =	vpop (xrf1);
	(xrf1) =	vsort.ascd.msk.f32 $0xffff, v21, v59  }
0x1e9: {  	v20, v18, _ =	vpop (xrf1);
	(xrf1) =	vsort.ascd.msk.f32 $0xffff, v23, v44  }
0x1ea: {  	s25 =	sor.u32 $0x1C40, s17;
	v21, v27, _ =	vpop (xrf1);
	(xrf1) =	vsort.dscd.msk.f32 $0xffff, v6, v2  }
0x1eb: {  	v23, v28, _ =	vpop (xrf1);
	(xrf1) =	vsort.dscd.msk.f32 $0xffff, v9, v0;
	v0 =	vld [tilespmem:s25+$0x0];
	_ =	sdelay $0x2  }
0x1ec: {  	vm14 =	vlt.f32 v8, v21;
	v6, v29, _ =	vpop (xrf1)  }
0x1ed: {  	v8 =	vsel vm14, v8, v21;
	vm15 =	vlt.f32 v23, v6;
	v21, v30, _ =	vpop (xrf1)  }
0x1ee: {  	v6 =	vsel vm15, v23, v6;
	v9 =	vsel vm15, v28, v29;
	v23, v28, _ =	vpop (xrf1);
	[tilespmem:$0x1FBD0] =	vst v0;
	v0 =	vld [tilespmem:$0x1FD70]  }
0x1ef: {  	v24 =	vsel vm14, v24, v27;
	vm4 =	vlt.f32 v21, v23;
	v27, v29, _ =	vpop (xrf1)  }
0x1f0: {  	v31 =	vld [tilespmem:s16+$0x420];
	v21 =	vsel vm4, v21, v23;
	v23 =	vsel vm4, v30, v28;
	v28, v30, _ =	vpop (xrf1)  }
0x1f1: {  	vm5 =	vlt.f32 v27, v28  }
0x1f2: {  	(xrf1) =	vsort.ascd.msk.f32 $0xffff, v6, v9;
	v6 =	vld [tilespmem:s16+$0x410];
	v9 =	vmov s2;
	v61, v60, _ =	vpop (xrf1);
	v27 =	vsel vm5, v27, v28;
	v28 =	vsel vm5, v29, v30  }
0x1f3: {  	v50 =	vshll.u32 v24, $0x3;
	v59 =	vshll.u32 v9, $0xA;
	v56, v62, _ =	vpop (xrf1);
	(xrf1) =	vsort.dscd.msk.f32 $0xffff, v22, v0  }
0x1f4: {  	v29 =	vand.u32 $0xFFFFFC00, v50;
	vm6 =	vlt.f32 v61, v56;
	v22 =	vld [tilespmem:s16+$0x430];
	(xrf1) =	vsort.ascd.msk.f32 $0xffff, v21, v23;
	v23 =	vand.u32 $0x6000, v59  }
0x1f5: {  	(xrf1) =	vsort.dscd.msk.f32 $0xffff, v31, v54;
	v30, v31, _ =	vpop (xrf1);
	v23 =	vadd.s32 v23, v29;
	v29 =	vsel vm6, v60, v62  }
0x1f6: {  	v9 =	vshll.u32 v9, $0x7;
	(xrf1) =	vsort.ascd.msk.f32 $0xffff, v27, v28;
	v27, v28, _ =	vpop (xrf1)  }
0x1f7: {  	v8 =	vadd.f32 v8, v8;
	v9 =	vand.u32 $0x380, v9;
	(xrf1) =	vsort.dscd.msk.f32 $0xffff, v6, v58;
	v6 =	vsel vm6, v61, v56;
	v60, v61, _ =	vpop (xrf1)  }
0x1f8: {  	v24 =	vand.u32 $0x7F, v24;
	v9 =	vor.u32 v9, v23;
	(xrf1) =	vsort.ascd.msk.f32 $0xffff, v6, v29;
	vm7 =	vlt.f32 v27, v60  }
0x1f9: {  	v23, v29, _ =	vpop (xrf1);
	(xrf1) =	vsort.dscd.msk.f32 $0xffff, v22, v55;
	v22 =	vsel vm7, v27, v60;
	v27 =	vsel vm7, v28, v61  }
0x1fa: {  	v8 =	vadd.f32 $2.000000000e+00, v8;
	v28, v56, _ =	vpop (xrf1)  }
0x1fb: {  	v0 =	vld [tilespmem:$0x1FE50];
	v9 =	vor.u32 v24, v9;
	vm8 =	vlt.f32 v28, v23;
	v24, v58, _ =	vpop (xrf1)  }
0x1fc: {  	v8 =	vmax.f32 v8, $0.0e+00;
	(xrf1) =	vsort.ascd.msk.f32 $0xffff, v22, v27;
	vm9 =	vlt.f32 v30, v24;
	v22 =	vsel vm8, v28, v23;
	v27, v28, _ =	vpop (xrf1)  }
0x1fd: {  	v23 =	vsel vm8, v56, v29;
	v24 =	vsel vm9, v30, v24;
	v29 =	vsel vm9, v31, v58;
	v30, v31, _ =	vpop (xrf1)  }
0x1fe: {  	v35 =	vld [tilespmem:s16+$0xC70];
	v8 =	vadd.f32 $9.999999960e-13, v8;
	(xrf1) =	vsort.ascd.msk.f32 $0xffff, v22, v23;
	vm10 =	vlt.f32 v30, v27  }
0x1ff: {  	v21 =	vld [tilespmem:s16+$0x400];
	(xrf1) =	vsort.ascd.msk.f32 $0xffff, v24, v29;
	v24 =	vsel vm10, v30, v27  }
0x200: {  	v22 =	vshrl.u32 v8, $0x1;
	(xrf1) =	vsort.dscd.msk.f32 $0xffff, v7, v0;
	v0 =	vld [tilespmem:$0x1FE10]  }
0x201: {  	v33 =	vld [tilespmem:s16+$0xC40]  }
0x202: {  	v34 =	vld [tilespmem:s16+$0xC50];
	[tilespmem:$0x1FC00] =	vst v3;
	v3 =	vmul.f32 $5.000000000e-01, v8;
	v27 =	vsel vm10, v31, v28;
	v8, v23, _ =	vpop (xrf1)  }
0x203: {  	v37 =	vld [tilespmem:s16+$0xC60];
	v7 =	vsub.s32 $0x5F3759DF, v22;
	(xrf1) =	vsort.ascd.msk.f32 $0xffff, v24, v27;
	v22, v24, _ =	vpop (xrf1)  }
0x204: {  	v39 =	vld [tilespmem:s16+$0x460];
	(xrf1) =	vsort.dscd.msk.f32 $0xffff, v21, v48;
	vm11 =	vlt.f32 v4, v22;
	v21, v28, _ =	vpop (xrf1)  }
0x205: {  	v4 =	vsel vm11, v4, v22;
	v1 =	vsel vm11, v1, v24;
	v22, v24, _ =	vpop (xrf1);
	(xrf1) =	vsort.dscd.msk.f32 $0xffff, v5, v0;
	v0 =	vld [tilespmem:$0x1FDD0]  }
0x206: {  	v45 =	vld [tilespmem:s16+$0xC10]  }
0x207: {  	v9 =	vld.idx.msk [tilespmem:v9+s7+$0x0], $0xffff  }
0x208: {  	v41 =	vld [tilespmem:s16+$0x830]  }
0x209: {  	v62 =	vld [tilespmem:s16+$0x440];
	v27 =	vmul.f32 v7, v3;
	vm12 =	vlt.f32 v8, v22;
	(xrf1) =	vsort.ascd.msk.f32 $0xffff, v4, v1;
	v1, v4, _ =	vpop (xrf1)  }
0x20a: {  	s21 =	sor.u32 $0x1C00, s17;
	v8 =	vsel vm12, v8, v22;
	v22 =	vsel vm12, v23, v24;
	(xrf1) =	vsort.dscd.msk.f32 $0xffff, v17, v0;
	v17, v23, _ =	vpop (xrf1);
	v0 =	vld [tilespmem:$0x1FF70]  }
0x20b: {  	v12 =	vld [tilespmem:s21+$0x0];
	v5 =	vmul.f32 v7, v27;
	vm13 =	vlt.f32 v21, v17  }
0x20c: {  	s24 =	sor.u32 $0x1C50, s17;
	v59 =	vld [tilespmem:s16+$0x450];
	v9 =	vadd.f32 v9, v9;
	v17 =	vsel vm13, v21, v17  }
0x20d: {  	s22 =	sor.u32 $0x1C70, s17;
	v2 =	vld [tilespmem:s24+$0x0];
	v5 =	vsub.f32 $1.500000000e+00, v5;
	(xrf1) =	vsort.ascd.msk.f32 $0xffff, v8, v22;
	v8, v31, _ =	vpop (xrf1)  }
0x20e: {  	v15 =	vld [tilespmem:s22+$0x0];
	v21 =	vsel vm13, v28, v23;
	v22, v23, _ =	vpop (xrf1)  }
0x20f: {  	v46 =	vld [tilespmem:s16+$0xC20];
	v5 =	vmul.f32 v7, v5;
	v7 =	vsub.f32 $2.000000000e+00, v9;
	vm14 =	vlt.f32 v20, v22;
	(xrf1) =	vsort.dscd.msk.f32 $0xffff, v62, v0  }
0x210: {  	v10 =	vld [tilespmem:s16+$0x800];
	v18 =	vsel vm14, v18, v23;
	(xrf1) =	vsort.ascd.msk.f32 $0xffff, v17, v21;
	v9, v17, _ =	vpop (xrf1)  }
0x211: {  	v44 =	vld [tilespmem:s16+$0x470];
	v7 =	vmax.f32 v7, $0.0e+00;
	v20 =	vsel vm14, v20, v22;
	(xrf1) =	vsort.dscd.msk.f32 $0xffff, v59, v52;
	v21, v24, _ =	vpop (xrf1)  }
0x212: {  	[tilespmem:$0x1FBB0] =	vst v2;
	v2 =	vld [tilespmem:$0x1FC00];
	v7 =	vadd.f32 $9.999999960e-13, v7;
	(xrf1) =	vsort.ascd.msk.f32 $0xffff, v20, v18;
	vm15 =	vlt.f32 v1, v21  }
0x213: {  	v50 =	vld [tilespmem:s16+$0x810];
	v18, v59, _ =	vpop (xrf1);
	(xrf1) =	vsort.dscd.msk.f32 $0xffff, v39, v53;
	v1 =	vsel vm15, v1, v21;
	v4 =	vsel vm15, v4, v24  }
0x214: {  	v54 =	vld [tilespmem:s16+$0x870];
	vm4 =	vlt.f32 v9, v18;
	v49, v52, _ =	vpop (xrf1);
	(xrf1) =	vsort.ascd.msk.f32 $0xffff, v1, v4;
	v1 =	vshrl.u32 v7, $0x1  }
0x215: {  	v6 =	vld [tilespmem:s16+$0x820];
	v24 =	vmul.f32 $5.000000000e-01, v7;
	v4 =	vsel vm4, v9, v18;
	v61, v60, _ =	vpop (xrf1)  }
0x216: {  	v55 =	vld [tilespmem:s16+$0x860];
	v7 =	vsel vm4, v17, v59;
	(xrf1) =	vsort.dscd.msk.f32 $0xffff, v44, v63;
	v9 =	vsub.s32 $0x5F3759DF, v1;
	v62, v53, _ =	vpop (xrf1)  }
0x217: {  	v29 =	vld [tilespmem:s16+$0x1030];
	vm5 =	vlt.f32 v8, v49;
	(xrf1) =	vsort.ascd.msk.f32 $0xffff, v4, v7;
	v7 =	vmul.f32 v9, v24;
	v47, v63, _ =	vpop (xrf1)  }
0x218: {  	v30 =	vld [tilespmem:s16+$0x1020];
	v36 =	vmul.f32 v5, v3;
	v8 =	vsel vm5, v8, v49;
	v17 =	vsel vm5, v31, v52;
	v4, v1, _ =	vpop (xrf1)  }
0x219: {  	v0 =	vld [tilespmem:s16+$0x1470];
	(xrf1) =	vsort.dscd.msk.f32 $0xffff, v50, v51;
	vm6 =	vlt.f32 v47, v62;
	v7 =	vmul.f32 v9, v7;
	v39, v49, _ =	vpop (xrf1)  }
0x21a: {  	v27 =	vld [tilespmem:s16+$0x1000];
	(xrf1) =	vsort.ascd.msk.f32 $0xffff, v8, v17;
	v8 =	vsel vm6, v47, v62;
	v56 =	vsel vm6, v63, v53;
	v58, v59, _ =	vpop (xrf1)  }
0x21b: {  	v28 =	vld [tilespmem:s16+$0x1010];
	v36 =	vmul.f32 v36, v5;
	(xrf1) =	vsort.ascd.msk.f32 $0xffff, v8, v56;
	vm7 =	vlt.f32 v32, v39;
	v7 =	vsub.f32 $1.500000000e+00, v7;
	v62, v63, _ =	vpop (xrf1)  }
0x21c: {  	v23 =	vld [tilespmem:s16+$0x1060];
	v8 =	vsel vm7, v32, v39;
	v11 =	vsel vm7, v11, v49;
	vm8 =	vlt.f32 v58, v62  }
0x21d: {  	v22 =	vld [tilespmem:s16+$0x1070];
	(xrf1) =	vsort.ascd.msk.f32 $0xffff, v8, v11;
	v8 =	vsub.f32 $1.500000000e+00, v36;
	v7 =	vmul.f32 v9, v7;
	v9 =	vsel vm8, v58, v62  }
0x21e: {  	[tilespmem:$0x1FBE0] =	vst v0;
	v0 =	vld [tilespmem:$0x1FF90]  }
0x21f: {  	v20 =	vld [tilespmem:s16+$0x1040]  }
0x220: {  	v21 =	vld [tilespmem:s16+$0x1050];
	v49 =	vsel vm8, v59, v63;
	v52, v62, _ =	vpop (xrf1)  }
0x221: {  	v18 =	vld [tilespmem:s16+$0x1430];
	v5 =	vmul.f32 v8, v5;
	(xrf1) =	vsort.ascd.msk.f32 $0xffff, v9, v49;
	v8, v9, _ =	vpop (xrf1)  }
0x222: {  	v44 =	vld [tilespmem:s16+$0x1420];
	v49 =	vmul.f32 v7, v24;
	v63, v51, _ =	vpop (xrf1)  }
0x223: {  	v31 =	vld [tilespmem:s16+$0x1400];
	(xrf1) =	vsort.dscd.msk.f32 $0xffff, v41, v0;
	v50 =	vmul.f32 v5, v3;
	vm9 =	vlt.f32 v42, v8;
	v48, v47, _ =	vpop (xrf1)  }
0x224: {  	v17 =	vld [tilespmem:s16+$0x1410];
	v8 =	vsel vm9, v42, v8;
	v9 =	vsel vm9, v13, v9;
	vm10 =	vlt.f32 v43, v48  }
0x225: {  	v32 =	vld [tilespmem:s16+$0x1460];
	(xrf1) =	vsort.ascd.msk.f32 $0xffff, v8, v9;
	v9 =	vsel vm10, v43, v48;
	v43 =	vmul.f32 v50, v5  }
0x226: {  	v39 =	vld [tilespmem:s16+$0x1440]  }
0x227: {  	v36 =	vld [tilespmem:s16+$0x1450];
	v8 =	vmul.f32 v49, v7;
	v19 =	vsel vm10, v19, v47;
	v49, v47, _ =	vpop (xrf1)  }
0x228: {  	v0 =	vld [tilespmem:s16+$0x1830];
	(xrf1) =	vsort.ascd.msk.f32 $0xffff, v9, v19;
	v9, v48, _ =	vpop (xrf1)  }
0x229: {  	v58 =	vld [tilespmem:s16+$0x1850];
	v8 =	vsub.f32 $1.500000000e+00, v8;
	(xrf1) =	vsort.dscd.msk.f32 $0xffff, v6, v57;
	v6 =	vsub.f32 $1.500000000e+00, v43;
	v43, v57, _ =	vpop (xrf1)  }
0x22a: {  	v59 =	vld [tilespmem:s16+$0x1860];
	v53, v56, _ =	vpop (xrf1)  }
0x22b: {  	v41 =	vld [tilespmem:s16+$0x1820];
	v8 =	vmul.f32 v8, v7;
	vm11 =	vlt.f32 v49, v9;
	vm12 =	vlt.f32 v43, v53  }
0x22c: {  	s13 =	simm.s32 $0x2;
	v42 =	vld [tilespmem:s16+$0x1810];
	v9 =	vsel vm11, v49, v9;
	v47 =	vsel vm11, v47, v48;
	v49 =	vsel vm12, v57, v56  }
0x22d: {  	s26 =	sand.u32 $0x7, s13;
	[tilespmem:$0x1FBF0] =	vst v0;
	v0 =	vld [tilespmem:$0x1FED0];
	(xrf1) =	vsort.ascd.msk.f32 $0xffff, v9, v47;
	v47 =	vmul.f32 v8, v24  }
0x22e: {  	s18 =	sshll.u32 s26, $0x7;
	v50 =	vld [tilespmem:s16+$0x1800];
	v9 =	vmul.f32 v6, v5;
	v43 =	vsel vm12, v43, v53;
	v6, v5, _ =	vpop (xrf1)  }
0x22f: {  	s19 =	sadd.s32 $0x800, s18;
	v19 =	vld [tilespmem:s16+$0x1870];
	(xrf1) =	vsort.ascd.msk.f32 $0xffff, v43, v49;
	v49, v48, _ =	vpop (xrf1)  }
0x230: {  	s18 =	sor.u32 $0x1C20, s19;
	v7 =	vld [tilespmem:s16+$0x1840];
	vm13 =	vlt.f32 v63, v49  }
0x231: {  	s20 =	sor.u32 $0x1C10, s19;
	v56 =	vld [tilespmem:s18+$0x0];
	v49 =	vsel vm13, v63, v49;
	v51 =	vsel vm13, v51, v48  }
0x232: {  	v57 =	vld [tilespmem:s20+$0x0];
	v43 =	vmul.f32 v9, v3;
	v9 =	vmul.f32 v47, v8;
	v3, v47, _ =	vpop (xrf1);
	(xrf1) =	vsort.ascd.msk.f32 $0xffff, v49, v51  }
0x233: {  	s28 =	sor.u32 $0x1C00, s19;
	v63, v11, _ =	vpop (xrf1);
	(xrf1) =	vsort.dscd.msk.f32 $0xffff, v10, v0;
	v0 =	vld [tilespmem:$0x1FC10]  }
0x234: {  	s29 =	sor.u32 $0x1C70, s19;
	v53 =	vld [tilespmem:s28+$0x0];
	v9 =	vsub.f32 $1.500000000e+00, v9  }
0x235: {  	s30 =	sor.u32 $0x1C60, s19;
	vm14 =	vlt.f32 v52, v3;
	v48 =	vld [tilespmem:s29+$0x0]  }
0x236: {  	s31 =	sor.u32 $0x1C50, s19;
	v3 =	vsel vm14, v52, v3;
	v49 =	vld [tilespmem:s30+$0x0]  }
0x237: {  	s17 =	sor.u32 $0x1C30, s17;
	s21 =	sor.u32 $0x1C40, s19;
	vm15 =	vlt.f32 v2, v63;
	v47 =	vsel vm14, v62, v47;
	v52 =	vld [tilespmem:s31+$0x0];
	v51 =	vmul.f32 v9, v8  }
0x238: {  	s18 =	simm.s32 $0x3;
	s20 =	sor.u32 $0x1C30, s19;
	s19 =	simm.s32 $0x2;
	v62 =	vsel vm15, v2, v63;
	v9, v8, _ =	vpop (xrf1);
	(xrf1) =	vsort.ascd.msk.f32 $0xffff, v3, v47;
	v3 =	vimm.f32 $0.0e+00;
	v47 =	vld [tilespmem:s21+$0x0];
	v63 =	vsel vm15, v0, v11  }
.LBB2_2:
0x239: {  	v2, v10, _ =	vpop (xrf1);
	vm0 =	vlt.f32 v4, v9;
	(xrf1) =	vsort.ascd.msk.f32 $0xffff, v62, v63  }
0x23a: {  	v4 =	vsel vm0, v4, v9;
	v1 =	vsel vm0, v1, v8;
	v8, v9, _ =	vpop (xrf1);
	v24 =	vmul.f32 v51, v24  }
0x23b: {  	vm14 =	vlt.f32 v40, v8;
	(xrf1) =	vsort.ascd.msk.f32 $0xffff, v4, v1  }
0x23c: {  	v1 =	vsel vm14, v40, v8;
	v4 =	vsel vm14, v38, v9;
	v8, v9, _ =	vpop (xrf1);
	v0 =	vsub.f32 v43, v24  }
0x23d: {  	vm15 =	vlt.f32 v26, v8  }
0x23e: {  	v51, v63, _ =	vpop (xrf1);
	(xrf1) =	vsort.ascd.msk.f32 $0xffff, v1, v4;
	v1 =	vsel vm15, v26, v8;
	v8 =	vmul.f32 v0, v0;
	v0 =	vld [tilespmem:$0x1FE20];
	_ =	sdelay $0x2  }
0x23f: {  	v4 =	vsel vm15, v25, v9  }
0x240: {  	v9, v24, _ =	vpop (xrf1);
	(xrf1) =	vsort.ascd.msk.f32 $0xffff, v1, v4  }
0x241: {  	(xrf1) =	vsort.dscd.msk.f32 $0xffff, v7, v0;
	v0 =	vld [tilespmem:$0x1FC40];
	_ =	sdelay $0x3  }
0x242: {  	vm4 =	vlt.f32 v51, v9  }
0x243: {  	v4 =	vadd.f32 $-2.499999940e-03, v8;
	v8 =	vsel vm4, v63, v24;
	v7 =	vsel vm4, v51, v9;
	v9, v24, _ =	vpop (xrf1);
	(xrf1) =	vsort.dscd.msk.f32 $0xffff, v55, v0;
	v0 =	vld [tilespmem:$0x1FC50];
	_ =	sdelay $0x3  }
0x244: {  	v1 =	vld [tilespmem:s16+$0x850];
	vm5 =	vlt.f32 v2, v9;
	(xrf1) =	vsort.ascd.msk.f32 $0xffff, v7, v8  }
0x245: {  	v2 =	vsel vm5, v2, v9;
	v8, v9, _ =	vpop (xrf1);
	(xrf1) =	vsort.dscd.msk.f32 $0xffff, v54, v0;
	v0 =	vld [tilespmem:$0x1FC30];
	_ =	sdelay $0x1  }
0x246: {  	vm1 =	vgt.f32 v4, $0.0e+00  }
0x247: {  	v4 =	vnsel vm1, $0x0, v4;
	v7 =	vsel vm5, v10, v24  }
0x248: {  	v25 =	vld [tilespmem:s16+$0x840];
	v3 =	vadd.f32 v4, v3;
	vm6 =	vlt.f32 v6, v8;
	v10, v24, _ =	vpop (xrf1);
	(xrf1) =	vsort.ascd.msk.f32 $0xffff, v2, v7  }
0x249: {  	v4 =	vsel vm6, v5, v9;
	v2 =	vsel vm6, v6, v8;
	v5, v6, _ =	vpop (xrf1);
	(xrf1) =	vsort.dscd.msk.f32 $0xffff, v1, v0;
	v0 =	vld [tilespmem:$0x1FC20];
	_ =	sdelay $0x3  }
0x24a: {  	vm7 =	vlt.f32 v10, v5;
	(xrf1) =	vsort.ascd.msk.f32 $0xffff, v2, v4  }
0x24b: {  	v8 =	vsel vm7, v10, v5;
	v7 =	vsel vm7, v24, v6;
	(xrf1) =	vsort.dscd.msk.f32 $0xffff, v25, v0;
	v0 =	vld [tilespmem:$0x1FE70]  }
0x24c: {  	v5, v6, _ =	vpop (xrf1);
	(xrf1) =	vsort.ascd.msk.f32 $0xffff, v8, v7;
	v7 =	vld [tilespmem:$0x1FB90];
	_ =	sdelay $0x4  }
0x24d: {  	v2, v4, _ =	vpop (xrf1);
	(xrf1) =	vsort.dscd.msk.f32 $0xffff, v7, v0;
	v0 =	vmov v57;
	v7 =	vld [tilespmem:$0x1FB80]  }
0x24e: {  	[tilespmem:$0x1FB90] =	vst v0;
	v0 =	vld [tilespmem:$0x1FE80];
	_ =	sdelay $0x4  }
0x24f: {  	v1 =	vld [tilespmem:s17+$0x0];
	(xrf1) =	vsort.dscd.msk.f32 $0xffff, v7, v0;
	v0 =	vmov v56  }
0x250: {  	[tilespmem:$0x1FB80] =	vst v0;
	v0 =	vld [tilespmem:$0x1FE90];
	_ =	sdelay $0x4  }
0x251: {  	v7, v8, _ =	vpop (xrf1);
	(xrf1) =	vsort.dscd.msk.f32 $0xffff, v1, v0;
	v0 =	vld [tilespmem:$0x1FB70];
	_ =	sdelay $0x3  }
0x252: {  	vm10 =	vlt.f32 v16, v5  }
0x253: {  	v11 =	vsel vm10, v0, v6;
	v0 =	vld [tilespmem:$0x1FB20];
	_ =	sdelay $0x1  }
0x254: {  	vm8 =	vlt.f32 v61, v2  }
0x255: {  	v2 =	vsel vm8, v61, v2;
	v4 =	vsel vm8, v60, v4  }
0x256: {  	(xrf1) =	vsort.ascd.msk.f32 $0xffff, v2, v4;
	v2 =	vsel vm10, v16, v5;
	v5, v6, _ =	vpop (xrf1)  }
0x257: {  	vm11 =	vlt.f32 v0, v5  }
0x258: {  	v13 =	vsel vm11, v0, v5;
	v0 =	vld [tilespmem:$0x1FB30];
	_ =	sdelay $0x1  }
0x259: {  	v10 =	vld [tilespmem:$0x1FB60]  }
0x25a: {  	vm9 =	vlt.f32 v14, v7  }
0x25b: {  	v1 =	vsel vm9, v14, v7;
	v7, v9, _ =	vpop (xrf1)  }
0x25c: {  	(xrf1) =	vsort.ascd.msk.f32 $0xffff, v2, v11;
	v11 =	vsel vm11, v0, v6;
	v0 =	vmov v9  }
0x25d: {  	[tilespmem:$0x1FB30] =	vst v0;
	v0 =	vld [tilespmem:$0x1FE60]  }
0x25e: {  	v8 =	vsel vm9, v10, v8;
	_ =	sdelay $0x1  }
0x25f: {  	v4, v10, _ =	vpop (xrf1);
	(xrf1) =	vsort.ascd.msk.f32 $0xffff, v1, v8  }
0x260: {  	v8 =	vmov v7;
	v1, v7, _ =	vpop (xrf1);
	(xrf1) =	vsort.ascd.msk.f32 $0xffff, v13, v11  }
0x261: {  	v5, v6, _ =	vpop (xrf1);
	(xrf1) =	vsort.dscd.msk.f32 $0xffff, v12, v0;
	v0 =	vmov v53  }
0x262: {  	[tilespmem:$0x1FB00] =	vst v0;
	v0 =	vld [tilespmem:$0x1FC80];
	_ =	sdelay $0x3  }
0x263: {  	v2 =	vld [tilespmem:s16+$0xC30];
	vm12 =	vlt.f32 v4, v1  }
0x264: {  	[tilespmem:$0x1FB20] =	vst v8;
	v1 =	vsel vm12, v4, v1;
	v4 =	vsel vm12, v10, v7;
	v7, v8, _ =	vpop (xrf1);
	(xrf1) =	vsort.dscd.msk.f32 $0xffff, v46, v0;
	v0 =	vld [tilespmem:$0x1FC90];
	_ =	sdelay $0x3  }
0x265: {  	vm13 =	vlt.f32 v5, v7;
	v10, v12, _ =	vpop (xrf1);
	(xrf1) =	vsort.ascd.msk.f32 $0xffff, v1, v4  }
0x266: {  	v11 =	vsel vm13, v6, v8;
	v1 =	vsel vm13, v5, v7;
	v5, v6, _ =	vpop (xrf1);
	(xrf1) =	vsort.dscd.msk.f32 $0xffff, v2, v0;
	v0 =	vld [tilespmem:$0x1FC70];
	_ =	sdelay $0x3  }
0x267: {  	v9 =	vld [tilespmem:s16+$0xC00];
	vm14 =	vlt.f32 v10, v5;
	v2, v7, _ =	vpop (xrf1);
	(xrf1) =	vsort.ascd.msk.f32 $0xffff, v1, v11  }
0x268: {  	v10 =	vsel vm14, v10, v5;
	v8 =	vsel vm14, v12, v6;
	v5, v6, _ =	vpop (xrf1);
	(xrf1) =	vsort.dscd.msk.f32 $0xffff, v45, v0;
	v0 =	vld [tilespmem:$0x1FC60];
	_ =	sdelay $0x3  }
0x269: {  	vm15 =	vlt.f32 v2, v5;
	(xrf1) =	vsort.ascd.msk.f32 $0xffff, v10, v8  }
0x26a: {  	v1, v4, _ =	vpop (xrf1);
	v11 =	vsel vm15, v7, v6;
	v10 =	vsel vm15, v2, v5;
	(xrf1) =	vsort.dscd.msk.f32 $0xffff, v9, v0;
	v0 =	vld [tilespmem:$0x1FEB0]  }
0x26b: {  	v6, v7, _ =	vpop (xrf1);
	(xrf1) =	vsort.ascd.msk.f32 $0xffff, v10, v11;
	v10 =	vld [tilespmem:$0x1FBB0];
	_ =	sdelay $0x3  }
0x26c: {  	v2, v5, _ =	vpop (xrf1)  }
0x26d: {  	v8, v9, _ =	vpop (xrf1);
	(xrf1) =	vsort.dscd.msk.f32 $0xffff, v10, v0;
	v0 =	vmov v52;
	v10 =	vld [tilespmem:$0x1FBA0]  }
0x26e: {  	[tilespmem:$0x1FBB0] =	vst v0;
	v0 =	vld [tilespmem:$0x1FEC0];
	_ =	sdelay $0x4  }
0x26f: {  	(xrf1) =	vsort.dscd.msk.f32 $0xffff, v10, v0;
	v0 =	vmov v49  }
0x270: {  	[tilespmem:$0x1FBA0] =	vst v0;
	v0 =	vld [tilespmem:$0x1FB50];
	_ =	sdelay $0x2  }
0x271: {  	vm4 =	vlt.f32 v2, v8  }
0x272: {  	v2 =	vsel vm4, v2, v8;
	v5 =	vsel vm4, v5, v9;
	v8, v9, _ =	vpop (xrf1)  }
0x273: {  	vm5 =	vlt.f32 v6, v8;
	v10, v12, _ =	vpop (xrf1);
	(xrf1) =	vsort.dscd.msk.f32 $0xffff, v15, v0;
	v0 =	vmov v48  }
0x274: {  	v11 =	vsel vm5, v6, v8;
	[tilespmem:$0x1FB10] =	vst v0;
	v0 =	vsel vm5, v7, v9;
	v6, v7, _ =	vpop (xrf1)  }
0x275: {  	(xrf1) =	vsort.ascd.msk.f32 $0xffff, v2, v5;
	v8, v9, _ =	vpop (xrf1)  }
0x276: {  	(xrf1) =	vsort.ascd.msk.f32 $0xffff, v11, v0;
	v0 =	vld [tilespmem:$0x1FEA0];
	vm7 =	vlt.f32 v8, v6  }
0x277: {  	v6 =	vsel vm7, v8, v6;
	v8 =	vld [tilespmem:$0x1FBD0];
	_ =	sdelay $0x1  }
0x278: {  	vm6 =	vlt.f32 v1, v10  }
0x279: {  	v13 =	vsel vm6, v1, v10;
	v10 =	vsel vm6, v4, v12  }
0x27a: {  	v2, v5, _ =	vpop (xrf1);
	(xrf1) =	vsort.ascd.msk.f32 $0xffff, v13, v10  }
0x27b: {  	v1, v4, _ =	vpop (xrf1);
	(xrf1) =	vsort.dscd.msk.f32 $0xffff, v8, v0;
	v0 =	vmov v47  }
0x27c: {  	[tilespmem:$0x1FBD0] =	vst v0;
	v0 =	vld [tilespmem:$0x1FCC0];
	_ =	sdelay $0x2  }
0x27d: {  	v10 =	vsel vm7, v9, v7  }
0x27e: {  	vm8 =	vlt.f32 v2, v1;
	v8, v9, _ =	vpop (xrf1);
	(xrf1) =	vsort.ascd.msk.f32 $0xffff, v6, v10  }
0x27f: {  	v1 =	vsel vm8, v2, v1;
	v2 =	vsel vm8, v5, v4;
	v4, v5, _ =	vpop (xrf1);
	(xrf1) =	vsort.dscd.msk.f32 $0xffff, v37, v0;
	v0 =	vld [tilespmem:$0x1FCD0];
	_ =	sdelay $0x3  }
0x280: {  	vm9 =	vlt.f32 v8, v4;
	v6, v7, _ =	vpop (xrf1);
	(xrf1) =	vsort.ascd.msk.f32 $0xffff, v1, v2  }
0x281: {  	v12 =	vsel vm9, v9, v5;
	v1 =	vsel vm9, v8, v4;
	v4, v5, _ =	vpop (xrf1);
	(xrf1) =	vsort.dscd.msk.f32 $0xffff, v35, v0;
	v0 =	vld [tilespmem:$0x1FCB0];
	_ =	sdelay $0x3  }
0x282: {  	vm10 =	vlt.f32 v6, v4;
	v8, v9, _ =	vpop (xrf1);
	(xrf1) =	vsort.ascd.msk.f32 $0xffff, v1, v12  }
0x283: {  	v10 =	vsel vm10, v6, v4;
	v11 =	vsel vm10, v7, v5;
	v4, v5, _ =	vpop (xrf1);
	(xrf1) =	vsort.dscd.msk.f32 $0xffff, v34, v0;
	v0 =	vld [tilespmem:$0x1FCA0];
	_ =	sdelay $0x3  }
0x284: {  	(xrf1) =	vsort.ascd.msk.f32 $0xffff, v10, v11  }
0x285: {  	v1, v2, _ =	vpop (xrf1);
	(xrf1) =	vsort.dscd.msk.f32 $0xffff, v33, v0;
	v0 =	vld [tilespmem:$0x1FE30];
	_ =	sdelay $0x1  }
0x286: {  	vm11 =	vlt.f32 v8, v4  }
0x287: {  	v10 =	vsel vm11, v8, v4;
	v11 =	vsel vm11, v9, v5  }
0x288: {  	v6, v7, _ =	vpop (xrf1);
	(xrf1) =	vsort.ascd.msk.f32 $0xffff, v10, v11  }
0x289: {  	v4, v5, _ =	vpop (xrf1);
	(xrf1) =	vsort.dscd.msk.f32 $0xffff, v58, v0;
	v0 =	vld [tilespmem:$0x1FE40];
	_ =	sdelay $0x4  }
0x28a: {  	v8, v9, _ =	vpop (xrf1);
	(xrf1) =	vsort.dscd.msk.f32 $0xffff, v59, v0;
	v0 =	vld [tilespmem:$0x1FD80];
	_ =	sdelay $0x2  }
0x28b: {  	vm12 =	vlt.f32 v4, v8  }
0x28c: {  	v4 =	vsel vm12, v4, v8;
	v5 =	vsel vm12, v5, v9;
	v8, v9, _ =	vpop (xrf1)  }
0x28d: {  	vm13 =	vlt.f32 v6, v8;
	v10, v12, _ =	vpop (xrf1);
	(xrf1) =	vsort.dscd.msk.f32 $0xffff, v44, v0  }
0x28e: {  	v11 =	vsel vm13, v6, v8;
	v0 =	vsel vm13, v7, v9;
	v6, v7, _ =	vpop (xrf1);
	(xrf1) =	vsort.ascd.msk.f32 $0xffff, v4, v5  }
0x28f: {  	v8, v9, _ =	vpop (xrf1);
	(xrf1) =	vsort.ascd.msk.f32 $0xffff, v11, v0;
	v0 =	vld [tilespmem:$0x1FDE0];
	_ =	sdelay $0x1  }
0x290: {  	vm14 =	vlt.f32 v1, v10  }
0x291: {  	v13 =	vsel vm14, v1, v10;
	v10 =	vsel vm14, v2, v12  }
0x292: {  	v4, v5, _ =	vpop (xrf1);
	(xrf1) =	vsort.ascd.msk.f32 $0xffff, v13, v10  }
0x293: {  	v1, v2, _ =	vpop (xrf1);
	(xrf1) =	vsort.dscd.msk.f32 $0xffff, v50, v0;
	v0 =	vld [tilespmem:$0x1FD00];
	_ =	sdelay $0x1  }
0x294: {  	vm15 =	vlt.f32 v6, v8  }
0x295: {  	v6 =	vsel vm15, v6, v8;
	v10 =	vsel vm15, v7, v9  }
0x296: {  	vm4 =	vlt.f32 v4, v1;
	v8, v9, _ =	vpop (xrf1);
	(xrf1) =	vsort.ascd.msk.f32 $0xffff, v6, v10  }
0x297: {  	v1 =	vsel vm4, v4, v1;
	v2 =	vsel vm4, v5, v2;
	v4, v5, _ =	vpop (xrf1);
	(xrf1) =	vsort.dscd.msk.f32 $0xffff, v30, v0;
	v0 =	vld [tilespmem:$0x1FD10];
	_ =	sdelay $0x3  }
0x298: {  	vm5 =	vlt.f32 v8, v4;
	v6, v7, _ =	vpop (xrf1);
	(xrf1) =	vsort.ascd.msk.f32 $0xffff, v1, v2  }
0x299: {  	v1 =	vsel vm5, v8, v4;
	v2 =	vsel vm5, v9, v5;
	v4, v5, _ =	vpop (xrf1);
	(xrf1) =	vsort.dscd.msk.f32 $0xffff, v29, v0;
	v0 =	vld [tilespmem:$0x1FCF0];
	_ =	sdelay $0x2  }
0x29a: {  	vm6 =	vlt.f32 v6, v4;
	v8, v9, _ =	vpop (xrf1)  }
0x29b: {  	v10 =	vsel vm6, v6, v4;
	(xrf1) =	vsort.ascd.msk.f32 $0xffff, v1, v2;
	v2 =	vsel vm6, v7, v5;
	v4, v5, _ =	vpop (xrf1)  }
0x29c: {  	(xrf1) =	vsort.dscd.msk.f32 $0xffff, v28, v0;
	v14, v0, _ =	vpop (xrf1)  }
0x29d: {  	[tilespmem:$0x1FB60] =	vst v0;
	v0 =	vld [tilespmem:$0x1FCE0];
	_ =	sdelay $0x3  }
0x29e: {  	(xrf1) =	vsort.ascd.msk.f32 $0xffff, v10, v2  }
0x29f: {  	(xrf1) =	vsort.dscd.msk.f32 $0xffff, v27, v0;
	v16, v0, _ =	vpop (xrf1)  }
0x2a0: {  	[tilespmem:$0x1FB70] =	vst v0;
	v0 =	vld [tilespmem:$0x1FDF0];
	_ =	sdelay $0x1  }
0x2a1: {  	vm7 =	vlt.f32 v8, v4  }
0x2a2: {  	v6 =	vsel vm7, v8, v4;
	v7 =	vsel vm7, v9, v5  }
0x2a3: {  	(xrf1) =	vsort.ascd.msk.f32 $0xffff, v6, v7  }
0x2a4: {  	v4, v1, _ =	vpop (xrf1);
	(xrf1) =	vsort.dscd.msk.f32 $0xffff, v42, v0;
	v0 =	vld [tilespmem:$0x1FE00];
	_ =	sdelay $0x4  }
0x2a5: {  	v2, v5, _ =	vpop (xrf1);
	(xrf1) =	vsort.dscd.msk.f32 $0xffff, v41, v0;
	v0 =	vld [tilespmem:$0x1FDA0];
	_ =	sdelay $0x1  }
0x2a6: {  	v11 =	vld [tilespmem:$0x1FBC0];
	_ =	sdelay $0x2  }
0x2a7: {  	(xrf1) =	vsort.dscd.msk.f32 $0xffff, v39, v0;
	v0 =	vld [tilespmem:$0x1FDB0];
	_ =	sdelay $0x1  }
0x2a8: {  	v2 =	vperm.xlane v2, v11  }
0x2a9: {  	v12 =	vperm.xlane v5, v11;
	v6, v7, _ =	vpop (xrf1)  }
0x2aa: {  	v8, v9, _ =	vpop (xrf1);
	vm8 =	vlt.f32 v2, v6  }
0x2ab: {  	v26, v25, _ =	vpop (xrf1);
	v10 =	vsel vm8, v2, v6;
	(xrf1) =	vsort.dscd.msk.f32 $0xffff, v36, v0;
	v0 =	vsel vm8, v12, v7  }
0x2ac: {  	v6 =	vperm.xlane v9, v11;
	v7, v9, _ =	vpop (xrf1);
	(xrf1) =	vsort.ascd.msk.f32 $0xffff, v10, v0;
	v0 =	vld [tilespmem:$0x1FDC0];
	_ =	sdelay $0x4  }
0x2ad: {  	v2, v5, _ =	vpop (xrf1);
	(xrf1) =	vsort.dscd.msk.f32 $0xffff, v32, v0;
	v0 =	vld [tilespmem:$0x1FD60];
	_ =	sdelay $0x1  }
0x2ae: {  	v8 =	vperm.xlane v8, v11;
	_ =	sdelay $0x1  }
0x2af: {  	vm9 =	vlt.f32 v8, v7  }
0x2b0: {  	v10, v24, _ =	vpop (xrf1);
	v12 =	vsel vm9, v8, v7;
	(xrf1) =	vsort.dscd.msk.f32 $0xffff, v31, v0;
	v0 =	vsel vm9, v6, v9  }
0x2b1: {  	v8, v9, _ =	vpop (xrf1);
	(xrf1) =	vsort.ascd.msk.f32 $0xffff, v12, v0;
	v0 =	vld [tilespmem:$0x1FD40];
	_ =	sdelay $0x4  }
0x2b2: {  	v6, v7, _ =	vpop (xrf1);
	(xrf1) =	vsort.dscd.msk.f32 $0xffff, v23, v0;
	v0 =	vld [tilespmem:$0x1FD50];
	_ =	sdelay $0x1  }
0x2b3: {  	vm10 =	vlt.f32 v2, v10  }
0x2b4: {  	v2 =	vsel vm10, v2, v10;
	v5 =	vsel vm10, v5, v24  }
0x2b5: {  	vm11 =	vlt.f32 v8, v6;
	v10, v23, _ =	vpop (xrf1);
	(xrf1) =	vsort.ascd.msk.f32 $0xffff, v2, v5  }
0x2b6: {  	v2 =	vsel vm11, v8, v6;
	v5 =	vsel vm11, v9, v7;
	v6, v7, _ =	vpop (xrf1);
	(xrf1) =	vsort.dscd.msk.f32 $0xffff, v22, v0;
	v0 =	vld [tilespmem:$0x1FD30];
	_ =	sdelay $0x3  }
0x2b7: {  	vm12 =	vlt.f32 v10, v6;
	v9, v22, _ =	vpop (xrf1);
	(xrf1) =	vsort.ascd.msk.f32 $0xffff, v2, v5  }
0x2b8: {  	v5 =	vsel vm12, v10, v6;
	v6 =	vsel vm12, v23, v7;
	v7, v10, _ =	vpop (xrf1);
	(xrf1) =	vsort.dscd.msk.f32 $0xffff, v21, v0;
	v0 =	vld [tilespmem:$0x1FD20]  }
0x2b9: {  	s14 =	sadd.s32 $0x80, s14;
	s15 =	sadd.s32 $0x400, s15  }
0x2ba: {  	s25 =	sand.u32 $0x6000, s15;
	s26 =	sand.u32 $0x380, s14  }
0x2bb: {  	s16 =	sor.u32 s26, s25  }
0x2bc: {  	v8 =	vld [tilespmem:s16+$0x50];
	(xrf1) =	vsort.ascd.msk.f32 $0xffff, v5, v6  }
0x2bd: {  	v40, v38, _ =	vpop (xrf1);
	(xrf1) =	vsort.dscd.msk.f32 $0xffff, v20, v0;
	v0 =	vld [tilespmem:$0x1FEF0];
	_ =	sdelay $0x1  }
0x2be: {  	vm13 =	vlt.f32 v9, v7  }
0x2bf: {  	v6 =	vsel vm13, v9, v7;
	v7 =	vsel vm13, v22, v10  }
0x2c0: {  	v2 =	vld [tilespmem:s16+$0x60];
	v62, v51, _ =	vpop (xrf1);
	(xrf1) =	vsort.ascd.msk.f32 $0xffff, v6, v7  }
0x2c1: {  	v47, v43, _ =	vpop (xrf1);
	(xrf1) =	vsort.dscd.msk.f32 $0xffff, v8, v0;
	v0 =	vld [tilespmem:$0x1FF00];
	_ =	sdelay $0x3  }
0x2c2: {  	v21 =	vld [tilespmem:s16+$0x20]  }
0x2c3: {  	v49, v48, _ =	vpop (xrf1);
	(xrf1) =	vsort.dscd.msk.f32 $0xffff, v2, v0;
	v0 =	vld [tilespmem:$0x1FF30];
	_ =	sdelay $0x3  }
0x2c4: {  	v5 =	vld [tilespmem:s16+$0x30]  }
0x2c5: {  	(xrf1) =	vsort.ascd.msk.f32 $0xffff, v21, v0;
	v0 =	vld [tilespmem:$0x1FFF0];
	_ =	sdelay $0x3  }
0x2c6: {  	v9 =	vld [tilespmem:s16+$0x70]  }
0x2c7: {  	v6, v10, _ =	vpop (xrf1);
	(xrf1) =	vsort.ascd.msk.f32 $0xffff, v5, v0;
	v0 =	vld [tilespmem:$0x1FFA0];
	_ =	sdelay $0x3  }
0x2c8: {  	v7 =	vld [tilespmem:s16+$0x10]  }
0x2c9: {  	v42, v41, _ =	vpop (xrf1);
	(xrf1) =	vsort.dscd.msk.f32 $0xffff, v9, v0;
	v0 =	vld [tilespmem:$0x1FF40]  }
0x2ca: {  	v8 =	vld [tilespmem:s16+$0x0];
	_ =	sdelay $0x3  }
0x2cb: {  	v22 =	vperm.xlane v6, v11;
	v2 =	vld [tilespmem:s16+$0x40];
	v6, v5, _ =	vpop (xrf1);
	(xrf1) =	vsort.ascd.msk.f32 $0xffff, v7, v0;
	v0 =	vlaneseq.u32  }
0x2cc: {  	v7, v24, _ =	vpop (xrf1);
	(xrf1) =	vsort.ascd.msk.f32 $0xffff, v8, v0;
	v0 =	vld [tilespmem:$0x1FFE0];
	_ =	sdelay $0x4  }
0x2cd: {  	v8, v28, _ =	vpop (xrf1);
	(xrf1) =	vsort.dscd.msk.f32 $0xffff, v2, v0;
	v0 =	vld [tilespmem:$0x1FD90];
	_ =	sdelay $0x2  }
0x2ce: {  	v9 =	vperm.xlane v10, v11  }
0x2cf: {  	vm14 =	vlt.f32 v22, v7;
	v2, v29, _ =	vpop (xrf1)  }
0x2d0: {  	v22 =	vsel vm14, v22, v7;
	v7 =	vsel vm14, v9, v24;
	v24, v30, _ =	vpop (xrf1);
	(xrf1) =	vsort.dscd.msk.f32 $0xffff, v18, v0;
	v0 =	vld [tilespmem:$0x1FD70];
	_ =	sdelay $0x1  }
0x2d1: {  	vm15 =	vlt.f32 v8, v2  }
0x2d2: {  	v9 =	vmov s12;
	v2 =	vsel vm15, v8, v2;
	v8 =	vsel vm15, v28, v29;
	v28, v29, _ =	vpop (xrf1)  }
0x2d3: {  	v21 =	vld [tilespmem:s16+$0x420];
	vm4 =	vlt.f32 v24, v28;
	v37, v63, _ =	vpop (xrf1);
	(xrf1) =	vsort.ascd.msk.f32 $0xffff, v2, v8;
	v2 =	vshll.u32 v9, $0xA  }
0x2d4: {  	v8 =	vshll.u32 v9, $0x7;
	v9 =	vsel vm4, v24, v28;
	v24 =	vsel vm4, v30, v29;
	v28, v29, _ =	vpop (xrf1);
	(xrf1) =	vsort.dscd.msk.f32 $0xffff, v17, v0;
	v0 =	vld [tilespmem:$0x1FF20];
	_ =	sdelay $0x3  }
0x2d5: {  	vm5 =	vlt.f32 v37, v28;
	v17, v30, _ =	vpop (xrf1);
	(xrf1) =	vsort.ascd.msk.f32 $0xffff, v9, v24  }
0x2d6: {  	v10 =	vld [tilespmem:s16+$0x410];
	(xrf1) =	vsort.dscd.msk.f32 $0xffff, v21, v0;
	v21 =	vsel vm5, v37, v28;
	v0 =	vsel vm5, v63, v29;
	v24, v28, _ =	vpop (xrf1)  }
0x2d7: {  	v22 =	vadd.f32 v22, v22;
	v50, v39, _ =	vpop (xrf1);
	(xrf1) =	vsort.ascd.msk.f32 $0xffff, v21, v0;
	v0 =	vld [tilespmem:$0x1FF60];
	_ =	sdelay $0x3  }
0x2d8: {  	vm6 =	vlt.f32 v17, v24  }
0x2d9: {  	v23 =	vld [tilespmem:s16+$0x430];
	v9 =	vadd.f32 $2.000000000e+00, v22;
	v21, v22, _ =	vpop (xrf1);
	(xrf1) =	vsort.dscd.msk.f32 $0xffff, v10, v0;
	v0 =	vsel vm6, v17, v24;
	v17 =	vsel vm6, v30, v28  }
0x2da: {  	v24, v28, _ =	vpop (xrf1);
	(xrf1) =	vsort.ascd.msk.f32 $0xffff, v0, v17;
	v0 =	vld [tilespmem:$0x1FF10]  }
0x2db: {  	v61 =	vshll.u32 v7, $0x3;
	v8 =	vand.u32 $0x380, v8;
	v9 =	vmax.f32 v9, $0.0e+00  }
0x2dc: {  	v2 =	vand.u32 $0x6000, v2;
	v9 =	vadd.f32 $9.999999960e-13, v9;
	v29 =	vand.u32 $0xFFFFFC00, v61  }
0x2dd: {  	v18 =	vand.u32 $0x7F, v7;
	v2 =	vadd.s32 v2, v29  }
0x2de: {  	v2 =	vor.u32 v8, v2;
	vm7 =	vlt.f32 v21, v24;
	v8, v10, _ =	vpop (xrf1);
	v17 =	vshrl.u32 v9, $0x1  }
0x2df: {  	v56 =	vmul.f32 $5.000000000e-01, v9;
	v9 =	vsel vm7, v21, v24;
	(xrf1) =	vsort.dscd.msk.f32 $0xffff, v23, v0;
	v0 =	vsel vm7, v22, v28;
	v22, v23, _ =	vpop (xrf1)  }
0x2e0: {  	v2 =	vor.u32 v18, v2;
	vm8 =	vlt.f32 v22, v8;
	v18, v24, _ =	vpop (xrf1);
	(xrf1) =	vsort.ascd.msk.f32 $0xffff, v9, v0;
	v9 =	vsub.s32 $0x5F3759DF, v17  }
0x2e1: {  	vm9 =	vlt.f32 v50, v18;
	v11 =	vsel vm8, v22, v8;
	v0 =	vsel vm8, v23, v10;
	v17, v21, _ =	vpop (xrf1)  }
0x2e2: {  	v22 =	vsel vm9, v39, v24;
	v23, v24, _ =	vpop (xrf1);
	(xrf1) =	vsort.ascd.msk.f32 $0xffff, v11, v0;
	v0 =	vld [tilespmem:$0x1FE50];
	_ =	sdelay $0x2  }
0x2e3: {  	v18 =	vsel vm9, v50, v18  }
0x2e4: {  	v27 =	vld [tilespmem:s16+$0x400];
	(xrf1) =	vsort.ascd.msk.f32 $0xffff, v18, v22  }
0x2e5: {  	v8, v10, _ =	vpop (xrf1);
	(xrf1) =	vsort.dscd.msk.f32 $0xffff, v19, v0;
	v0 =	vld [tilespmem:$0x1FF50];
	_ =	sdelay $0x1  }
0x2e6: {  	vm10 =	vlt.f32 v23, v17  }
0x2e7: {  	v11 =	vsel vm10, v23, v17;
	v12 =	vsel vm10, v24, v21  }
0x2e8: {  	(xrf1) =	vsort.ascd.msk.f32 $0xffff, v11, v12;
	v11 =	vld [tilespmem:$0x1FBF0]  }
0x2e9: {  	v17, v19, _ =	vpop (xrf1);
	(xrf1) =	vsort.dscd.msk.f32 $0xffff, v27, v0;
	v0 =	vld [tilespmem:$0x1FE10];
	_ =	sdelay $0x3  }
0x2ea: {  	vm11 =	vlt.f32 v4, v17;
	v21, v22, _ =	vpop (xrf1)  }
0x2eb: {  	v4 =	vsel vm11, v4, v17;
	v1 =	vsel vm11, v1, v19;
	v17, v19, _ =	vpop (xrf1);
	(xrf1) =	vsort.dscd.msk.f32 $0xffff, v11, v0;
	v0 =	vld [tilespmem:$0x1FDD0]  }
0x2ec: {  	v18 =	vmul.f32 v9, v56;
	v11 =	vld [tilespmem:$0x1FBE0];
	_ =	sdelay $0x3  }
0x2ed: {  	v36 =	vld [tilespmem:s16+$0x440];
	v12 =	vmul.f32 v9, v18;
	v18, v24, _ =	vpop (xrf1);
	vm12 =	vlt.f32 v8, v17;
	(xrf1) =	vsort.ascd.msk.f32 $0xffff, v4, v1  }
0x2ee: {  	v1 =	vsel vm12, v8, v17;
	v4 =	vsel vm12, v10, v19;
	v8, v10, _ =	vpop (xrf1);
	(xrf1) =	vsort.dscd.msk.f32 $0xffff, v11, v0;
	v0 =	vld [tilespmem:$0x1FF70];
	_ =	sdelay $0x1  }
0x2ef: {  	v55 =	vld [tilespmem:s16+$0x860]  }
0x2f0: {  	v2 =	vld.idx.msk [tilespmem:v2+s7+$0x0], $0xffff  }
0x2f1: {  	v7 =	vld [tilespmem:s16+$0x450];
	v11, v19, _ =	vpop (xrf1);
	(xrf1) =	vsort.ascd.msk.f32 $0xffff, v1, v4  }
0x2f2: {  	(xrf1) =	vsort.dscd.msk.f32 $0xffff, v36, v0;
	v0 =	vld [tilespmem:$0x1FFC0]  }
0x2f3: {  	v54 =	vld [tilespmem:s16+$0x870]  }
0x2f4: {  	v53 =	vld [tilespmem:s16+$0x830];
	vm13 =	vlt.f32 v21, v8  }
0x2f5: {  	v46 =	vld [tilespmem:s16+$0xC20];
	v1 =	vadd.f32 v2, v2;
	v2 =	vsel vm13, v21, v8;
	v4 =	vsel vm13, v22, v10;
	v8, v10, _ =	vpop (xrf1)  }
0x2f6: {  	v20 =	vld [tilespmem:s16+$0x460];
	v17, v57, _ =	vpop (xrf1);
	(xrf1) =	vsort.ascd.msk.f32 $0xffff, v2, v4  }
0x2f7: {  	(xrf1) =	vsort.dscd.msk.f32 $0xffff, v7, v0;
	v0 =	vld [tilespmem:$0x1FFB0]  }
0x2f8: {  	v45 =	vld [tilespmem:s16+$0xC10]  }
0x2f9: {  	v52 =	vld [tilespmem:s16+$0x820];
	vm14 =	vlt.f32 v6, v8  }
0x2fa: {  	v35 =	vld [tilespmem:s16+$0xC70];
	v5 =	vsel vm14, v5, v10;
	v4 =	vsel vm14, v6, v8  }
0x2fb: {  	v31 =	vld [tilespmem:s16+$0x470];
	v6, v7, _ =	vpop (xrf1);
	(xrf1) =	vsort.ascd.msk.f32 $0xffff, v4, v5  }
0x2fc: {  	v1 =	vsub.f32 $2.000000000e+00, v1;
	(xrf1) =	vsort.dscd.msk.f32 $0xffff, v20, v0;
	v0 =	vld [tilespmem:$0x1FFD0]  }
0x2fd: {  	v34 =	vld [tilespmem:s16+$0xC50];
	v13 =	vsub.f32 $1.500000000e+00, v12  }
0x2fe: {  	v33 =	vld [tilespmem:s16+$0xC40];
	v1 =	vmax.f32 v1, $0.0e+00;
	vm15 =	vlt.f32 v18, v6  }
0x2ff: {  	v44 =	vld [tilespmem:s16+$0x1420];
	v2 =	vmul.f32 v9, v13;
	v5 =	vsel vm15, v18, v6;
	v6 =	vsel vm15, v24, v7;
	v7, v8, _ =	vpop (xrf1)  }
0x300: {  	v32 =	vld [tilespmem:s16+$0x810];
	v1 =	vadd.f32 $9.999999960e-13, v1;
	v9, v10, _ =	vpop (xrf1);
	(xrf1) =	vsort.ascd.msk.f32 $0xffff, v5, v6  }
0x301: {  	v4 =	vmul.f32 v2, v56;
	(xrf1) =	vsort.dscd.msk.f32 $0xffff, v31, v0;
	v0 =	vld [tilespmem:$0x1FF80]  }
0x302: {  	v63 =	vld [tilespmem:s16+$0x800];
	v24 =	vmul.f32 $5.000000000e-01, v1;
	vm4 =	vlt.f32 v17, v7;
	v5 =	vshrl.u32 v1, $0x1  }
0x303: {  	v37 =	vld [tilespmem:s16+$0xC60];
	v4 =	vmul.f32 v4, v2;
	v15 =	vsel vm4, v17, v7;
	v61, v60, _ =	vpop (xrf1);
	v5 =	vsub.s32 $0x5F3759DF, v5  }
0x304: {  	v29 =	vld [tilespmem:s16+$0x1030];
	vm5 =	vlt.f32 v11, v9;
	v6 =	vsel vm4, v57, v8;
	v7, v8, _ =	vpop (xrf1);
	v13 =	vmul.f32 v5, v24  }
0x305: {  	v30 =	vld [tilespmem:s16+$0x1020];
	v12 =	vsel vm5, v11, v9;
	v11 =	vsel vm5, v19, v10;
	v9, v10, _ =	vpop (xrf1);
	(xrf1) =	vsort.ascd.msk.f32 $0xffff, v15, v6  }
0x306: {  	v28 =	vld [tilespmem:s16+$0x1010];
	vm6 =	vlt.f32 v9, v7;
	v13 =	vmul.f32 v5, v13;
	(xrf1) =	vsort.dscd.msk.f32 $0xffff, v32, v0  }
0x307: {  	v39 =	vld [tilespmem:s16+$0x1440];
	v8 =	vsel vm6, v10, v8;
	v6 =	vsub.f32 $1.500000000e+00, v4;
	v4, v1, _ =	vpop (xrf1);
	(xrf1) =	vsort.ascd.msk.f32 $0xffff, v12, v11;
	v11 =	vsel vm6, v9, v7  }
0x308: {  	v50 =	vld [tilespmem:s16+$0x1800];
	v9, v10, _ =	vpop (xrf1);
	(xrf1) =	vsort.ascd.msk.f32 $0xffff, v11, v8;
	v8 =	vsub.f32 $1.500000000e+00, v13  }
0x309: {  	v0 =	vld [tilespmem:s16+$0x1470]  }
0x30a: {  	v5 =	vmul.f32 v5, v8;
	v8 =	vld [tilespmem:s16+$0x1830]  }
0x30b: {  	v23 =	vld [tilespmem:s16+$0x1060]  }
0x30c: {  	v27 =	vld [tilespmem:s16+$0x1000];
	v2 =	vmul.f32 v6, v2;
	vm7 =	vlt.f32 v42, v9;
	v6, v7, _ =	vpop (xrf1)  }
0x30d: {  	v22 =	vld [tilespmem:s16+$0x1070];
	v12 =	vsel vm7, v42, v9;
	v19, v58, _ =	vpop (xrf1)  }
0x30e: {  	v21 =	vld [tilespmem:s16+$0x1050];
	v10 =	vsel vm7, v41, v10;
	vm8 =	vlt.f32 v6, v19;
	[tilespmem:$0x1FBE0] =	vst v0;
	v11, v0, _ =	vpop (xrf1)  }
0x30f: {  	s19 =	sadd.s32 $0x1, s19;
	v36 =	vld [tilespmem:s16+$0x1450];
	(xrf1) =	vsort.ascd.msk.f32 $0xffff, v12, v10;
	v6 =	vsel vm8, v6, v19;
	v7 =	vsel vm8, v7, v58;
	[tilespmem:$0x1FBF0] =	vst v8;
	v8, v9, _ =	vpop (xrf1)  }
0x310: {  	s28 =	sand.u32 $0x7, s19;
	v59 =	vmul.f32 v2, v56;
	v12, v13, _ =	vpop (xrf1);
	(xrf1) =	vsort.ascd.msk.f32 $0xffff, v6, v7;
	v7 =	vld [tilespmem:$0x1FF90]  }
0x311: {  	s17 =	smov.u32 s20;
	s20 =	sshll.u32 s28, $0x7;
	v18 =	vld [tilespmem:s16+$0x1430]  }
0x312: {  	s29 =	sadd.s32 s20, s15;
	v17 =	vld [tilespmem:s16+$0x1410];
	v10 =	vmul.f32 v59, v2;
	v6 =	vmul.f32 v5, v24  }
0x313: {  	s22 =	sor.u32 $0x1C10, s29;
	v20 =	vld [tilespmem:s16+$0x1040]  }
0x314: {  	v57 =	vld [tilespmem:s22+$0x0];
	v15 =	vsub.f32 $1.500000000e+00, v10;
	vm9 =	vlt.f32 v49, v8;
	v6 =	vmul.f32 v6, v5  }
0x315: {  	v31 =	vld [tilespmem:s16+$0x1400];
	(xrf1) =	vsort.dscd.msk.f32 $0xffff, v53, v7;
	v7 =	vsel vm9, v49, v8;
	v8 =	vsel vm9, v48, v9;
	v9, v48, _ =	vpop (xrf1)  }
0x316: {  	v2 =	vmul.f32 v15, v2;
	v15 =	vld [tilespmem:$0x1FEE0];
	v49, v53, _ =	vpop (xrf1);
	vm10 =	vlt.f32 v47, v9  }
0x317: {  	v32 =	vld [tilespmem:s16+$0x1460];
	v6 =	vsub.f32 $1.500000000e+00, v6;
	(xrf1) =	vsort.ascd.msk.f32 $0xffff, v7, v8;
	v7 =	vsel vm10, v47, v9;
	v43 =	vsel vm10, v43, v48;
	v9, v10, _ =	vpop (xrf1)  }
0x318: {  	v41 =	vld [tilespmem:s16+$0x1820];
	(xrf1) =	vsort.ascd.msk.f32 $0xffff, v7, v43;
	vm11 =	vlt.f32 v49, v9  }
0x319: {  	v42 =	vld [tilespmem:s16+$0x1810];
	v8, v47, _ =	vpop (xrf1);
	v43 =	vmul.f32 v2, v56;
	v2 =	vsel vm11, v49, v9;
	v9 =	vsel vm11, v53, v10  }
0x31a: {  	v19 =	vld [tilespmem:s16+$0x1870];
	v10, v53, _ =	vpop (xrf1)  }
0x31b: {  	v58 =	vld [tilespmem:s16+$0x1850];
	(xrf1) =	vsort.dscd.msk.f32 $0xffff, v52, v15;
	v15 =	vmul.f32 v6, v5;
	vm12 =	vlt.f32 v8, v10;
	v6, v5, _ =	vpop (xrf1)  }
0x31c: {  	s25 =	sor.u32 $0x1C70, s29;
	v59 =	vld [tilespmem:s16+$0x1860];
	(xrf1) =	vsort.ascd.msk.f32 $0xffff, v2, v9;
	v2 =	vsel vm12, v8, v10;
	v9, v10, _ =	vpop (xrf1)  }
0x31d: {  	v48 =	vld [tilespmem:s25+$0x0];
	v8 =	vsel vm12, v47, v53;
	vm13 =	vlt.f32 v12, v9  }
0x31e: {  	v7 =	vld [tilespmem:s16+$0x1840];
	(xrf1) =	vsort.ascd.msk.f32 $0xffff, v2, v8;
	v2 =	vsel vm13, v12, v9;
	v8 =	vsel vm13, v13, v10  }
0x31f: {  	s23 =	sor.u32 $0x1C20, s29;
	v9, v10, _ =	vpop (xrf1);
	(xrf1) =	vsort.ascd.msk.f32 $0xffff, v2, v8;
	v8 =	vld [tilespmem:$0x1FED0]  }
0x320: {  	s30 =	sor.u32 $0x1C60, s29;
	v56 =	vld [tilespmem:s23+$0x0];
	v52 =	vmul.f32 v15, v24  }
0x321: {  	p0 =	sne.s32 s18, $0x1F;
	s24 =	sor.u32 $0x1C00, s29;
	v49 =	vld [tilespmem:s30+$0x0]  }
.Ltmp0:
0x322: {  	s21 =	smov.u32 s18;
	s31 =	sor.u32 $0x1C40, s29;
	v53 =	vld [tilespmem:s24+$0x0];
	v12 =	vmul.f32 v52, v15;
	(pc) =	sbr.rel @p0 .LBB2_2-.Ltmp0, $4  }
0x323: {  	s12 =	smov.u32 s13;
	s13 =	smov.u32 s21;
	s21 =	sor.u32 $0x1C50, s29;
	v47 =	vld [tilespmem:s31+$0x0];
	vm14 =	vlt.f32 v11, v9  }
0x324: {  	v52 =	vld [tilespmem:s21+$0x0];
	v2 =	vsel vm14, v11, v9;
	v0 =	vsel vm14, v0, v10;
	v10 =	vsub.f32 $1.500000000e+00, v12;
	(xrf1) =	vsort.dscd.msk.f32 $0xffff, v63, v8;
	v8, v9, _ =	vpop (xrf1)  }
0x325: {  	v12 =	vld [tilespmem:$0x1FB00];
	(xrf1) =	vsort.ascd.msk.f32 $0xffff, v2, v0;
	vm15 =	vlt.f32 v62, v8  }
0x326: {  	s18 =	sadd.s32 $0x1, s18;
	s20 =	sor.u32 $0x1C30, s29;
	v62 =	vsel vm15, v62, v8;
	v63 =	vsel vm15, v51, v9;
	v9, v8, _ =	vpop (xrf1);
	v51 =	vmul.f32 v10, v15;
	v15 =	vld [tilespmem:$0x1FB10]  }
0x327: {  	vm0 =	vlt.f32 v4, v9;
	v0, v2, _ =	vpop (xrf1)  }
0x328: {  	(xrf1) =	vsort.ascd.msk.f32 $0xffff, v62, v63;
	v1 =	vsel vm0, v1, v8;
	v8, v62, _ =	vpop (xrf1)  }
0x329: {  	v4 =	vsel vm0, v4, v9;
	vm6 =	vlt.f32 v40, v8  }
0x32a: {  	(xrf1) =	vsort.ascd.msk.f32 $0xffff, v4, v1;
	v1 =	vsel vm6, v40, v8;
	v8, v63, _ =	vpop (xrf1)  }
0x32b: {  	v4 =	vsel vm6, v38, v62;
	vm7 =	vlt.f32 v26, v8  }
0x32c: {  	(xrf1) =	vsort.ascd.msk.f32 $0xffff, v1, v4;
	v4 =	vsel vm7, v25, v63  }
0x32d: {  	v1 =	vsel vm7, v26, v8;
	_ =	sdelay $0x1  }
0x32e: {  	v8, v25, _ =	vpop (xrf1)  }
0x32f: {  	(xrf1) =	vsort.ascd.msk.f32 $0xffff, v1, v4;
	v1, v4, _ =	vpop (xrf1)  }
0x330: {  	v10 =	vld [tilespmem:$0x1FE20];
	vm8 =	vlt.f32 v8, v1  }
0x331: {  	v1 =	vsel vm8, v8, v1;
	v8 =	vld [tilespmem:$0x1FC40];
	_ =	sdelay $0x3  }
0x332: {  	(xrf1) =	vsort.dscd.msk.f32 $0xffff, v7, v10  }
0x333: {  	v4 =	vsel vm8, v25, v4;
	(xrf1) =	vsort.dscd.msk.f32 $0xffff, v55, v8  }
0x334: {  	v8, v26, _ =	vpop (xrf1);
	(xrf1) =	vsort.ascd.msk.f32 $0xffff, v1, v4;
	v4 =	vld [tilespmem:$0x1FC50];
	_ =	sdelay $0x3  }
0x335: {  	vm9 =	vlt.f32 v0, v8  }
0x336: {  	v0 =	vsel vm9, v0, v8;
	(xrf1) =	vsort.dscd.msk.f32 $0xffff, v54, v4;
	v4, v8, _ =	vpop (xrf1)  }
0x337: {  	v7 =	vld [tilespmem:s16+$0x850];
	vm10 =	vlt.f32 v6, v4  }
0x338: {  	v4 =	vsel vm10, v6, v4;
	v6 =	vld [tilespmem:$0x1FC30]  }
0x339: {  	v2 =	vsel vm9, v2, v26;
	_ =	sdelay $0x2  }
0x33a: {  	(xrf1) =	vsort.ascd.msk.f32 $0xffff, v0, v2  }
0x33b: {  	v1 =	vld [tilespmem:s16+$0x840];
	v0, v2, _ =	vpop (xrf1);
	v5 =	vsel vm10, v5, v8;
	(xrf1) =	vsort.dscd.msk.f32 $0xffff, v7, v6  }
0x33c: {  	v6, v7, _ =	vpop (xrf1);
	(xrf1) =	vsort.ascd.msk.f32 $0xffff, v4, v5;
	v5 =	vld [tilespmem:$0x1FC20];
	_ =	sdelay $0x2  }
0x33d: {  	v40 =	vld [tilespmem:$0x1FE70]  }
0x33e: {  	v55 =	vld [tilespmem:$0x1FE90];
	vm11 =	vlt.f32 v0, v6  }
0x33f: {  	v54 =	vld [tilespmem:$0x1FE80];
	v0 =	vsel vm11, v0, v6;
	v2 =	vsel vm11, v2, v7;
	(xrf1) =	vsort.dscd.msk.f32 $0xffff, v1, v5  }
0x340: {  	(xrf1) =	vsort.ascd.msk.f32 $0xffff, v0, v2;
	v2 =	vld [tilespmem:$0x1FB90]  }
0x341: {  	v6 =	vld [tilespmem:$0x1FB80]  }
0x342: {  	v4 =	vld [tilespmem:s17+$0x0];
	_ =	sdelay $0x2  }
0x343: {  	v0, v1, _ =	vpop (xrf1);
	(xrf1) =	vsort.dscd.msk.f32 $0xffff, v2, v40  }
0x344: {  	v2, v5, _ =	vpop (xrf1);
	(xrf1) =	vsort.dscd.msk.f32 $0xffff, v6, v54  }
0x345: {  	vm12 =	vlt.f32 v61, v2;
	(xrf1) =	vsort.dscd.msk.f32 $0xffff, v4, v55;
	v4, v6, _ =	vpop (xrf1)  }
0x346: {  	v2 =	vsel vm12, v61, v2;
	v5 =	vsel vm12, v60, v5;
	vm13 =	vlt.f32 v14, v4  }
0x347: {  	(xrf1) =	vsort.ascd.msk.f32 $0xffff, v2, v5;
	v2 =	vsel vm13, v14, v4;
	v4 =	vld [tilespmem:$0x1FB70]  }
0x348: {  	v7 =	vld [tilespmem:$0x1FB60];
	_ =	sdelay $0x2  }
0x349: {  	vm1 =	vlt.f32 v16, v0  }
0x34a: {  	v0 =	vsel vm1, v16, v0;
	v1 =	vsel vm1, v4, v1  }
0x34b: {  	v6 =	vsel vm13, v7, v6;
	v4, v5, _ =	vpop (xrf1);
	(xrf1) =	vsort.ascd.msk.f32 $0xffff, v0, v1;
	v0 =	vld [tilespmem:$0x1FB20]  }
0x34c: {  	v10, v9, _ =	vpop (xrf1);
	(xrf1) =	vsort.ascd.msk.f32 $0xffff, v2, v6;
	v6 =	vld [tilespmem:$0x1FB30];
	_ =	sdelay $0x3  }
0x34d: {  	vm14 =	vlt.f32 v0, v4  }
0x34e: {  	v5 =	vsel vm14, v6, v5  }
0x34f: {  	v0 =	vsel vm14, v0, v4;
	_ =	sdelay $0x1  }
0x350: {  	v2, v4, _ =	vpop (xrf1)  }
0x351: {  	(xrf1) =	vsort.ascd.msk.f32 $0xffff, v0, v5;
	v0, v5, _ =	vpop (xrf1)  }
0x352: {  	v38 =	vld [tilespmem:$0x1FE60];
	vm15 =	vlt.f32 v2, v0;
	v6, v7, _ =	vpop (xrf1)  }
0x353: {  	v8 =	vld [tilespmem:$0x1FC80];
	v0 =	vsel vm15, v2, v0;
	v2 =	vsel vm15, v4, v5;
	v4, v5, _ =	vpop (xrf1)  }
0x354: {  	v1 =	vld [tilespmem:s16+$0xC30];
	vm4 =	vlt.f32 v6, v4  }
0x355: {  	v4 =	vsel vm4, v6, v4;
	v6 =	vld [tilespmem:$0x1FC90];
	_ =	sdelay $0x1  }
0x356: {  	(xrf1) =	vsort.dscd.msk.f32 $0xffff, v12, v38  }
0x357: {  	(xrf1) =	vsort.dscd.msk.f32 $0xffff, v46, v8  }
0x358: {  	(xrf1) =	vsort.ascd.msk.f32 $0xffff, v0, v2;
	v0, v2, _ =	vpop (xrf1)  }
0x359: {  	(xrf1) =	vsort.dscd.msk.f32 $0xffff, v1, v6;
	v1, v6, _ =	vpop (xrf1)  }
0x35a: {  	vm5 =	vlt.f32 v0, v1  }
0x35b: {  	v5 =	vsel vm4, v7, v5;
	v0 =	vsel vm5, v0, v1;
	v1 =	vsel vm5, v2, v6;
	v2 =	vld [tilespmem:$0x1FC70];
	_ =	sdelay $0x3  }
0x35c: {  	(xrf1) =	vsort.ascd.msk.f32 $0xffff, v4, v5;
	v4, v5, _ =	vpop (xrf1)  }
0x35d: {  	(xrf1) =	vsort.dscd.msk.f32 $0xffff, v45, v2;
	v2, v6, _ =	vpop (xrf1)  }
0x35e: {  	v8 =	vld [tilespmem:s16+$0xC00];
	vm6 =	vlt.f32 v4, v2  }
0x35f: {  	v2 =	vsel vm6, v4, v2;
	v4 =	vsel vm6, v5, v6;
	v5 =	vld [tilespmem:$0x1FC60]  }
0x360: {  	v46 =	vld [tilespmem:$0x1FEB0]  }
0x361: {  	v7 =	vld [tilespmem:$0x1FBB0];
	_ =	sdelay $0x1  }
0x362: {  	(xrf1) =	vsort.ascd.msk.f32 $0xffff, v0, v1;
	v0, v1, _ =	vpop (xrf1)  }
0x363: {  	v11 =	vld [tilespmem:$0x1FBA0];
	(xrf1) =	vsort.dscd.msk.f32 $0xffff, v8, v5;
	v5, v6, _ =	vpop (xrf1)  }
0x364: {  	v60 =	vld [tilespmem:$0x1FEC0];
	(xrf1) =	vsort.ascd.msk.f32 $0xffff, v2, v4;
	v2, v4, _ =	vpop (xrf1)  }
0x365: {  	v61 =	vld [tilespmem:$0x1FB50];
	(xrf1) =	vsort.dscd.msk.f32 $0xffff, v7, v46;
	v7, v8, _ =	vpop (xrf1)  }
0x366: {  	vm7 =	vlt.f32 v2, v7  }
0x367: {  	v4 =	vsel vm7, v4, v8  }
0x368: {  	v2 =	vsel vm7, v2, v7  }
0x369: {  	(xrf1) =	vsort.dscd.msk.f32 $0xffff, v11, v60  }
0x36a: {  	(xrf1) =	vsort.dscd.msk.f32 $0xffff, v15, v61;
	v7, v8, _ =	vpop (xrf1)  }
0x36b: {  	(xrf1) =	vsort.ascd.msk.f32 $0xffff, v2, v4;
	v2, v4, _ =	vpop (xrf1)  }
0x36c: {  	vm9 =	vlt.f32 v0, v2  }
0x36d: {  	vm8 =	vlt.f32 v5, v7;
	v1 =	vsel vm9, v1, v4  }
0x36e: {  	v6 =	vsel vm8, v6, v8;
	v0 =	vsel vm9, v0, v2  }
0x36f: {  	v5 =	vsel vm8, v5, v7;
	v7, v8, _ =	vpop (xrf1)  }
0x370: {  	(xrf1) =	vsort.ascd.msk.f32 $0xffff, v5, v6;
	v2, v4, _ =	vpop (xrf1)  }
0x371: {  	v45 =	vld [tilespmem:$0x1FEA0];
	(xrf1) =	vsort.ascd.msk.f32 $0xffff, v0, v1;
	vm10 =	vlt.f32 v2, v7;
	v0, v1, _ =	vpop (xrf1)  }
0x372: {  	v2 =	vsel vm10, v2, v7;
	v7 =	vld [tilespmem:$0x1FBD0];
	v5, v6, _ =	vpop (xrf1)  }
0x373: {  	vm11 =	vlt.f32 v0, v5  }
0x374: {  	v4 =	vsel vm10, v4, v8;
	v0 =	vsel vm11, v0, v5;
	v5 =	vld [tilespmem:$0x1FCC0];
	_ =	sdelay $0x2  }
0x375: {  	(xrf1) =	vsort.dscd.msk.f32 $0xffff, v7, v45;
	v7, v8, _ =	vpop (xrf1)  }
0x376: {  	(xrf1) =	vsort.ascd.msk.f32 $0xffff, v2, v4;
	v2, v4, _ =	vpop (xrf1)  }
0x377: {  	v1 =	vsel vm11, v1, v6;
	vm12 =	vlt.f32 v7, v2;
	(xrf1) =	vsort.dscd.msk.f32 $0xffff, v37, v5  }
0x378: {  	(xrf1) =	vsort.ascd.msk.f32 $0xffff, v0, v1;
	v0 =	vsel vm12, v7, v2;
	v7 =	vld [tilespmem:$0x1FCD0];
	_ =	sdelay $0x2  }
0x379: {  	v5, v6, _ =	vpop (xrf1)  }
0x37a: {  	v1 =	vsel vm12, v8, v4;
	v2, v4, _ =	vpop (xrf1)  }
0x37b: {  	vm13 =	vlt.f32 v5, v2;
	(xrf1) =	vsort.dscd.msk.f32 $0xffff, v35, v7  }
0x37c: {  	v7, v8, _ =	vpop (xrf1);
	(xrf1) =	vsort.ascd.msk.f32 $0xffff, v0, v1;
	v0 =	vsel vm13, v5, v2;
	v5 =	vld [tilespmem:$0x1FCB0];
	_ =	sdelay $0x4  }
0x37d: {  	v1 =	vsel vm13, v6, v4;
	v2, v4, _ =	vpop (xrf1);
	(xrf1) =	vsort.dscd.msk.f32 $0xffff, v34, v5;
	v5 =	vld [tilespmem:$0x1FCA0]  }
0x37e: {  	vm14 =	vlt.f32 v7, v2  }
0x37f: {  	v2 =	vsel vm14, v7, v2;
	v4 =	vsel vm14, v8, v4;
	v7 =	vld [tilespmem:$0x1FE30];
	_ =	sdelay $0x1  }
0x380: {  	v35 =	vld [tilespmem:$0x1FE40];
	(xrf1) =	vsort.ascd.msk.f32 $0xffff, v0, v1;
	v0, v1, _ =	vpop (xrf1)  }
0x381: {  	v37 =	vld [tilespmem:$0x1FD80];
	(xrf1) =	vsort.dscd.msk.f32 $0xffff, v33, v5;
	v5, v6, _ =	vpop (xrf1)  }
0x382: {  	(xrf1) =	vsort.ascd.msk.f32 $0xffff, v2, v4;
	v2, v4, _ =	vpop (xrf1)  }
0x383: {  	(xrf1) =	vsort.dscd.msk.f32 $0xffff, v58, v7;
	v7, v8, _ =	vpop (xrf1)  }
0x384: {  	vm15 =	vlt.f32 v2, v7  }
0x385: {  	(xrf1) =	vsort.dscd.msk.f32 $0xffff, v59, v35;
	v2 =	vsel vm15, v2, v7;
	v4 =	vsel vm15, v4, v8;
	v7, v8, _ =	vpop (xrf1)  }
0x386: {  	v58 =	vld [tilespmem:$0x1FDE0];
	(xrf1) =	vsort.dscd.msk.f32 $0xffff, v44, v37;
	vm4 =	vlt.f32 v5, v7  }
0x387: {  	v44, v12, _ =	vpop (xrf1);
	(xrf1) =	vsort.ascd.msk.f32 $0xffff, v2, v4;
	v4 =	vsel vm4, v6, v8  }
0x388: {  	vm5 =	vlt.f32 v0, v44;
	v2 =	vsel vm4, v5, v7;
	v5, v6, _ =	vpop (xrf1)  }
0x389: {  	v0 =	vsel vm5, v0, v44;
	v1 =	vsel vm5, v1, v12;
	v7, v8, _ =	vpop (xrf1);
	(xrf1) =	vsort.ascd.msk.f32 $0xffff, v2, v4  }
0x38a: {  	vm6 =	vlt.f32 v5, v7;
	(xrf1) =	vsort.ascd.msk.f32 $0xffff, v0, v1  }
0x38b: {  	v5 =	vsel vm6, v5, v7;
	v6 =	vsel vm6, v6, v8;
	v2, v4, _ =	vpop (xrf1);
	(xrf1) =	vsort.dscd.msk.f32 $0xffff, v50, v58  }
0x38c: {  	(xrf1) =	vsort.ascd.msk.f32 $0xffff, v5, v6;
	v5 =	vld [tilespmem:$0x1FD00];
	_ =	sdelay $0x1  }
0x38d: {  	v0, v1, _ =	vpop (xrf1)  }
0x38e: {  	vm7 =	vlt.f32 v2, v0;
	v7, v8, _ =	vpop (xrf1)  }
0x38f: {  	v0 =	vsel vm7, v2, v0;
	v1 =	vsel vm7, v4, v1;
	v2, v4, _ =	vpop (xrf1)  }
0x390: {  	vm8 =	vlt.f32 v7, v2;
	(xrf1) =	vsort.dscd.msk.f32 $0xffff, v30, v5  }
0x391: {  	v5, v6, _ =	vpop (xrf1);
	(xrf1) =	vsort.ascd.msk.f32 $0xffff, v0, v1;
	v0 =	vsel vm8, v7, v2;
	v7 =	vld [tilespmem:$0x1FD10];
	_ =	sdelay $0x3  }
0x392: {  	v1 =	vsel vm8, v8, v4;
	v2, v4, _ =	vpop (xrf1)  }
0x393: {  	vm9 =	vlt.f32 v5, v2;
	(xrf1) =	vsort.dscd.msk.f32 $0xffff, v29, v7  }
0x394: {  	(xrf1) =	vsort.ascd.msk.f32 $0xffff, v0, v1;
	v0 =	vsel vm9, v5, v2;
	v5 =	vld [tilespmem:$0x1FCF0];
	_ =	sdelay $0x2  }
0x395: {  	v8, v59, _ =	vpop (xrf1)  }
0x396: {  	v1 =	vsel vm9, v6, v4;
	v2, v4, _ =	vpop (xrf1)  }
0x397: {  	vm10 =	vlt.f32 v8, v2;
	(xrf1) =	vsort.dscd.msk.f32 $0xffff, v28, v5  }
0x398: {  	(xrf1) =	vsort.ascd.msk.f32 $0xffff, v0, v1;
	v0 =	vsel vm10, v8, v2;
	v2 =	vld [tilespmem:$0x1FCE0];
	_ =	sdelay $0x4  }
0x399: {  	v7, v6, _ =	vpop (xrf1);
	v1 =	vsel vm10, v59, v4;
	(xrf1) =	vsort.dscd.msk.f32 $0xffff, v27, v2  }
0x39a: {  	v12, v8, _ =	vpop (xrf1);
	(xrf1) =	vsort.ascd.msk.f32 $0xffff, v0, v1;
	v1 =	vld [tilespmem:$0x1FDF0]  }
0x39b: {  	v4 =	vld [tilespmem:$0x1FE00];
	_ =	sdelay $0x3  }
0x39c: {  	v0, v11, _ =	vpop (xrf1);
	(xrf1) =	vsort.dscd.msk.f32 $0xffff, v42, v1  }
0x39d: {  	v1, v2, _ =	vpop (xrf1);
	(xrf1) =	vsort.dscd.msk.f32 $0xffff, v41, v4;
	v41 =	vld [tilespmem:$0x1FBC0]  }
0x39e: {  	v4 =	vld [tilespmem:$0x1FDA0]  }
0x39f: {  	v13 =	vld [tilespmem:$0x1FDB0];
	_ =	sdelay $0x2  }
0x3a0: {  	v1 =	vperm.xlane v1, v41  }
0x3a1: {  	(xrf1) =	vsort.dscd.msk.f32 $0xffff, v39, v4;
	v2 =	vperm.xlane v2, v41;
	v4, v5, _ =	vpop (xrf1)  }
0x3a2: {  	(xrf1) =	vsort.dscd.msk.f32 $0xffff, v36, v13;
	v13, v62, _ =	vpop (xrf1);
	vm11 =	vlt.f32 v1, v4  }
0x3a3: {  	v30 =	vld [tilespmem:$0x1FDC0];
	v15, v14, _ =	vpop (xrf1);
	v13 =	vperm.xlane v13, v41;
	v2 =	vsel vm11, v2, v5  }
0x3a4: {  	v35 =	vld [tilespmem:$0x1FD60];
	v1 =	vsel vm11, v1, v4;
	v5, v63, _ =	vpop (xrf1)  }
0x3a5: {  	v4 =	vperm.xlane v62, v41;
	vm12 =	vlt.f32 v13, v5  }
0x3a6: {  	v5 =	vsel vm12, v13, v5  }
0x3a7: {  	(xrf1) =	vsort.ascd.msk.f32 $0xffff, v1, v2;
	v4 =	vsel vm12, v4, v63;
	v1, v2, _ =	vpop (xrf1)  }
0x3a8: {  	(xrf1) =	vsort.dscd.msk.f32 $0xffff, v32, v30;
	v34, v33, _ =	vpop (xrf1)  }
0x3a9: {  	(xrf1) =	vsort.dscd.msk.f32 $0xffff, v31, v35;
	v13, v36, _ =	vpop (xrf1)  }
0x3aa: {  	v37 =	vld [tilespmem:$0x1FD40];
	(xrf1) =	vsort.ascd.msk.f32 $0xffff, v5, v4;
	v4, v5, _ =	vpop (xrf1)  }
0x3ab: {  	vm13 =	vlt.f32 v1, v34;
	vm14 =	vlt.f32 v13, v4  }
0x3ac: {  	v2 =	vsel vm13, v2, v33;
	v4 =	vsel vm14, v13, v4;
	v13 =	vld [tilespmem:$0x1FD50]  }
0x3ad: {  	v1 =	vsel vm13, v1, v34  }
0x3ae: {  	v5 =	vsel vm14, v36, v5  }
0x3af: {  	v44 =	vld [tilespmem:$0x1FD30];
	(xrf1) =	vsort.dscd.msk.f32 $0xffff, v23, v37  }
0x3b0: {  	(xrf1) =	vsort.ascd.msk.f32 $0xffff, v1, v2;
	v1, v2, _ =	vpop (xrf1)  }
0x3b1: {  	(xrf1) =	vsort.dscd.msk.f32 $0xffff, v22, v13;
	v13, v39, _ =	vpop (xrf1)  }
0x3b2: {  	(xrf1) =	vsort.ascd.msk.f32 $0xffff, v4, v5;
	vm15 =	vlt.f32 v1, v13;
	v4, v5, _ =	vpop (xrf1)  }
0x3b3: {  	v1 =	vsel vm15, v1, v13;
	v13, v42, _ =	vpop (xrf1)  }
0x3b4: {  	v2 =	vsel vm15, v2, v39;
	(xrf1) =	vsort.dscd.msk.f32 $0xffff, v21, v44;
	vm4 =	vlt.f32 v4, v13  }
0x3b5: {  	(xrf1) =	vsort.ascd.msk.f32 $0xffff, v1, v2;
	v1 =	vsel vm4, v4, v13;
	v4 =	vld [tilespmem:$0x1FD20];
	_ =	sdelay $0x2  }
0x3b6: {  	v21, v22, _ =	vpop (xrf1);
	v2 =	vsel vm4, v5, v42  }
0x3b7: {  	v13, v16, _ =	vpop (xrf1)  }
0x3b8: {  	(xrf1) =	vsort.dscd.msk.f32 $0xffff, v20, v4;
	v20, v23, _ =	vpop (xrf1)  }
0x3b9: {  	v25, v26, _ =	vpop (xrf1)  }
0x3ba: {  	(xrf1) =	vsort.ascd.msk.f32 $0xffff, v1, v2;
	v4, v2, _ =	vpop (xrf1)  }
0x3bb: {  	v27, v28, _ =	vpop (xrf1)  }
0x3bc: {  	v29, v30, _ =	vpop (xrf1)  }
0x3bd: {  	v1, v5, _ =	vpop (xrf1)  }
0x3be: {  	v50, v32, _ =	vpop (xrf1)  }
0x3bf: {  	v59, v58, _ =	vpop (xrf1)  }
0x3c0: {  	vm5 =	vlt.f32 v50, v59;
	v62, v63, _ =	vpop (xrf1)  }
0x3c1: {  	v42 =	vld [tilespmem:$0x1FD90];
	v44 =	vsel vm5, v50, v59;
	v50 =	vsel vm5, v32, v58;
	v59, v58, _ =	vpop (xrf1)  }
0x3c2: {  	vm6 =	vlt.f32 v62, v59  }
0x3c3: {  	v32 =	vsel vm6, v62, v59;
	v62 =	vld [tilespmem:$0x1FD70];
	_ =	sdelay $0x2  }
0x3c4: {  	(xrf1) =	vsort.dscd.msk.f32 $0xffff, v18, v42  }
0x3c5: {  	(xrf1) =	vsort.ascd.msk.f32 $0xffff, v44, v50  }
0x3c6: {  	v18, v31, _ =	vpop (xrf1);
	v33 =	vsel vm6, v63, v58;
	(xrf1) =	vsort.dscd.msk.f32 $0xffff, v17, v62  }
0x3c7: {  	(xrf1) =	vsort.ascd.msk.f32 $0xffff, v32, v33;
	_ =	sdelay $0x2  }
0x3c8: {  	v17, v34, _ =	vpop (xrf1)  }
0x3c9: {  	v32, v33, _ =	vpop (xrf1);
	vm7 =	vlt.f32 v18, v17  }
0x3ca: {  	v63, v42, _ =	vpop (xrf1);
	v17 =	vsel vm7, v18, v17;
	v44 =	vsel vm7, v31, v34  }
0x3cb: {  	vm8 =	vlt.f32 v32, v63;
	(xrf1) =	vsort.ascd.msk.f32 $0xffff, v17, v44  }
0x3cc: {  	v37 =	vld [tilespmem:$0x1FBF0];
	v50 =	vsel vm8, v32, v63;
	v58 =	vsel vm8, v33, v42  }
0x3cd: {  	v63 =	vld [tilespmem:$0x1FE50];
	(xrf1) =	vsort.ascd.msk.f32 $0xffff, v50, v58  }
0x3ce: {  	v36 =	vld [tilespmem:$0x1FE10]  }
0x3cf: {  	v44 =	vld [tilespmem:$0x1FBE0]  }
0x3d0: {  	v42 =	vld [tilespmem:$0x1FDD0];
	v17, v18, _ =	vpop (xrf1)  }
0x3d1: {  	v59, v62, _ =	vpop (xrf1)  }
0x3d2: {  	(xrf1) =	vsort.dscd.msk.f32 $0xffff, v19, v63;
	vm9 =	vlt.f32 v0, v59;
	v19, v33, _ =	vpop (xrf1)  }
0x3d3: {  	v0 =	vsel vm9, v0, v59;
	v11 =	vsel vm9, v11, v62;
	(xrf1) =	vsort.dscd.msk.f32 $0xffff, v37, v36;
	v31, v32, _ =	vpop (xrf1)  }
0x3d4: {  	(xrf1) =	vsort.ascd.msk.f32 $0xffff, v0, v11;
	vm10 =	vlt.f32 v17, v31  }
0x3d5: {  	(xrf1) =	vsort.dscd.msk.f32 $0xffff, v44, v42;
	v0 =	vsel vm10, v17, v31;
	v39 =	vsel vm10, v18, v32  }
0x3d6: {  	(xrf1) =	vsort.ascd.msk.f32 $0xffff, v0, v39;
	_ =	sdelay $0x2  }
0x3d7: {  	v0, v11, _ =	vpop (xrf1)  }
0x3d8: {  	vm11 =	vlt.f32 v19, v0  }
0x3d9: {  	v17, v18, _ =	vpop (xrf1);
	v0 =	vsel vm11, v19, v0;
	v11 =	vsel vm11, v33, v11  }
0x3da: {  	vm12 =	vlt.f32 v29, v17;
	(xrf1) =	vsort.ascd.msk.f32 $0xffff, v0, v11  }
0x3db: {  	v0 =	vsel vm12, v29, v17;
	v50 =	vsel vm12, v30, v18  }
0x3dc: {  	(xrf1) =	vsort.ascd.msk.f32 $0xffff, v0, v50;
	_ =	sdelay $0x1  }
0x3dd: {  	v0, v11, _ =	vpop (xrf1)  }
0x3de: {  	v17, v18, _ =	vpop (xrf1)  }
0x3df: {  	v58, v59, _ =	vpop (xrf1)  }
0x3e0: {  	v63, v62, _ =	vpop (xrf1)  }
0x3e1: {  	vm13 =	vlt.f32 v27, v58;
	v36, v37, _ =	vpop (xrf1)  }
0x3e2: {  	v19 =	vsel vm13, v27, v58;
	v39 =	vsel vm13, v28, v59;
	vm14 =	vlt.f32 v63, v36  }
0x3e3: {  	(xrf1) =	vsort.ascd.msk.f32 $0xffff, v19, v39;
	v42 =	vsel vm14, v63, v36;
	v44 =	vsel vm14, v62, v37  }
0x3e4: {  	(xrf1) =	vsort.ascd.msk.f32 $0xffff, v42, v44;
	_ =	sdelay $0x2  }
0x3e5: {  	v19, v27, _ =	vpop (xrf1)  }
0x3e6: {  	vm15 =	vlt.f32 v25, v19  }
0x3e7: {  	v28, v29, _ =	vpop (xrf1);
	v19 =	vsel vm15, v25, v19;
	v50 =	vsel vm15, v26, v27  }
0x3e8: {  	vm4 =	vlt.f32 v20, v28;
	(xrf1) =	vsort.ascd.msk.f32 $0xffff, v19, v50  }
0x3e9: {  	v58 =	vsel vm4, v20, v28;
	v59 =	vsel vm4, v23, v29  }
0x3ea: {  	(xrf1) =	vsort.ascd.msk.f32 $0xffff, v58, v59;
	_ =	sdelay $0x4  }
0x3eb: {  	v19, v20, _ =	vpop (xrf1)  }
0x3ec: {  	vm5 =	vlt.f32 v13, v19;
	v63, v62, _ =	vpop (xrf1)  }
0x3ed: {  	v13 =	vsel vm5, v13, v19;
	v16 =	vsel vm5, v16, v20;
	vm6 =	vlt.f32 v17, v63  }
0x3ee: {  	(xrf1) =	vsort.ascd.msk.f32 $0xffff, v13, v16;
	v13 =	vsel vm6, v17, v63;
	v23 =	vsel vm6, v18, v62  }
0x3ef: {  	(xrf1) =	vsort.ascd.msk.f32 $0xffff, v13, v23;
	_ =	sdelay $0x2  }
0x3f0: {  	v13, v16, _ =	vpop (xrf1)  }
0x3f1: {  	vm7 =	vlt.f32 v21, v13  }
0x3f2: {  	v25, v26, _ =	vpop (xrf1);
	v13 =	vsel vm7, v21, v13;
	v16 =	vsel vm7, v22, v16  }
0x3f3: {  	vm8 =	vlt.f32 v15, v25;
	(xrf1) =	vsort.ascd.msk.f32 $0xffff, v13, v16  }
0x3f4: {  	v13 =	vsel vm8, v15, v25;
	v14 =	vsel vm8, v14, v26  }
0x3f5: {  	(xrf1) =	vsort.ascd.msk.f32 $0xffff, v13, v14;
	_ =	sdelay $0x2  }
0x3f6: {  	v13 =	vld [tilespmem:s20+$0x0];
	_ =	sdelay $0x1  }
0x3f7: {  	v14, v15, _ =	vpop (xrf1)  }
0x3f8: {  	(xrf1) =	vsort.dscd.msk.f32 $0xffff, v57, v40;
	v27, v28, _ =	vpop (xrf1)  }
0x3f9: {  	(xrf1) =	vsort.dscd.msk.f32 $0xffff, v56, v54;
	vm9 =	vlt.f32 v0, v27  }
0x3fa: {  	(xrf1) =	vsort.dscd.msk.f32 $0xffff, v13, v55;
	v0 =	vsel vm9, v0, v27;
	v11 =	vsel vm9, v11, v28  }
0x3fb: {  	vm10 =	vlt.f32 v12, v14;
	(xrf1) =	vsort.ascd.msk.f32 $0xffff, v0, v11  }
0x3fc: {  	v8 =	vsel vm10, v8, v15  }
0x3fd: {  	v0 =	vsel vm10, v12, v14  }
0x3fe: {  	(xrf1) =	vsort.ascd.msk.f32 $0xffff, v0, v8;
	v29, v12, _ =	vpop (xrf1)  }
0x3ff: {  	vm11 =	vlt.f32 v7, v29  }
0x400: {  	v0, v8, _ =	vpop (xrf1);
	v7 =	vsel vm11, v7, v29;
	v6 =	vsel vm11, v6, v12  }
0x401: {  	vm12 =	vlt.f32 v10, v0;
	(xrf1) =	vsort.ascd.msk.f32 $0xffff, v7, v6  }
0x402: {  	v0 =	vsel vm12, v10, v0;
	v8 =	vsel vm12, v9, v8  }
0x403: {  	(xrf1) =	vsort.ascd.msk.f32 $0xffff, v0, v8  }
0x404: {  	(xrf1) =	vsort.dscd.msk.f32 $0xffff, v53, v38;
	_ =	sdelay $0x1  }
0x405: {  	v0, v6, _ =	vpop (xrf1)  }
0x406: {  	v7, v8, _ =	vpop (xrf1)  }
0x407: {  	v31, v30, _ =	vpop (xrf1)  }
0x408: {  	v32, v12, _ =	vpop (xrf1)  }
0x409: {  	(xrf1) =	vsort.dscd.msk.f32 $0xffff, v52, v46;
	vm13 =	vlt.f32 v31, v32  }
0x40a: {  	(xrf1) =	vsort.dscd.msk.f32 $0xffff, v49, v60;
	v10 =	vsel vm13, v30, v12  }
0x40b: {  	(xrf1) =	vsort.dscd.msk.f32 $0xffff, v48, v61;
	v9 =	vsel vm13, v31, v32;
	v33, v12, _ =	vpop (xrf1)  }
0x40c: {  	vm14 =	vlt.f32 v7, v33;
	(xrf1) =	vsort.ascd.msk.f32 $0xffff, v9, v10  }
0x40d: {  	v7 =	vsel vm14, v7, v33;
	v8 =	vsel vm14, v8, v12  }
0x40e: {  	v9, v10, _ =	vpop (xrf1);
	(xrf1) =	vsort.ascd.msk.f32 $0xffff, v7, v8;
	_ =	sdelay $0x1  }
0x40f: {  	vm15 =	vlt.f32 v0, v9;
	v34, v12, _ =	vpop (xrf1)  }
0x410: {  	v0 =	vsel vm15, v0, v9;
	v6 =	vsel vm15, v6, v10;
	v7, v8, _ =	vpop (xrf1)  }
0x411: {  	vm4 =	vlt.f32 v7, v34;
	(xrf1) =	vsort.ascd.msk.f32 $0xffff, v0, v6  }
0x412: {  	v0 =	vsel vm4, v7, v34;
	v6 =	vsel vm4, v8, v12;
	(xrf1) =	vsort.dscd.msk.f32 $0xffff, v47, v45  }
0x413: {  	(xrf1) =	vsort.ascd.msk.f32 $0xffff, v0, v6;
	_ =	sdelay $0x2  }
0x414: {  	v0, v6, _ =	vpop (xrf1)  }
0x415: {  	v7, v8, _ =	vpop (xrf1)  }
0x416: {  	v35, v36, _ =	vpop (xrf1)  }
0x417: {  	v37, v12, _ =	vpop (xrf1)  }
0x418: {  	vm5 =	vlt.f32 v35, v37  }
0x419: {  	v10 =	vsel vm5, v36, v12;
	v38, v12, _ =	vpop (xrf1)  }
0x41a: {  	v9 =	vsel vm5, v35, v37;
	vm6 =	vlt.f32 v7, v38  }
0x41b: {  	v8 =	vsel vm6, v8, v12  }
0x41c: {  	v7 =	vsel vm6, v7, v38  }
0x41d: {  	(xrf1) =	vsort.ascd.msk.f32 $0xffff, v9, v10;
	v9, v10, _ =	vpop (xrf1)  }
0x41e: {  	vm7 =	vlt.f32 v0, v9;
	v39, v12, _ =	vpop (xrf1)  }
0x41f: {  	(xrf1) =	vsort.ascd.msk.f32 $0xffff, v7, v8;
	v0 =	vsel vm7, v0, v9;
	v6 =	vsel vm7, v6, v10;
	v7, v8, _ =	vpop (xrf1)  }
0x420: {  	(xrf1) =	vsort.ascd.msk.f32 $0xffff, v0, v6;
	vm8 =	vlt.f32 v39, v7  }
0x421: {  	v0 =	vsel vm8, v39, v7;
	v6 =	vsel vm8, v12, v8  }
0x422: {  	(xrf1) =	vsort.ascd.msk.f32 $0xffff, v0, v6;
	_ =	sdelay $0x9  }
0x423: {  	v0, v6, _ =	vpop (xrf1)  }
0x424: {  	v0 =	vperm.xlane v0, v41;
	v7, v8, _ =	vpop (xrf1)  }
0x425: {  	v6 =	vperm.xlane v6, v41;
	v40, v42, _ =	vpop (xrf1)  }
0x426: {  	vm9 =	vlt.f32 v0, v7;
	v9 =	vperm.xlane v40, v41  }
0x427: {  	v0 =	vsel vm9, v0, v7;
	v6 =	vsel vm9, v6, v8;
	v7 =	vperm.xlane v42, v41;
	v8, v44, _ =	vpop (xrf1)  }
0x428: {  	(xrf1) =	vsort.ascd.msk.f32 $0xffff, v0, v6;
	vm10 =	vlt.f32 v9, v8  }
0x429: {  	v0 =	vsel vm10, v9, v8;
	v6 =	vsel vm10, v7, v44  }
0x42a: {  	(xrf1) =	vsort.ascd.msk.f32 $0xffff, v0, v6;
	_ =	sdelay $0x8  }
0x42b: {  	v0 =	vperm.xlane v4, v41  }
0x42c: {  	v2 =	vperm.xlane v2, v41  }
0x42d: {  	v4 =	vmov s12;
	vm11 =	vlt.f32 v0, v1  }
0x42e: {  	v8 =	vshll.u32 v4, $0xA;
	v4 =	vshll.u32 v4, $0x7;
	v2 =	vsel vm11, v2, v5;
	v6, v7, _ =	vpop (xrf1)  }
0x42f: {  	v5 =	vand.u32 $0x7F, v2;
	v2 =	vshll.u32 v2, $0x3;
	v6 =	vperm.xlane v6, v41  }
0x430: {  	v8 =	vand.u32 $0x6000, v8;
	v2 =	vand.u32 $0xFFFFFC00, v2;
	v7 =	vperm.xlane v7, v41;
	v45, v46, _ =	vpop (xrf1)  }
0x431: {  	v4 =	vand.u32 $0x380, v4;
	v2 =	vadd.s32 v8, v2;
	vm12 =	vlt.f32 v6, v45  }
0x432: {  	v2 =	vor.u32 v4, v2;
	v4 =	vsel vm12, v7, v46;
	v7 =	vmov s13  }
0x433: {  	v2 =	vor.u32 v5, v2;
	v5 =	vshll.u32 v4, $0x3;
	v8 =	vshll.u32 v7, $0xA  }
0x434: {  	v7 =	vshll.u32 v7, $0x7;
	v8 =	vand.u32 $0x6000, v8;
	v5 =	vand.u32 $0xFFFFFC00, v5  }
0x435: {  	v7 =	vand.u32 $0x380, v7;
	v5 =	vadd.s32 v8, v5  }
0x436: {  	v4 =	vand.u32 $0x7F, v4;
	v5 =	vor.u32 v7, v5  }
0x437: {  	v4 =	vor.u32 v4, v5  }
0x438: {  	v2 =	vld.idx.msk [tilespmem:v2+s7+$0x0], $0xffff;
	_ =	sdelay $0x2  }
0x439: {  	v0 =	vsel vm11, v0, v1  }
0x43a: {  	v0 =	vadd.f32 v0, v0;
	v1 =	vld.idx.msk [tilespmem:v4+s7+$0x0], $0xffff  }
0x43b: {  	v2 =	vadd.f32 v2, v2  }
0x43c: {  	v0 =	vadd.f32 $2.000000000e+00, v0  }
0x43d: {  	v2 =	vsub.f32 $2.000000000e+00, v2;
	v4 =	vsel vm12, v6, v45  }
0x43e: {  	v0 =	vmax.f32 v0, $0.0e+00;
	v4 =	vadd.f32 v4, v4  }
0x43f: {  	v0 =	vadd.f32 $9.999999960e-13, v0;
	v2 =	vmax.f32 v2, $0.0e+00;
	v1 =	vadd.f32 v1, v1  }
0x440: {  	v2 =	vadd.f32 $9.999999960e-13, v2;
	v4 =	vadd.f32 $2.000000000e+00, v4  }
0x441: {  	v5 =	vshrl.u32 v0, $0x1;
	v0 =	vmul.f32 $5.000000000e-01, v0;
	v1 =	vsub.f32 $2.000000000e+00, v1  }
0x442: {  	v5 =	vsub.s32 $0x5F3759DF, v5;
	v6 =	vshrl.u32 v2, $0x1;
	v4 =	vmax.f32 v4, $0.0e+00  }
0x443: {  	v2 =	vmul.f32 $5.000000000e-01, v2;
	v4 =	vadd.f32 $9.999999960e-13, v4;
	v1 =	vmax.f32 v1, $0.0e+00  }
0x444: {  	v7 =	vmul.f32 v5, v0;
	v6 =	vsub.s32 $0x5F3759DF, v6;
	v1 =	vadd.f32 $9.999999960e-13, v1  }
0x445: {  	v8 =	vmul.f32 v6, v2;
	v47 =	vshrl.u32 v4, $0x1;
	v4 =	vmul.f32 $5.000000000e-01, v4  }
0x446: {  	v9 =	vsub.s32 $0x5F3759DF, v47;
	v48 =	vshrl.u32 v1, $0x1;
	v1 =	vmul.f32 $5.000000000e-01, v1  }
0x447: {  	v7 =	vmul.f32 v5, v7;
	v49 =	vmul.f32 v9, v4;
	v10 =	vsub.s32 $0x5F3759DF, v48  }
0x448: {  	v8 =	vmul.f32 v6, v8;
	v12 =	vmul.f32 v10, v1  }
0x449: {  	v7 =	vsub.f32 $1.500000000e+00, v7;
	v11 =	vmul.f32 v9, v49  }
0x44a: {  	v8 =	vsub.f32 $1.500000000e+00, v8;
	v12 =	vmul.f32 v10, v12  }
0x44b: {  	v5 =	vmul.f32 v5, v7;
	v7 =	vsub.f32 $1.500000000e+00, v11  }
0x44c: {  	v6 =	vmul.f32 v6, v8;
	v8 =	vsub.f32 $1.500000000e+00, v12  }
0x44d: {  	v50 =	vmul.f32 v5, v0;
	v7 =	vmul.f32 v9, v7  }
0x44e: {  	v52 =	vmul.f32 v6, v2;
	v8 =	vmul.f32 v10, v8  }
0x44f: {  	v53 =	vmul.f32 v50, v5;
	v54 =	vmul.f32 v7, v4  }
0x450: {  	v9 =	vmul.f32 v52, v6;
	v12 =	vmul.f32 v8, v1  }
0x451: {  	v10 =	vsub.f32 $1.500000000e+00, v53;
	v11 =	vmul.f32 v54, v7  }
0x452: {  	v9 =	vsub.f32 $1.500000000e+00, v9;
	v12 =	vmul.f32 v12, v8  }
0x453: {  	v5 =	vmul.f32 v10, v5;
	v55 =	vsub.f32 $1.500000000e+00, v11  }
0x454: {  	v6 =	vmul.f32 v9, v6;
	v56 =	vsub.f32 $1.500000000e+00, v12  }
0x455: {  	v57 =	vmul.f32 v5, v0;
	v7 =	vmul.f32 v55, v7  }
0x456: {  	v58 =	vmul.f32 v6, v2;
	v8 =	vmul.f32 v56, v8  }
0x457: {  	v59 =	vmul.f32 v57, v5;
	v60 =	vmul.f32 v7, v4  }
0x458: {  	v10 =	vmul.f32 v58, v6;
	v12 =	vmul.f32 v8, v1  }
0x459: {  	v9 =	vsub.f32 $1.500000000e+00, v59;
	v11 =	vmul.f32 v60, v7  }
0x45a: {  	v10 =	vsub.f32 $1.500000000e+00, v10;
	v12 =	vmul.f32 v12, v8  }
0x45b: {  	v5 =	vmul.f32 v9, v5;
	v61 =	vsub.f32 $1.500000000e+00, v11  }
0x45c: {  	v62 =	vmul.f32 v51, v24;
	v6 =	vmul.f32 v10, v6;
	v63 =	vsub.f32 $1.500000000e+00, v12  }
0x45d: {  	v0 =	vmul.f32 v5, v0;
	v5 =	vmul.f32 v61, v7  }
0x45e: {  	v2 =	vmul.f32 v6, v2;
	v7 =	vsub.f32 v43, v62;
	v6 =	vmul.f32 v63, v8  }
0x45f: {  	v4 =	vmul.f32 v5, v4  }
0x460: {  	v0 =	vsub.f32 v0, v2;
	v2 =	vmul.f32 v7, v7;
	v1 =	vmul.f32 v6, v1;
	_ =	sdelay $0x1  }
0x461: {  	v2 =	vadd.f32 $-2.499999940e-03, v2;
	v0 =	vmul.f32 v0, v0;
	v1 =	vsub.f32 v4, v1;
	_ =	sdelay $0x1  }
0x462: {  	vm13 =	vgt.f32 v2, $0.0e+00;
	v0 =	vadd.f32 $-2.499999940e-03, v0;
	v1 =	vmul.f32 v1, v1  }
0x463: {  	v2 =	vnsel vm13, $0x0, v2  }
0x464: {  	v2 =	vadd.f32 v2, v3;
	vm14 =	vgt.f32 v0, $0.0e+00;
	v1 =	vadd.f32 $-2.499999940e-03, v1  }
0x465: {  	v0 =	vnsel vm14, $0x0, v0  }
0x466: {  	v0 =	vadd.f32 v0, v2;
	vm15 =	vgt.f32 v1, $0.0e+00  }
0x467: {  	v1 =	vnsel vm15, $0x0, v1  }
0x468: {  	v0 =	vadd.f32 v1, v0;
	_ =	sdelay $0x1  }
0x469: {  	[tilespmem:$0x10000] =	vst v0  }
0x46a: {  	[hbm4b:s5+s2] =	stream.linear.scatter [tilespmem:s10], [sflag:$0x2], $0x80, $0x38;
	[tilespmem:$0x10080] =	vst v63  }
0x46b: {  	_ =	swait.ge [sflag:s8], $0x80  }
0x46c: {  	v59 =	vld [tilespmem:$0x1FF40]  }
0x46d: {  	v46 =	vld [tilespmem:$0x1FF30]  }
0x46e: {  	v1 =	vld [tilespmem:$0x1FFF0]  }
0x46f: {  	v2 =	vld [tilespmem:$0x1FFE0]  }
0x470: {  	v49 =	vld [tilespmem:$0x1FEF0]  }
0x471: {  	v50 =	vld [tilespmem:$0x1FF00]  }
0x472: {  	v6 =	vld [tilespmem:$0x1FFA0]  }
0x473: {  	v48 =	vld [tilespmem:$0x1FF50]  }
0x474: {  	v58 =	vld [tilespmem:$0x1FF60]  }
0x475: {  	v54 =	vld [tilespmem:$0x1FF20]  }
0x476: {  	v55 =	vld [tilespmem:$0x1FF10]  }
0x477: {  	v45 =	vld [tilespmem:$0x1FF70]  }
0x478: {  	s11 =	sadd.s32 $0x1, s11;
	v52 =	vld [tilespmem:$0x1FFC0]  }
0x479: {  	p0 =	sne.s32 s11, s6;
	v53 =	vld [tilespmem:$0x1FFB0]  }
.Ltmp1:
0x47a: {  	v63 =	vld [tilespmem:$0x1FFD0];
	(pc) =	sbr.rel @p0 .LBB2_1-.Ltmp1, $4  }
0x47b: {  	v14 =	vld [tilespmem:$0x1FED0]  }
0x47c: {  	v51 =	vld [tilespmem:$0x1FF80]  }
0x47d: {  	[sflag:s8] =	ssyncset.done $0x0;
	v57 =	vld [tilespmem:$0x1FEE0]  }
0x47e: {  	v44 =	vlaneseq.u32;
	v62 =	vld [tilespmem:$0x1FF90];
	[sflag:s8] =	ssyncadd.s32 $0xFFFFFF80  }
0x47f: {  	_ =	sfence.sel $0x180000  }
0x480: {  	[bflag:$0x0] =	sbarrier.arrive $0xFFFF  }
0x481: {  	p0 =	sne.s32 s1, $0x0;
	_ =	strace $0x90000047  }
0x482: {  	s0 =	sadd.s32 @!p0 $0x100000, s0;
	[bflag:$0x2] =	sbarrier.arrive $0xFFFF  }
0x483: {  	[sflag:s0] =	ssyncadd.tile.s32 @!p0 $0x1;
	_ =	shalt  }
.Lfunc_end2:
_tile_overlayer_lowered:
.L_overlay_start_2:
0x484: {  	(tag) =	ssettag $0x2  }
0x485: {  	s0 =	rddreg [dreg:$0x0];
	s2 =	stileid.u32  }
0x486: {  	s1 =	rddreg [dreg:$0x1];
	p0 =	sne.s32 s2, $0x0  }
0x487: {  	s3 =	rddreg [dreg:$0x2];
	[bflag:$0x3] =	sbarrier.arrive $0xFFFF;
	s2 =	simm.s32 @!p0 $0x1C02  }
0x488: {  	[timem:s3], [sflag:s2] =	dma.local @!p0 [hbm:s0], s1  }
0x489: {  	s0 =	simm.s32 @!p0 $0x2  }
0x48a: {  	_ =	swait.ge @!p0 [sflag:s0], s1  }
0x48b: {  	s1 =	ssub.s32 @!p0 $0x0, s1;
	[sflag:s0] =	ssyncset.done @!p0 $0x0  }
0x48c: {  	[sflag:s0] =	ssyncadd.s32 @!p0 s1  }
0x48d: {  	[bflag:$0x3] =	sbarrier.arrive $0xFFFF  }
0x48e: {  	_ =	shalt  }

</sc_bundles>
